<compile_context>
chip_gen: v7x
topology: tpu7x:2x2x1
jax: 0.10.2.dev20260603
libtpu: 0.0.44.dev20260713+nightly
codegen_flags: <defaults>
</compile_context>

<pallas_src>
import functools

import jax
import jax.numpy as jnp
from jax import lax
from jax.experimental import pallas as pl
from jax.experimental.pallas import tpu as pltpu
from jax.experimental.pallas import tpu_sc as plsc

BATCH = 16384
K = 128
NW = 32
BPW = BATCH // NW
NCHUNK = 4
CHUNK = BPW // NCHUNK
GROUPS = CHUNK // 16
UNR = 16

_MESH = plsc.VectorSubcoreMesh(core_axis_name="c", subcore_axis_name="s")
_PARAMS = pltpu.CompilerParams(needs_layout_passes=False)


def _dots_body(user_hbm, item_hbm, gu_hbm, gi_hbm, mu_hbm, out_hbm,
               idx_u, idx_i, ru0, ru1, ri0, ri1, mu_v, out_v, sem0, sem1):
    c = lax.axis_index("c")
    s = lax.axis_index("s")
    wid = s * 2 + c
    base = wid * BPW

    pltpu.sync_copy(mu_hbm, mu_v)
    for ch in range(NCHUNK):
        pltpu.sync_copy(user_hbm.at[pl.ds(base + ch * CHUNK, CHUNK)],
                        idx_u.at[ch])
        pltpu.sync_copy(item_hbm.at[pl.ds(base + ch * CHUNK, CHUNK)],
                        idx_i.at[ch])
    mu = mu_v[...]

    rbufs = [(ru0, ri0, sem0), (ru1, ri1, sem1)]

    def fire(ch):
        ru, ri, sem = rbufs[ch % 2]
        return (pltpu.async_copy(gu_hbm.at[idx_u.at[ch]], ru, sem),
                pltpu.async_copy(gi_hbm.at[idx_i.at[ch]], ri, sem))

    pending = fire(0)
    for ch in range(NCHUNK):
        nxt = fire(ch + 1) if ch + 1 < NCHUNK else None
        pending[0].wait()
        pending[1].wait()
        ru, ri, _ = rbufs[ch % 2]

        def group_body(g, carry, ru=ru, ri=ri, ch=ch):
            lane = lax.iota(jnp.int32, 16)
            rid = g * 16 + lane

            def k_body(j, accs, rid=rid, ru=ru, ri=ri):
                accs = list(accs)
                cb = rid + j * UNR
                for t in range(UNR):
                    col = (cb + t) & (K - 1)
                    uu = plsc.load_gather(ru, [rid, col])
                    vv = plsc.load_gather(ri, [rid, col])
                    accs[t % 4] = accs[t % 4] + uu * vv
                return tuple(accs)

            z = jnp.zeros((16,), jnp.float32)
            accs = lax.fori_loop(0, K // UNR, k_body, (z, z, z, z))
            acc = (accs[0] + accs[1]) + (accs[2] + accs[3])
            out_v[pl.ds(ch * CHUNK + g * 16, 16)] = acc + mu
            return carry

        lax.fori_loop(0, GROUPS, group_body, 0)
        pending = nxt

    pltpu.sync_copy(out_v, out_hbm.at[pl.ds(base, BPW)])


_dots_sc = functools.partial(
    pl.kernel,
    out_type=jax.ShapeDtypeStruct((BATCH,), jnp.float32),
    mesh=_MESH,
    compiler_params=_PARAMS,
    scratch_types=[
        pltpu.VMEM((NCHUNK, CHUNK), jnp.int32),
        pltpu.VMEM((NCHUNK, CHUNK), jnp.int32),
        pltpu.VMEM((CHUNK, K), jnp.float32),
        pltpu.VMEM((CHUNK, K), jnp.float32),
        pltpu.VMEM((CHUNK, K), jnp.float32),
        pltpu.VMEM((CHUNK, K), jnp.float32),
        pltpu.VMEM((16,), jnp.float32),
        pltpu.VMEM((BPW,), jnp.float32),
        pltpu.SemaphoreType.DMA,
        pltpu.SemaphoreType.DMA,
    ],
)(_dots_body)


def _bias_add_body(user_hbm, item_hbm, dots_hbm, bu_hbm, bi_hbm, out_hbm,
                   idx_u, idx_i, d_v, bu_v, bi_v, sem, semb):
    c = lax.axis_index("c")
    s = lax.axis_index("s")
    wid = s * 2 + c
    base = wid * BPW

    dcp = pltpu.async_copy(dots_hbm.at[pl.ds(base, BPW)], d_v, sem)
    icps = []
    for ch in range(NCHUNK):
        icps.append(pltpu.async_copy(
            user_hbm.at[pl.ds(base + ch * CHUNK, CHUNK)], idx_u.at[ch], sem))
        icps.append(pltpu.async_copy(
            item_hbm.at[pl.ds(base + ch * CHUNK, CHUNK)], idx_i.at[ch], sem))
    for cp in icps:
        cp.wait()
    cps = [dcp]
    for ch in range(NCHUNK):
        cps.append(pltpu.async_copy(
            bu_hbm.at[idx_u.at[ch]], bu_v.at[pl.ds(ch * CHUNK, CHUNK)], semb))
        cps.append(pltpu.async_copy(
            bi_hbm.at[idx_i.at[ch]], bi_v.at[pl.ds(ch * CHUNK, CHUNK)], semb))
    for cp in cps:
        cp.wait()

    def body(g, carry):
        sl = pl.ds(g * 16, 16)
        d_v[sl] = d_v[sl] + bu_v[sl] + bi_v[sl]
        return carry

    lax.fori_loop(0, BPW // 16, body, 0)
    pltpu.sync_copy(d_v, out_hbm.at[pl.ds(base, BPW)])


_bias_add_sc = functools.partial(
    pl.kernel,
    out_type=jax.ShapeDtypeStruct((BATCH,), jnp.float32),
    mesh=_MESH,
    compiler_params=_PARAMS,
    scratch_types=[
        pltpu.VMEM((NCHUNK, CHUNK), jnp.int32),
        pltpu.VMEM((NCHUNK, CHUNK), jnp.int32),
        pltpu.VMEM((BPW,), jnp.float32),
        pltpu.VMEM((BPW,), jnp.float32),
        pltpu.VMEM((BPW,), jnp.float32),
        pltpu.SemaphoreType.DMA,
        pltpu.SemaphoreType.DMA,
    ],
)(_bias_add_body)


def kernel(user, item, Gu, Gi, Bu, Bi, Mu):
    ui = user.astype(jnp.int32)
    ii = item.astype(jnp.int32)
    mu16 = jnp.broadcast_to(jnp.reshape(Mu, (1,)), (16,))
    dots = _dots_sc(ui, ii, Gu, Gi, mu16)
    bu1d = jnp.squeeze(Bu, -1)
    bi1d = jnp.squeeze(Bi, -1)
    bu1d, bi1d, dots_b = jax.lax.optimization_barrier((bu1d, bi1d, dots))
    return _bias_add_sc(ui, ii, dots_b, bu1d, bi1d)

# --- scband reference (transcript-rebuilt; emitter-appended) ---
"""Pipeline reference for scband-mfmodel-12249246728544 (READ-ONLY COPY).

The authoritative reference and input builder live on the scoring server;
editing this copy changes nothing except your own understanding.
"""

import jax, jax.numpy as jnp
import numpy as np

NUM_USERS = 1000000
NUM_ITEMS = 100000
EMBED_K = 128
BATCH = 16384


def setup_inputs(seed: int = 0) -> dict:
    key = jax.random.key(seed)
    k1, k2, k3, k4, k5, k6, k7 = jax.random.split(key, 7)
    user = jax.random.randint(k1, (BATCH,), 0, NUM_USERS, dtype=jnp.int64 if jax.config.jax_enable_x64 else jnp.int32)
    item = jax.random.randint(k2, (BATCH,), 0, NUM_ITEMS, dtype=jnp.int64 if jax.config.jax_enable_x64 else jnp.int32)
    # xavier_normal for Embedding(num, dim): std = sqrt(2/(num+dim))
    Gu = jax.random.normal(k3, (NUM_USERS, EMBED_K), dtype=jnp.float32) * np.sqrt(2.0 / (NUM_USERS + EMBED_K))
    Gi = jax.random.normal(k4, (NUM_ITEMS, EMBED_K), dtype=jnp.float32) * np.sqrt(2.0 / (NUM_ITEMS + EMBED_K))
    Bu = jax.random.normal(k5, (NUM_USERS, 1), dtype=jnp.float32) * np.sqrt(2.0 / (NUM_USERS + 1))
    Bi = jax.random.normal(k6, (NUM_ITEMS, 1), dtype=jnp.float32) * np.sqrt(2.0 / (NUM_ITEMS + 1))
    Mu = jax.random.normal(k7, (1, 1), dtype=jnp.float32) * np.sqrt(2.0 / 2.0)
    return {"user": user, "item": item, "Gu": Gu, "Gi": Gi, "Bu": Bu, "Bi": Bi, "Mu": Mu}


def reference(user, item, Gu, Gi, Bu, Bi, Mu):
    gamma_u = jnp.take(Gu, user, axis=0)            # [B, K]
    gamma_i = jnp.take(Gi, item, axis=0)            # [B, K]
    beta_u = jnp.squeeze(jnp.take(Bu, user, axis=0), axis=-1)  # [B]
    beta_i = jnp.squeeze(jnp.take(Bi, item, axis=0), axis=-1)  # [B]
    mu = jnp.squeeze(Mu)
    rui = jnp.sum(gamma_u * gamma_i, axis=1) + beta_u + beta_i + mu
    return rui

if __name__ == "__main__":
    import jax
    _d = setup_inputs()
    print(jax.jit(kernel)(*tuple(_d.values())))

</pallas_src>

<mosaic_0001>
#map = affine_map<(d0, d1) -> (0)>
#map1 = affine_map<(d0, d1) -> (0, 0)>
module attributes {stable_mosaic.version = 14 : i64} {
  func.func @_dots_body(%arg0: i32, %arg1: i32, %arg2: memref<16384xi32, #tpu.memory_space<hbm>>, %arg3: memref<16384xi32, #tpu.memory_space<hbm>>, %arg4: memref<1000000x128xf32, #tpu.memory_space<hbm>>, %arg5: memref<100000x128xf32, #tpu.memory_space<hbm>>, %arg6: memref<16xf32, #tpu.memory_space<hbm>>, %arg7: memref<16384xf32, #tpu.memory_space<hbm>>, %arg8: memref<4x128xi32, #tpu.memory_space<vmem>>, %arg9: memref<4x128xi32, #tpu.memory_space<vmem>>, %arg10: memref<128x128xf32, #tpu.memory_space<vmem>>, %arg11: memref<128x128xf32, #tpu.memory_space<vmem>>, %arg12: memref<128x128xf32, #tpu.memory_space<vmem>>, %arg13: memref<128x128xf32, #tpu.memory_space<vmem>>, %arg14: memref<16xf32, #tpu.memory_space<vmem>>, %arg15: memref<512xf32, #tpu.memory_space<vmem>>, %arg16: memref<!tpu.dma_semaphore, #tpu.memory_space<semaphore_mem>>, %arg17: memref<!tpu.dma_semaphore, #tpu.memory_space<semaphore_mem>>) attributes {dimension_semantics = [#tpu.dimension_semantics<core_parallel>, #tpu.dimension_semantics<subcore_parallel>], iteration_bounds = array<i64: 2, 16>, scalar_prefetch = 0 : i64, scratch_operands = 10 : i64, tpu.core_type = #tpu.core_type<sc_vector_subcore>, window_params = [{transform_indices = #map}, {transform_indices = #map}, {transform_indices = #map1}, {transform_indices = #map1}, {transform_indices = #map}, {transform_indices = #map}]} {
    %mul3A = arith.constant 2 : i32
    %mul3A_0 = arith.muli %arg1, %mul3A : i32
    %add3A = arith.addi %mul3A_0, %arg0 : i32
    %mul3A_1 = arith.constant 512 : i32
    %mul3A_2 = arith.muli %add3A, %mul3A_1 : i32
    "tpu.region"() ({
      %run_scoped3A_160 = tpu.sem_alloc : memref<!tpu.dma_semaphore, #tpu.memory_space<semaphore_mem>>
      tpu.enqueue_dma source(%arg6 : memref<16xf32, #tpu.memory_space<hbm>>) target(%arg14 : memref<16xf32, #tpu.memory_space<vmem>>) target_semaphore(%run_scoped3A_160 : memref<!tpu.dma_semaphore, #tpu.memory_space<semaphore_mem>>)
      tpu.wait_dma2 semaphore(%run_scoped3A_160 : memref<!tpu.dma_semaphore, #tpu.memory_space<semaphore_mem>>) src(%arg6 : memref<16xf32, #tpu.memory_space<hbm>>) dst(%arg14 : memref<16xf32, #tpu.memory_space<vmem>>)
      tpu.yield
    }) : () -> ()
    %add3A_3 = arith.constant 0 : i32
    %add3A_4 = arith.addi %mul3A_2, %add3A_3 : i32
    %run_scoped3A = arith.constant 0 : i32
    "tpu.region"() ({
      %run_scoped3A_160 = tpu.sem_alloc : memref<!tpu.dma_semaphore, #tpu.memory_space<semaphore_mem>>
      %dma_start3A_161 = arith.constant 0 : i32
      %dma_start3A_162 = tpu.memref_slice %arg8[%run_scoped3A, %dma_start3A_161] : memref<4x128xi32, #tpu.memory_space<vmem>> -> memref<1x128xi32, #tpu.memory_space<vmem>>
      %dma_start3A_163 = tpu.memref_squeeze %dma_start3A_162 : memref<1x128xi32, #tpu.memory_space<vmem>> -> memref<128xi32, #tpu.memory_space<vmem>>
      %dma_start3A_164 = tpu.memref_slice %arg2[%add3A_4] : memref<16384xi32, #tpu.memory_space<hbm>> -> memref<128xi32, #tpu.memory_space<hbm>>
      %dma_start3A_165 = arith.constant 0 : i32
      %dma_start3A_166 = tpu.memref_slice %arg8[%run_scoped3A, %dma_start3A_165] : memref<4x128xi32, #tpu.memory_space<vmem>> -> memref<1x128xi32, #tpu.memory_space<vmem>>
      %dma_start3A_167 = tpu.memref_squeeze %dma_start3A_166 : memref<1x128xi32, #tpu.memory_space<vmem>> -> memref<128xi32, #tpu.memory_space<vmem>>
      %dma_start3A_168 = tpu.memref_slice %arg2[%add3A_4] : memref<16384xi32, #tpu.memory_space<hbm>> -> memref<128xi32, #tpu.memory_space<hbm>>
      tpu.enqueue_dma source(%dma_start3A_168 : memref<128xi32, #tpu.memory_space<hbm>>) target(%dma_start3A_167 : memref<128xi32, #tpu.memory_space<vmem>>) target_semaphore(%run_scoped3A_160 : memref<!tpu.dma_semaphore, #tpu.memory_space<semaphore_mem>>)
      %dma_wait3A_169 = arith.constant 0 : i32
      %dma_wait3A_170 = tpu.memref_slice %arg8[%run_scoped3A, %dma_wait3A_169] : memref<4x128xi32, #tpu.memory_space<vmem>> -> memref<1x128xi32, #tpu.memory_space<vmem>>
      %dma_wait3A_171 = tpu.memref_squeeze %dma_wait3A_170 : memref<1x128xi32, #tpu.memory_space<vmem>> -> memref<128xi32, #tpu.memory_space<vmem>>
      %dma_wait3A_172 = tpu.memref_slice %arg2[%add3A_4] : memref<16384xi32, #tpu.memory_space<hbm>> -> memref<128xi32, #tpu.memory_space<hbm>>
      %dma_wait3A_173 = arith.constant 0 : i32
      %dma_wait3A_174 = tpu.memref_slice %arg8[%run_scoped3A, %dma_wait3A_173] : memref<4x128xi32, #tpu.memory_space<vmem>> -> memref<1x128xi32, #tpu.memory_space<vmem>>
      %dma_wait3A_175 = tpu.memref_squeeze %dma_wait3A_174 : memref<1x128xi32, #tpu.memory_space<vmem>> -> memref<128xi32, #tpu.memory_space<vmem>>
      %dma_wait3A_176 = tpu.memref_slice %arg2[%add3A_4] : memref<16384xi32, #tpu.memory_space<hbm>> -> memref<128xi32, #tpu.memory_space<hbm>>
      tpu.wait_dma2 semaphore(%run_scoped3A_160 : memref<!tpu.dma_semaphore, #tpu.memory_space<semaphore_mem>>) src(%dma_wait3A_176 : memref<128xi32, #tpu.memory_space<hbm>>) dst(%dma_wait3A_175 : memref<128xi32, #tpu.memory_space<vmem>>)
      tpu.yield
    }) : () -> ()
    %add3A_5 = arith.constant 0 : i32
    %add3A_6 = arith.addi %mul3A_2, %add3A_5 : i32
    %run_scoped3A_7 = arith.constant 0 : i32
    "tpu.region"() ({
      %run_scoped3A_160 = tpu.sem_alloc : memref<!tpu.dma_semaphore, #tpu.memory_space<semaphore_mem>>
      %dma_start3A_161 = arith.constant 0 : i32
      %dma_start3A_162 = tpu.memref_slice %arg9[%run_scoped3A_7, %dma_start3A_161] : memref<4x128xi32, #tpu.memory_space<vmem>> -> memref<1x128xi32, #tpu.memory_space<vmem>>
      %dma_start3A_163 = tpu.memref_squeeze %dma_start3A_162 : memref<1x128xi32, #tpu.memory_space<vmem>> -> memref<128xi32, #tpu.memory_space<vmem>>
      %dma_start3A_164 = tpu.memref_slice %arg3[%add3A_6] : memref<16384xi32, #tpu.memory_space<hbm>> -> memref<128xi32, #tpu.memory_space<hbm>>
      %dma_start3A_165 = arith.constant 0 : i32
      %dma_start3A_166 = tpu.memref_slice %arg9[%run_scoped3A_7, %dma_start3A_165] : memref<4x128xi32, #tpu.memory_space<vmem>> -> memref<1x128xi32, #tpu.memory_space<vmem>>
      %dma_start3A_167 = tpu.memref_squeeze %dma_start3A_166 : memref<1x128xi32, #tpu.memory_space<vmem>> -> memref<128xi32, #tpu.memory_space<vmem>>
      %dma_start3A_168 = tpu.memref_slice %arg3[%add3A_6] : memref<16384xi32, #tpu.memory_space<hbm>> -> memref<128xi32, #tpu.memory_space<hbm>>
      tpu.enqueue_dma source(%dma_start3A_168 : memref<128xi32, #tpu.memory_space<hbm>>) target(%dma_start3A_167 : memref<128xi32, #tpu.memory_space<vmem>>) target_semaphore(%run_scoped3A_160 : memref<!tpu.dma_semaphore, #tpu.memory_space<semaphore_mem>>)
      %dma_wait3A_169 = arith.constant 0 : i32
      %dma_wait3A_170 = tpu.memref_slice %arg9[%run_scoped3A_7, %dma_wait3A_169] : memref<4x128xi32, #tpu.memory_space<vmem>> -> memref<1x128xi32, #tpu.memory_space<vmem>>
      %dma_wait3A_171 = tpu.memref_squeeze %dma_wait3A_170 : memref<1x128xi32, #tpu.memory_space<vmem>> -> memref<128xi32, #tpu.memory_space<vmem>>
      %dma_wait3A_172 = tpu.memref_slice %arg3[%add3A_6] : memref<16384xi32, #tpu.memory_space<hbm>> -> memref<128xi32, #tpu.memory_space<hbm>>
      %dma_wait3A_173 = arith.constant 0 : i32
      %dma_wait3A_174 = tpu.memref_slice %arg9[%run_scoped3A_7, %dma_wait3A_173] : memref<4x128xi32, #tpu.memory_space<vmem>> -> memref<1x128xi32, #tpu.memory_space<vmem>>
      %dma_wait3A_175 = tpu.memref_squeeze %dma_wait3A_174 : memref<1x128xi32, #tpu.memory_space<vmem>> -> memref<128xi32, #tpu.memory_space<vmem>>
      %dma_wait3A_176 = tpu.memref_slice %arg3[%add3A_6] : memref<16384xi32, #tpu.memory_space<hbm>> -> memref<128xi32, #tpu.memory_space<hbm>>
      tpu.wait_dma2 semaphore(%run_scoped3A_160 : memref<!tpu.dma_semaphore, #tpu.memory_space<semaphore_mem>>) src(%dma_wait3A_176 : memref<128xi32, #tpu.memory_space<hbm>>) dst(%dma_wait3A_175 : memref<128xi32, #tpu.memory_space<vmem>>)
      tpu.yield
    }) : () -> ()
    %add3A_8 = arith.constant 128 : i32
    %add3A_9 = arith.addi %mul3A_2, %add3A_8 : i32
    %run_scoped3A_10 = arith.constant 1 : i32
    "tpu.region"() ({
      %run_scoped3A_160 = tpu.sem_alloc : memref<!tpu.dma_semaphore, #tpu.memory_space<semaphore_mem>>
      %dma_start3A_161 = arith.constant 0 : i32
      %dma_start3A_162 = tpu.memref_slice %arg8[%run_scoped3A_10, %dma_start3A_161] : memref<4x128xi32, #tpu.memory_space<vmem>> -> memref<1x128xi32, #tpu.memory_space<vmem>>
      %dma_start3A_163 = tpu.memref_squeeze %dma_start3A_162 : memref<1x128xi32, #tpu.memory_space<vmem>> -> memref<128xi32, #tpu.memory_space<vmem>>
      %dma_start3A_164 = tpu.memref_slice %arg2[%add3A_9] : memref<16384xi32, #tpu.memory_space<hbm>> -> memref<128xi32, #tpu.memory_space<hbm>>
      %dma_start3A_165 = arith.constant 0 : i32
      %dma_start3A_166 = tpu.memref_slice %arg8[%run_scoped3A_10, %dma_start3A_165] : memref<4x128xi32, #tpu.memory_space<vmem>> -> memref<1x128xi32, #tpu.memory_space<vmem>>
      %dma_start3A_167 = tpu.memref_squeeze %dma_start3A_166 : memref<1x128xi32, #tpu.memory_space<vmem>> -> memref<128xi32, #tpu.memory_space<vmem>>
      %dma_start3A_168 = tpu.memref_slice %arg2[%add3A_9] : memref<16384xi32, #tpu.memory_space<hbm>> -> memref<128xi32, #tpu.memory_space<hbm>>
      tpu.enqueue_dma source(%dma_start3A_168 : memref<128xi32, #tpu.memory_space<hbm>>) target(%dma_start3A_167 : memref<128xi32, #tpu.memory_space<vmem>>) target_semaphore(%run_scoped3A_160 : memref<!tpu.dma_semaphore, #tpu.memory_space<semaphore_mem>>)
      %dma_wait3A_169 = arith.constant 0 : i32
      %dma_wait3A_170 = tpu.memref_slice %arg8[%run_scoped3A_10, %dma_wait3A_169] : memref<4x128xi32, #tpu.memory_space<vmem>> -> memref<1x128xi32, #tpu.memory_space<vmem>>
      %dma_wait3A_171 = tpu.memref_squeeze %dma_wait3A_170 : memref<1x128xi32, #tpu.memory_space<vmem>> -> memref<128xi32, #tpu.memory_space<vmem>>
      %dma_wait3A_172 = tpu.memref_slice %arg2[%add3A_9] : memref<16384xi32, #tpu.memory_space<hbm>> -> memref<128xi32, #tpu.memory_space<hbm>>
      %dma_wait3A_173 = arith.constant 0 : i32
      %dma_wait3A_174 = tpu.memref_slice %arg8[%run_scoped3A_10, %dma_wait3A_173] : memref<4x128xi32, #tpu.memory_space<vmem>> -> memref<1x128xi32, #tpu.memory_space<vmem>>
      %dma_wait3A_175 = tpu.memref_squeeze %dma_wait3A_174 : memref<1x128xi32, #tpu.memory_space<vmem>> -> memref<128xi32, #tpu.memory_space<vmem>>
      %dma_wait3A_176 = tpu.memref_slice %arg2[%add3A_9] : memref<16384xi32, #tpu.memory_space<hbm>> -> memref<128xi32, #tpu.memory_space<hbm>>
      tpu.wait_dma2 semaphore(%run_scoped3A_160 : memref<!tpu.dma_semaphore, #tpu.memory_space<semaphore_mem>>) src(%dma_wait3A_176 : memref<128xi32, #tpu.memory_space<hbm>>) dst(%dma_wait3A_175 : memref<128xi32, #tpu.memory_space<vmem>>)
      tpu.yield
    }) : () -> ()
    %add3A_11 = arith.constant 128 : i32
    %add3A_12 = arith.addi %mul3A_2, %add3A_11 : i32
    %run_scoped3A_13 = arith.constant 1 : i32
    "tpu.region"() ({
      %run_scoped3A_160 = tpu.sem_alloc : memref<!tpu.dma_semaphore, #tpu.memory_space<semaphore_mem>>
      %dma_start3A_161 = arith.constant 0 : i32
      %dma_start3A_162 = tpu.memref_slice %arg9[%run_scoped3A_13, %dma_start3A_161] : memref<4x128xi32, #tpu.memory_space<vmem>> -> memref<1x128xi32, #tpu.memory_space<vmem>>
      %dma_start3A_163 = tpu.memref_squeeze %dma_start3A_162 : memref<1x128xi32, #tpu.memory_space<vmem>> -> memref<128xi32, #tpu.memory_space<vmem>>
      %dma_start3A_164 = tpu.memref_slice %arg3[%add3A_12] : memref<16384xi32, #tpu.memory_space<hbm>> -> memref<128xi32, #tpu.memory_space<hbm>>
      %dma_start3A_165 = arith.constant 0 : i32
      %dma_start3A_166 = tpu.memref_slice %arg9[%run_scoped3A_13, %dma_start3A_165] : memref<4x128xi32, #tpu.memory_space<vmem>> -> memref<1x128xi32, #tpu.memory_space<vmem>>
      %dma_start3A_167 = tpu.memref_squeeze %dma_start3A_166 : memref<1x128xi32, #tpu.memory_space<vmem>> -> memref<128xi32, #tpu.memory_space<vmem>>
      %dma_start3A_168 = tpu.memref_slice %arg3[%add3A_12] : memref<16384xi32, #tpu.memory_space<hbm>> -> memref<128xi32, #tpu.memory_space<hbm>>
      tpu.enqueue_dma source(%dma_start3A_168 : memref<128xi32, #tpu.memory_space<hbm>>) target(%dma_start3A_167 : memref<128xi32, #tpu.memory_space<vmem>>) target_semaphore(%run_scoped3A_160 : memref<!tpu.dma_semaphore, #tpu.memory_space<semaphore_mem>>)
      %dma_wait3A_169 = arith.constant 0 : i32
      %dma_wait3A_170 = tpu.memref_slice %arg9[%run_scoped3A_13, %dma_wait3A_169] : memref<4x128xi32, #tpu.memory_space<vmem>> -> memref<1x128xi32, #tpu.memory_space<vmem>>
      %dma_wait3A_171 = tpu.memref_squeeze %dma_wait3A_170 : memref<1x128xi32, #tpu.memory_space<vmem>> -> memref<128xi32, #tpu.memory_space<vmem>>
      %dma_wait3A_172 = tpu.memref_slice %arg3[%add3A_12] : memref<16384xi32, #tpu.memory_space<hbm>> -> memref<128xi32, #tpu.memory_space<hbm>>
      %dma_wait3A_173 = arith.constant 0 : i32
      %dma_wait3A_174 = tpu.memref_slice %arg9[%run_scoped3A_13, %dma_wait3A_173] : memref<4x128xi32, #tpu.memory_space<vmem>> -> memref<1x128xi32, #tpu.memory_space<vmem>>
      %dma_wait3A_175 = tpu.memref_squeeze %dma_wait3A_174 : memref<1x128xi32, #tpu.memory_space<vmem>> -> memref<128xi32, #tpu.memory_space<vmem>>
      %dma_wait3A_176 = tpu.memref_slice %arg3[%add3A_12] : memref<16384xi32, #tpu.memory_space<hbm>> -> memref<128xi32, #tpu.memory_space<hbm>>
      tpu.wait_dma2 semaphore(%run_scoped3A_160 : memref<!tpu.dma_semaphore, #tpu.memory_space<semaphore_mem>>) src(%dma_wait3A_176 : memref<128xi32, #tpu.memory_space<hbm>>) dst(%dma_wait3A_175 : memref<128xi32, #tpu.memory_space<vmem>>)
      tpu.yield
    }) : () -> ()
    %add3A_14 = arith.constant 256 : i32
    %add3A_15 = arith.addi %mul3A_2, %add3A_14 : i32
    %run_scoped3A_16 = arith.constant 2 : i32
    "tpu.region"() ({
      %run_scoped3A_160 = tpu.sem_alloc : memref<!tpu.dma_semaphore, #tpu.memory_space<semaphore_mem>>
      %dma_start3A_161 = arith.constant 0 : i32
      %dma_start3A_162 = tpu.memref_slice %arg8[%run_scoped3A_16, %dma_start3A_161] : memref<4x128xi32, #tpu.memory_space<vmem>> -> memref<1x128xi32, #tpu.memory_space<vmem>>
      %dma_start3A_163 = tpu.memref_squeeze %dma_start3A_162 : memref<1x128xi32, #tpu.memory_space<vmem>> -> memref<128xi32, #tpu.memory_space<vmem>>
      %dma_start3A_164 = tpu.memref_slice %arg2[%add3A_15] : memref<16384xi32, #tpu.memory_space<hbm>> -> memref<128xi32, #tpu.memory_space<hbm>>
      %dma_start3A_165 = arith.constant 0 : i32
      %dma_start3A_166 = tpu.memref_slice %arg8[%run_scoped3A_16, %dma_start3A_165] : memref<4x128xi32, #tpu.memory_space<vmem>> -> memref<1x128xi32, #tpu.memory_space<vmem>>
      %dma_start3A_167 = tpu.memref_squeeze %dma_start3A_166 : memref<1x128xi32, #tpu.memory_space<vmem>> -> memref<128xi32, #tpu.memory_space<vmem>>
      %dma_start3A_168 = tpu.memref_slice %arg2[%add3A_15] : memref<16384xi32, #tpu.memory_space<hbm>> -> memref<128xi32, #tpu.memory_space<hbm>>
      tpu.enqueue_dma source(%dma_start3A_168 : memref<128xi32, #tpu.memory_space<hbm>>) target(%dma_start3A_167 : memref<128xi32, #tpu.memory_space<vmem>>) target_semaphore(%run_scoped3A_160 : memref<!tpu.dma_semaphore, #tpu.memory_space<semaphore_mem>>)
      %dma_wait3A_169 = arith.constant 0 : i32
      %dma_wait3A_170 = tpu.memref_slice %arg8[%run_scoped3A_16, %dma_wait3A_169] : memref<4x128xi32, #tpu.memory_space<vmem>> -> memref<1x128xi32, #tpu.memory_space<vmem>>
      %dma_wait3A_171 = tpu.memref_squeeze %dma_wait3A_170 : memref<1x128xi32, #tpu.memory_space<vmem>> -> memref<128xi32, #tpu.memory_space<vmem>>
      %dma_wait3A_172 = tpu.memref_slice %arg2[%add3A_15] : memref<16384xi32, #tpu.memory_space<hbm>> -> memref<128xi32, #tpu.memory_space<hbm>>
      %dma_wait3A_173 = arith.constant 0 : i32
      %dma_wait3A_174 = tpu.memref_slice %arg8[%run_scoped3A_16, %dma_wait3A_173] : memref<4x128xi32, #tpu.memory_space<vmem>> -> memref<1x128xi32, #tpu.memory_space<vmem>>
      %dma_wait3A_175 = tpu.memref_squeeze %dma_wait3A_174 : memref<1x128xi32, #tpu.memory_space<vmem>> -> memref<128xi32, #tpu.memory_space<vmem>>
      %dma_wait3A_176 = tpu.memref_slice %arg2[%add3A_15] : memref<16384xi32, #tpu.memory_space<hbm>> -> memref<128xi32, #tpu.memory_space<hbm>>
      tpu.wait_dma2 semaphore(%run_scoped3A_160 : memref<!tpu.dma_semaphore, #tpu.memory_space<semaphore_mem>>) src(%dma_wait3A_176 : memref<128xi32, #tpu.memory_space<hbm>>) dst(%dma_wait3A_175 : memref<128xi32, #tpu.memory_space<vmem>>)
      tpu.yield
    }) : () -> ()
    %add3A_17 = arith.constant 256 : i32
    %add3A_18 = arith.addi %mul3A_2, %add3A_17 : i32
    %run_scoped3A_19 = arith.constant 2 : i32
    "tpu.region"() ({
      %run_scoped3A_160 = tpu.sem_alloc : memref<!tpu.dma_semaphore, #tpu.memory_space<semaphore_mem>>
      %dma_start3A_161 = arith.constant 0 : i32
      %dma_start3A_162 = tpu.memref_slice %arg9[%run_scoped3A_19, %dma_start3A_161] : memref<4x128xi32, #tpu.memory_space<vmem>> -> memref<1x128xi32, #tpu.memory_space<vmem>>
      %dma_start3A_163 = tpu.memref_squeeze %dma_start3A_162 : memref<1x128xi32, #tpu.memory_space<vmem>> -> memref<128xi32, #tpu.memory_space<vmem>>
      %dma_start3A_164 = tpu.memref_slice %arg3[%add3A_18] : memref<16384xi32, #tpu.memory_space<hbm>> -> memref<128xi32, #tpu.memory_space<hbm>>
      %dma_start3A_165 = arith.constant 0 : i32
      %dma_start3A_166 = tpu.memref_slice %arg9[%run_scoped3A_19, %dma_start3A_165] : memref<4x128xi32, #tpu.memory_space<vmem>> -> memref<1x128xi32, #tpu.memory_space<vmem>>
      %dma_start3A_167 = tpu.memref_squeeze %dma_start3A_166 : memref<1x128xi32, #tpu.memory_space<vmem>> -> memref<128xi32, #tpu.memory_space<vmem>>
      %dma_start3A_168 = tpu.memref_slice %arg3[%add3A_18] : memref<16384xi32, #tpu.memory_space<hbm>> -> memref<128xi32, #tpu.memory_space<hbm>>
      tpu.enqueue_dma source(%dma_start3A_168 : memref<128xi32, #tpu.memory_space<hbm>>) target(%dma_start3A_167 : memref<128xi32, #tpu.memory_space<vmem>>) target_semaphore(%run_scoped3A_160 : memref<!tpu.dma_semaphore, #tpu.memory_space<semaphore_mem>>)
      %dma_wait3A_169 = arith.constant 0 : i32
      %dma_wait3A_170 = tpu.memref_slice %arg9[%run_scoped3A_19, %dma_wait3A_169] : memref<4x128xi32, #tpu.memory_space<vmem>> -> memref<1x128xi32, #tpu.memory_space<vmem>>
      %dma_wait3A_171 = tpu.memref_squeeze %dma_wait3A_170 : memref<1x128xi32, #tpu.memory_space<vmem>> -> memref<128xi32, #tpu.memory_space<vmem>>
      %dma_wait3A_172 = tpu.memref_slice %arg3[%add3A_18] : memref<16384xi32, #tpu.memory_space<hbm>> -> memref<128xi32, #tpu.memory_space<hbm>>
      %dma_wait3A_173 = arith.constant 0 : i32
      %dma_wait3A_174 = tpu.memref_slice %arg9[%run_scoped3A_19, %dma_wait3A_173] : memref<4x128xi32, #tpu.memory_space<vmem>> -> memref<1x128xi32, #tpu.memory_space<vmem>>
      %dma_wait3A_175 = tpu.memref_squeeze %dma_wait3A_174 : memref<1x128xi32, #tpu.memory_space<vmem>> -> memref<128xi32, #tpu.memory_space<vmem>>
      %dma_wait3A_176 = tpu.memref_slice %arg3[%add3A_18] : memref<16384xi32, #tpu.memory_space<hbm>> -> memref<128xi32, #tpu.memory_space<hbm>>
      tpu.wait_dma2 semaphore(%run_scoped3A_160 : memref<!tpu.dma_semaphore, #tpu.memory_space<semaphore_mem>>) src(%dma_wait3A_176 : memref<128xi32, #tpu.memory_space<hbm>>) dst(%dma_wait3A_175 : memref<128xi32, #tpu.memory_space<vmem>>)
      tpu.yield
    }) : () -> ()
    %add3A_20 = arith.constant 384 : i32
    %add3A_21 = arith.addi %mul3A_2, %add3A_20 : i32
    %run_scoped3A_22 = arith.constant 3 : i32
    "tpu.region"() ({
      %run_scoped3A_160 = tpu.sem_alloc : memref<!tpu.dma_semaphore, #tpu.memory_space<semaphore_mem>>
      %dma_start3A_161 = arith.constant 0 : i32
      %dma_start3A_162 = tpu.memref_slice %arg8[%run_scoped3A_22, %dma_start3A_161] : memref<4x128xi32, #tpu.memory_space<vmem>> -> memref<1x128xi32, #tpu.memory_space<vmem>>
      %dma_start3A_163 = tpu.memref_squeeze %dma_start3A_162 : memref<1x128xi32, #tpu.memory_space<vmem>> -> memref<128xi32, #tpu.memory_space<vmem>>
      %dma_start3A_164 = tpu.memref_slice %arg2[%add3A_21] : memref<16384xi32, #tpu.memory_space<hbm>> -> memref<128xi32, #tpu.memory_space<hbm>>
      %dma_start3A_165 = arith.constant 0 : i32
      %dma_start3A_166 = tpu.memref_slice %arg8[%run_scoped3A_22, %dma_start3A_165] : memref<4x128xi32, #tpu.memory_space<vmem>> -> memref<1x128xi32, #tpu.memory_space<vmem>>
      %dma_start3A_167 = tpu.memref_squeeze %dma_start3A_166 : memref<1x128xi32, #tpu.memory_space<vmem>> -> memref<128xi32, #tpu.memory_space<vmem>>
      %dma_start3A_168 = tpu.memref_slice %arg2[%add3A_21] : memref<16384xi32, #tpu.memory_space<hbm>> -> memref<128xi32, #tpu.memory_space<hbm>>
      tpu.enqueue_dma source(%dma_start3A_168 : memref<128xi32, #tpu.memory_space<hbm>>) target(%dma_start3A_167 : memref<128xi32, #tpu.memory_space<vmem>>) target_semaphore(%run_scoped3A_160 : memref<!tpu.dma_semaphore, #tpu.memory_space<semaphore_mem>>)
      %dma_wait3A_169 = arith.constant 0 : i32
      %dma_wait3A_170 = tpu.memref_slice %arg8[%run_scoped3A_22, %dma_wait3A_169] : memref<4x128xi32, #tpu.memory_space<vmem>> -> memref<1x128xi32, #tpu.memory_space<vmem>>
      %dma_wait3A_171 = tpu.memref_squeeze %dma_wait3A_170 : memref<1x128xi32, #tpu.memory_space<vmem>> -> memref<128xi32, #tpu.memory_space<vmem>>
      %dma_wait3A_172 = tpu.memref_slice %arg2[%add3A_21] : memref<16384xi32, #tpu.memory_space<hbm>> -> memref<128xi32, #tpu.memory_space<hbm>>
      %dma_wait3A_173 = arith.constant 0 : i32
      %dma_wait3A_174 = tpu.memref_slice %arg8[%run_scoped3A_22, %dma_wait3A_173] : memref<4x128xi32, #tpu.memory_space<vmem>> -> memref<1x128xi32, #tpu.memory_space<vmem>>
      %dma_wait3A_175 = tpu.memref_squeeze %dma_wait3A_174 : memref<1x128xi32, #tpu.memory_space<vmem>> -> memref<128xi32, #tpu.memory_space<vmem>>
      %dma_wait3A_176 = tpu.memref_slice %arg2[%add3A_21] : memref<16384xi32, #tpu.memory_space<hbm>> -> memref<128xi32, #tpu.memory_space<hbm>>
      tpu.wait_dma2 semaphore(%run_scoped3A_160 : memref<!tpu.dma_semaphore, #tpu.memory_space<semaphore_mem>>) src(%dma_wait3A_176 : memref<128xi32, #tpu.memory_space<hbm>>) dst(%dma_wait3A_175 : memref<128xi32, #tpu.memory_space<vmem>>)
      tpu.yield
    }) : () -> ()
    %add3A_23 = arith.constant 384 : i32
    %add3A_24 = arith.addi %mul3A_2, %add3A_23 : i32
    %run_scoped3A_25 = arith.constant 3 : i32
    "tpu.region"() ({
      %run_scoped3A_160 = tpu.sem_alloc : memref<!tpu.dma_semaphore, #tpu.memory_space<semaphore_mem>>
      %dma_start3A_161 = arith.constant 0 : i32
      %dma_start3A_162 = tpu.memref_slice %arg9[%run_scoped3A_25, %dma_start3A_161] : memref<4x128xi32, #tpu.memory_space<vmem>> -> memref<1x128xi32, #tpu.memory_space<vmem>>
      %dma_start3A_163 = tpu.memref_squeeze %dma_start3A_162 : memref<1x128xi32, #tpu.memory_space<vmem>> -> memref<128xi32, #tpu.memory_space<vmem>>
      %dma_start3A_164 = tpu.memref_slice %arg3[%add3A_24] : memref<16384xi32, #tpu.memory_space<hbm>> -> memref<128xi32, #tpu.memory_space<hbm>>
      %dma_start3A_165 = arith.constant 0 : i32
      %dma_start3A_166 = tpu.memref_slice %arg9[%run_scoped3A_25, %dma_start3A_165] : memref<4x128xi32, #tpu.memory_space<vmem>> -> memref<1x128xi32, #tpu.memory_space<vmem>>
      %dma_start3A_167 = tpu.memref_squeeze %dma_start3A_166 : memref<1x128xi32, #tpu.memory_space<vmem>> -> memref<128xi32, #tpu.memory_space<vmem>>
      %dma_start3A_168 = tpu.memref_slice %arg3[%add3A_24] : memref<16384xi32, #tpu.memory_space<hbm>> -> memref<128xi32, #tpu.memory_space<hbm>>
      tpu.enqueue_dma source(%dma_start3A_168 : memref<128xi32, #tpu.memory_space<hbm>>) target(%dma_start3A_167 : memref<128xi32, #tpu.memory_space<vmem>>) target_semaphore(%run_scoped3A_160 : memref<!tpu.dma_semaphore, #tpu.memory_space<semaphore_mem>>)
      %dma_wait3A_169 = arith.constant 0 : i32
      %dma_wait3A_170 = tpu.memref_slice %arg9[%run_scoped3A_25, %dma_wait3A_169] : memref<4x128xi32, #tpu.memory_space<vmem>> -> memref<1x128xi32, #tpu.memory_space<vmem>>
      %dma_wait3A_171 = tpu.memref_squeeze %dma_wait3A_170 : memref<1x128xi32, #tpu.memory_space<vmem>> -> memref<128xi32, #tpu.memory_space<vmem>>
      %dma_wait3A_172 = tpu.memref_slice %arg3[%add3A_24] : memref<16384xi32, #tpu.memory_space<hbm>> -> memref<128xi32, #tpu.memory_space<hbm>>
      %dma_wait3A_173 = arith.constant 0 : i32
      %dma_wait3A_174 = tpu.memref_slice %arg9[%run_scoped3A_25, %dma_wait3A_173] : memref<4x128xi32, #tpu.memory_space<vmem>> -> memref<1x128xi32, #tpu.memory_space<vmem>>
      %dma_wait3A_175 = tpu.memref_squeeze %dma_wait3A_174 : memref<1x128xi32, #tpu.memory_space<vmem>> -> memref<128xi32, #tpu.memory_space<vmem>>
      %dma_wait3A_176 = tpu.memref_slice %arg3[%add3A_24] : memref<16384xi32, #tpu.memory_space<hbm>> -> memref<128xi32, #tpu.memory_space<hbm>>
      tpu.wait_dma2 semaphore(%run_scoped3A_160 : memref<!tpu.dma_semaphore, #tpu.memory_space<semaphore_mem>>) src(%dma_wait3A_176 : memref<128xi32, #tpu.memory_space<hbm>>) dst(%dma_wait3A_175 : memref<128xi32, #tpu.memory_space<vmem>>)
      tpu.yield
    }) : () -> ()
    %get3A = arith.constant 0 : index
    %get3A_26 = tpu.vector_load %arg14[%get3A] {strides = array<i32>} : memref<16xf32, #tpu.memory_space<vmem>>, vector<16xf32>,
    %dma_start3A = arith.constant 0 : i32
    %dma_start3A_27 = arith.constant 0 : i32
    %dma_start3A_28 = tpu.memref_slice %arg8[%dma_start3A, %dma_start3A_27] : memref<4x128xi32, #tpu.memory_space<vmem>> -> memref<1x128xi32, #tpu.memory_space<vmem>>
    %dma_start3A_29 = tpu.memref_squeeze %dma_start3A_28 : memref<1x128xi32, #tpu.memory_space<vmem>> -> memref<128xi32, #tpu.memory_space<vmem>>
    %dma_start3A_30 = arith.constant 0 : i32
    %dma_start3A_31 = arith.constant 0 : i32
    %dma_start3A_32 = tpu.memref_slice %arg4[%dma_start3A_30, %dma_start3A_31] : memref<1000000x128xf32, #tpu.memory_space<hbm>> -> memref<1000000x128xf32, #tpu.memory_space<hbm>>
    tpu.enqueue_indirect_dma source(%dma_start3A_32 : memref<1000000x128xf32, #tpu.memory_space<hbm>>) target(%arg10 : memref<128x128xf32, #tpu.memory_space<vmem>>) offsets(%dma_start3A_29 : memref<128xi32, #tpu.memory_space<vmem>>) semaphore(%arg16 : memref<!tpu.dma_semaphore, #tpu.memory_space<semaphore_mem>>)
    %dma_start3A_33 = arith.constant 0 : i32
    %dma_start3A_34 = arith.constant 0 : i32
    %dma_start3A_35 = tpu.memref_slice %arg9[%dma_start3A_33, %dma_start3A_34] : memref<4x128xi32, #tpu.memory_space<vmem>> -> memref<1x128xi32, #tpu.memory_space<vmem>>
    %dma_start3A_36 = tpu.memref_squeeze %dma_start3A_35 : memref<1x128xi32, #tpu.memory_space<vmem>> -> memref<128xi32, #tpu.memory_space<vmem>>
    %dma_start3A_37 = arith.constant 0 : i32
    %dma_start3A_38 = arith.constant 0 : i32
    %dma_start3A_39 = tpu.memref_slice %arg5[%dma_start3A_37, %dma_start3A_38] : memref<100000x128xf32, #tpu.memory_space<hbm>> -> memref<100000x128xf32, #tpu.memory_space<hbm>>
    tpu.enqueue_indirect_dma source(%dma_start3A_39 : memref<100000x128xf32, #tpu.memory_space<hbm>>) target(%arg12 : memref<128x128xf32, #tpu.memory_space<vmem>>) offsets(%dma_start3A_36 : memref<128xi32, #tpu.memory_space<vmem>>) semaphore(%arg16 : memref<!tpu.dma_semaphore, #tpu.memory_space<semaphore_mem>>)
    %dma_start3A_40 = arith.constant 1 : i32
    %dma_start3A_41 = arith.constant 0 : i32
    %dma_start3A_42 = tpu.memref_slice %arg8[%dma_start3A_40, %dma_start3A_41] : memref<4x128xi32, #tpu.memory_space<vmem>> -> memref<1x128xi32, #tpu.memory_space<vmem>>
    %dma_start3A_43 = tpu.memref_squeeze %dma_start3A_42 : memref<1x128xi32, #tpu.memory_space<vmem>> -> memref<128xi32, #tpu.memory_space<vmem>>
    %dma_start3A_44 = arith.constant 0 : i32
    %dma_start3A_45 = arith.constant 0 : i32
    %dma_start3A_46 = tpu.memref_slice %arg4[%dma_start3A_44, %dma_start3A_45] : memref<1000000x128xf32, #tpu.memory_space<hbm>> -> memref<1000000x128xf32, #tpu.memory_space<hbm>>
    tpu.enqueue_indirect_dma source(%dma_start3A_46 : memref<1000000x128xf32, #tpu.memory_space<hbm>>) target(%arg11 : memref<128x128xf32, #tpu.memory_space<vmem>>) offsets(%dma_start3A_43 : memref<128xi32, #tpu.memory_space<vmem>>) semaphore(%arg17 : memref<!tpu.dma_semaphore, #tpu.memory_space<semaphore_mem>>)
    %dma_start3A_47 = arith.constant 1 : i32
    %dma_start3A_48 = arith.constant 0 : i32
    %dma_start3A_49 = tpu.memref_slice %arg9[%dma_start3A_47, %dma_start3A_48] : memref<4x128xi32, #tpu.memory_space<vmem>> -> memref<1x128xi32, #tpu.memory_space<vmem>>
    %dma_start3A_50 = tpu.memref_squeeze %dma_start3A_49 : memref<1x128xi32, #tpu.memory_space<vmem>> -> memref<128xi32, #tpu.memory_space<vmem>>
    %dma_start3A_51 = arith.constant 0 : i32
    %dma_start3A_52 = arith.constant 0 : i32
    %dma_start3A_53 = tpu.memref_slice %arg5[%dma_start3A_51, %dma_start3A_52] : memref<100000x128xf32, #tpu.memory_space<hbm>> -> memref<100000x128xf32, #tpu.memory_space<hbm>>
    tpu.enqueue_indirect_dma source(%dma_start3A_53 : memref<100000x128xf32, #tpu.memory_space<hbm>>) target(%arg13 : memref<128x128xf32, #tpu.memory_space<vmem>>) offsets(%dma_start3A_50 : memref<128xi32, #tpu.memory_space<vmem>>) semaphore(%arg17 : memref<!tpu.dma_semaphore, #tpu.memory_space<semaphore_mem>>)
    %dma_wait3A = arith.constant 0 : i32
    %dma_wait3A_54 = arith.constant 0 : i32
    %dma_wait3A_55 = tpu.memref_slice %arg8[%dma_wait3A, %dma_wait3A_54] : memref<4x128xi32, #tpu.memory_space<vmem>> -> memref<1x128xi32, #tpu.memory_space<vmem>>
    %dma_wait3A_56 = tpu.memref_squeeze %dma_wait3A_55 : memref<1x128xi32, #tpu.memory_space<vmem>> -> memref<128xi32, #tpu.memory_space<vmem>>
    %dma_wait3A_57 = arith.constant 0 : i32
    %dma_wait3A_58 = arith.constant 0 : i32
    %dma_wait3A_59 = tpu.memref_slice %arg4[%dma_wait3A_57, %dma_wait3A_58] : memref<1000000x128xf32, #tpu.memory_space<hbm>> -> memref<1000000x128xf32, #tpu.memory_space<hbm>>
    tpu.wait_indirect_dma semaphore(%arg16 : memref<!tpu.dma_semaphore, #tpu.memory_space<semaphore_mem>>) src(%dma_wait3A_59 : memref<1000000x128xf32, #tpu.memory_space<hbm>>) dst(%arg10 : memref<128x128xf32, #tpu.memory_space<vmem>>)
    %dma_wait3A_60 = arith.constant 0 : i32
    %dma_wait3A_61 = arith.constant 0 : i32
    %dma_wait3A_62 = tpu.memref_slice %arg9[%dma_wait3A_60, %dma_wait3A_61] : memref<4x128xi32, #tpu.memory_space<vmem>> -> memref<1x128xi32, #tpu.memory_space<vmem>>
    %dma_wait3A_63 = tpu.memref_squeeze %dma_wait3A_62 : memref<1x128xi32, #tpu.memory_space<vmem>> -> memref<128xi32, #tpu.memory_space<vmem>>
    %dma_wait3A_64 = arith.constant 0 : i32
    %dma_wait3A_65 = arith.constant 0 : i32
    %dma_wait3A_66 = tpu.memref_slice %arg5[%dma_wait3A_64, %dma_wait3A_65] : memref<100000x128xf32, #tpu.memory_space<hbm>> -> memref<100000x128xf32, #tpu.memory_space<hbm>>
    tpu.wait_indirect_dma semaphore(%arg16 : memref<!tpu.dma_semaphore, #tpu.memory_space<semaphore_mem>>) src(%dma_wait3A_66 : memref<100000x128xf32, #tpu.memory_space<hbm>>) dst(%arg12 : memref<128x128xf32, #tpu.memory_space<vmem>>)
    %scan3A = arith.constant 0 : i32
    %scan3A_67 = arith.constant 0 : i32
    %scan3A_68 = arith.constant 8 : i32
    %scan3A_69 = arith.addi %scan3A_67, %scan3A_68 : i32
    %scan3A_70 = arith.constant 1 : i32
    scf.for %scan3A_160 = %scan3A_67 to %scan3A_69 step %scan3A_70  : i32 {
      %iota3A = tpu.iota {dimensions = array<i32: 0>} : vector<16xi32>
      %mul3A_161 = arith.constant 16 : i32
      %mul3A_162 = arith.muli %scan3A_160, %mul3A_161 : i32
      %add3A_163 = vector.broadcast %mul3A_162 : i32 to vector<16xi32>
      %add3A_164 = arith.addi %add3A_163, %iota3A : vector<16xi32>
      %broadcast_in_dim3A = arith.constant 0.000000e+00 : f32
      %broadcast_in_dim3A_165 = vector.broadcast %broadcast_in_dim3A : f32 to vector<16xf32>
      %scan3A_166 = arith.constant 0 : i32
      %scan3A_167 = arith.constant 8 : i32
      %scan3A_168 = arith.addi %scan3A_166, %scan3A_167 : i32
      %scan3A_169 = arith.constant 1 : i32
      %scan3A_170:4 = scf.for %scan3A_181 = %scan3A_166 to %scan3A_168 step %scan3A_169 iter_args(%scan3A_182 = %broadcast_in_dim3A_165, %scan3A_183 = %broadcast_in_dim3A_165, %scan3A_184 = %broadcast_in_dim3A_165, %scan3A_185 = %broadcast_in_dim3A_165) -> (vector<16xf32>, vector<16xf32>, vector<16xf32>, vector<16xf32>)  : i32 {
        %mul3A_186 = arith.constant 16 : i32
        %mul3A_187 = arith.muli %scan3A_181, %mul3A_186 : i32
        %add3A_188 = vector.broadcast %mul3A_187 : i32 to vector<16xi32>
        %add3A_189 = arith.addi %add3A_164, %add3A_188 : vector<16xi32>
        %add3A_190 = arith.constant 0 : i32
        %add3A_191 = vector.broadcast %add3A_190 : i32 to vector<16xi32>
        %add3A_192 = arith.addi %add3A_189, %add3A_191 : vector<16xi32>
        %and3A = arith.constant 127 : i32
        %and3A_193 = vector.broadcast %and3A : i32 to vector<16xi32>
        %and3A_194 = arith.andi %add3A_192, %and3A_193 : vector<16xi32>
        %gather3A = tpu.vector_load_idx %arg10[%add3A_164, %and3A_194] : memref<128x128xf32, #tpu.memory_space<vmem>>[vector<16xi32>, vector<16xi32>], vector<16xf32>,
        %gather3A_195 = tpu.vector_load_idx %arg12[%add3A_164, %and3A_194] : memref<128x128xf32, #tpu.memory_space<vmem>>[vector<16xi32>, vector<16xi32>], vector<16xf32>,
        %mul3A_196 = arith.mulf %gather3A, %gather3A_195 : vector<16xf32>
        %add3A_197 = arith.addf %scan3A_182, %mul3A_196 : vector<16xf32>
        %add3A_198 = arith.constant 1 : i32
        %add3A_199 = vector.broadcast %add3A_198 : i32 to vector<16xi32>
        %add3A_200 = arith.addi %add3A_189, %add3A_199 : vector<16xi32>
        %and3A_201 = arith.constant 127 : i32
        %and3A_202 = vector.broadcast %and3A_201 : i32 to vector<16xi32>
        %and3A_203 = arith.andi %add3A_200, %and3A_202 : vector<16xi32>
        %gather3A_204 = tpu.vector_load_idx %arg10[%add3A_164, %and3A_203] : memref<128x128xf32, #tpu.memory_space<vmem>>[vector<16xi32>, vector<16xi32>], vector<16xf32>,
        %gather3A_205 = tpu.vector_load_idx %arg12[%add3A_164, %and3A_203] : memref<128x128xf32, #tpu.memory_space<vmem>>[vector<16xi32>, vector<16xi32>], vector<16xf32>,
        %mul3A_206 = arith.mulf %gather3A_204, %gather3A_205 : vector<16xf32>
        %add3A_207 = arith.addf %scan3A_183, %mul3A_206 : vector<16xf32>
        %add3A_208 = arith.constant 2 : i32
        %add3A_209 = vector.broadcast %add3A_208 : i32 to vector<16xi32>
        %add3A_210 = arith.addi %add3A_189, %add3A_209 : vector<16xi32>
        %and3A_211 = arith.constant 127 : i32
        %and3A_212 = vector.broadcast %and3A_211 : i32 to vector<16xi32>
        %and3A_213 = arith.andi %add3A_210, %and3A_212 : vector<16xi32>
        %gather3A_214 = tpu.vector_load_idx %arg10[%add3A_164, %and3A_213] : memref<128x128xf32, #tpu.memory_space<vmem>>[vector<16xi32>, vector<16xi32>], vector<16xf32>,
        %gather3A_215 = tpu.vector_load_idx %arg12[%add3A_164, %and3A_213] : memref<128x128xf32, #tpu.memory_space<vmem>>[vector<16xi32>, vector<16xi32>], vector<16xf32>,
        %mul3A_216 = arith.mulf %gather3A_214, %gather3A_215 : vector<16xf32>
        %add3A_217 = arith.addf %scan3A_184, %mul3A_216 : vector<16xf32>
        %add3A_218 = arith.constant 3 : i32
        %add3A_219 = vector.broadcast %add3A_218 : i32 to vector<16xi32>
        %add3A_220 = arith.addi %add3A_189, %add3A_219 : vector<16xi32>
        %and3A_221 = arith.constant 127 : i32
        %and3A_222 = vector.broadcast %and3A_221 : i32 to vector<16xi32>
        %and3A_223 = arith.andi %add3A_220, %and3A_222 : vector<16xi32>
        %gather3A_224 = tpu.vector_load_idx %arg10[%add3A_164, %and3A_223] : memref<128x128xf32, #tpu.memory_space<vmem>>[vector<16xi32>, vector<16xi32>], vector<16xf32>,
        %gather3A_225 = tpu.vector_load_idx %arg12[%add3A_164, %and3A_223] : memref<128x128xf32, #tpu.memory_space<vmem>>[vector<16xi32>, vector<16xi32>], vector<16xf32>,
        %mul3A_226 = arith.mulf %gather3A_224, %gather3A_225 : vector<16xf32>
        %add3A_227 = arith.addf %scan3A_185, %mul3A_226 : vector<16xf32>
        %add3A_228 = arith.constant 4 : i32
        %add3A_229 = vector.broadcast %add3A_228 : i32 to vector<16xi32>
        %add3A_230 = arith.addi %add3A_189, %add3A_229 : vector<16xi32>
        %and3A_231 = arith.constant 127 : i32
        %and3A_232 = vector.broadcast %and3A_231 : i32 to vector<16xi32>
        %and3A_233 = arith.andi %add3A_230, %and3A_232 : vector<16xi32>
        %gather3A_234 = tpu.vector_load_idx %arg10[%add3A_164, %and3A_233] : memref<128x128xf32, #tpu.memory_space<vmem>>[vector<16xi32>, vector<16xi32>], vector<16xf32>,
        %gather3A_235 = tpu.vector_load_idx %arg12[%add3A_164, %and3A_233] : memref<128x128xf32, #tpu.memory_space<vmem>>[vector<16xi32>, vector<16xi32>], vector<16xf32>,
        %mul3A_236 = arith.mulf %gather3A_234, %gather3A_235 : vector<16xf32>
        %add3A_237 = arith.addf %add3A_197, %mul3A_236 : vector<16xf32>
        %add3A_238 = arith.constant 5 : i32
        %add3A_239 = vector.broadcast %add3A_238 : i32 to vector<16xi32>
        %add3A_240 = arith.addi %add3A_189, %add3A_239 : vector<16xi32>
        %and3A_241 = arith.constant 127 : i32
        %and3A_242 = vector.broadcast %and3A_241 : i32 to vector<16xi32>
        %and3A_243 = arith.andi %add3A_240, %and3A_242 : vector<16xi32>
        %gather3A_244 = tpu.vector_load_idx %arg10[%add3A_164, %and3A_243] : memref<128x128xf32, #tpu.memory_space<vmem>>[vector<16xi32>, vector<16xi32>], vector<16xf32>,
        %gather3A_245 = tpu.vector_load_idx %arg12[%add3A_164, %and3A_243] : memref<128x128xf32, #tpu.memory_space<vmem>>[vector<16xi32>, vector<16xi32>], vector<16xf32>,
        %mul3A_246 = arith.mulf %gather3A_244, %gather3A_245 : vector<16xf32>
        %add3A_247 = arith.addf %add3A_207, %mul3A_246 : vector<16xf32>
        %add3A_248 = arith.constant 6 : i32
        %add3A_249 = vector.broadcast %add3A_248 : i32 to vector<16xi32>
        %add3A_250 = arith.addi %add3A_189, %add3A_249 : vector<16xi32>
        %and3A_251 = arith.constant 127 : i32
        %and3A_252 = vector.broadcast %and3A_251 : i32 to vector<16xi32>
        %and3A_253 = arith.andi %add3A_250, %and3A_252 : vector<16xi32>
        %gather3A_254 = tpu.vector_load_idx %arg10[%add3A_164, %and3A_253] : memref<128x128xf32, #tpu.memory_space<vmem>>[vector<16xi32>, vector<16xi32>], vector<16xf32>,
        %gather3A_255 = tpu.vector_load_idx %arg12[%add3A_164, %and3A_253] : memref<128x128xf32, #tpu.memory_space<vmem>>[vector<16xi32>, vector<16xi32>], vector<16xf32>,
        %mul3A_256 = arith.mulf %gather3A_254, %gather3A_255 : vector<16xf32>
        %add3A_257 = arith.addf %add3A_217, %mul3A_256 : vector<16xf32>
        %add3A_258 = arith.constant 7 : i32
        %add3A_259 = vector.broadcast %add3A_258 : i32 to vector<16xi32>
        %add3A_260 = arith.addi %add3A_189, %add3A_259 : vector<16xi32>
        %and3A_261 = arith.constant 127 : i32
        %and3A_262 = vector.broadcast %and3A_261 : i32 to vector<16xi32>
        %and3A_263 = arith.andi %add3A_260, %and3A_262 : vector<16xi32>
        %gather3A_264 = tpu.vector_load_idx %arg10[%add3A_164, %and3A_263] : memref<128x128xf32, #tpu.memory_space<vmem>>[vector<16xi32>, vector<16xi32>], vector<16xf32>,
        %gather3A_265 = tpu.vector_load_idx %arg12[%add3A_164, %and3A_263] : memref<128x128xf32, #tpu.memory_space<vmem>>[vector<16xi32>, vector<16xi32>], vector<16xf32>,
        %mul3A_266 = arith.mulf %gather3A_264, %gather3A_265 : vector<16xf32>
        %add3A_267 = arith.addf %add3A_227, %mul3A_266 : vector<16xf32>
        %add3A_268 = arith.constant 8 : i32
        %add3A_269 = vector.broadcast %add3A_268 : i32 to vector<16xi32>
        %add3A_270 = arith.addi %add3A_189, %add3A_269 : vector<16xi32>
        %and3A_271 = arith.constant 127 : i32
        %and3A_272 = vector.broadcast %and3A_271 : i32 to vector<16xi32>
        %and3A_273 = arith.andi %add3A_270, %and3A_272 : vector<16xi32>
        %gather3A_274 = tpu.vector_load_idx %arg10[%add3A_164, %and3A_273] : memref<128x128xf32, #tpu.memory_space<vmem>>[vector<16xi32>, vector<16xi32>], vector<16xf32>,
        %gather3A_275 = tpu.vector_load_idx %arg12[%add3A_164, %and3A_273] : memref<128x128xf32, #tpu.memory_space<vmem>>[vector<16xi32>, vector<16xi32>], vector<16xf32>,
        %mul3A_276 = arith.mulf %gather3A_274, %gather3A_275 : vector<16xf32>
        %add3A_277 = arith.addf %add3A_237, %mul3A_276 : vector<16xf32>
        %add3A_278 = arith.constant 9 : i32
        %add3A_279 = vector.broadcast %add3A_278 : i32 to vector<16xi32>
        %add3A_280 = arith.addi %add3A_189, %add3A_279 : vector<16xi32>
        %and3A_281 = arith.constant 127 : i32
        %and3A_282 = vector.broadcast %and3A_281 : i32 to vector<16xi32>
        %and3A_283 = arith.andi %add3A_280, %and3A_282 : vector<16xi32>
        %gather3A_284 = tpu.vector_load_idx %arg10[%add3A_164, %and3A_283] : memref<128x128xf32, #tpu.memory_space<vmem>>[vector<16xi32>, vector<16xi32>], vector<16xf32>,
        %gather3A_285 = tpu.vector_load_idx %arg12[%add3A_164, %and3A_283] : memref<128x128xf32, #tpu.memory_space<vmem>>[vector<16xi32>, vector<16xi32>], vector<16xf32>,
        %mul3A_286 = arith.mulf %gather3A_284, %gather3A_285 : vector<16xf32>
        %add3A_287 = arith.addf %add3A_247, %mul3A_286 : vector<16xf32>
        %add3A_288 = arith.constant 10 : i32
        %add3A_289 = vector.broadcast %add3A_288 : i32 to vector<16xi32>
        %add3A_290 = arith.addi %add3A_189, %add3A_289 : vector<16xi32>
        %and3A_291 = arith.constant 127 : i32
        %and3A_292 = vector.broadcast %and3A_291 : i32 to vector<16xi32>
        %and3A_293 = arith.andi %add3A_290, %and3A_292 : vector<16xi32>
        %gather3A_294 = tpu.vector_load_idx %arg10[%add3A_164, %and3A_293] : memref<128x128xf32, #tpu.memory_space<vmem>>[vector<16xi32>, vector<16xi32>], vector<16xf32>,
        %gather3A_295 = tpu.vector_load_idx %arg12[%add3A_164, %and3A_293] : memref<128x128xf32, #tpu.memory_space<vmem>>[vector<16xi32>, vector<16xi32>], vector<16xf32>,
        %mul3A_296 = arith.mulf %gather3A_294, %gather3A_295 : vector<16xf32>
        %add3A_297 = arith.addf %add3A_257, %mul3A_296 : vector<16xf32>
        %add3A_298 = arith.constant 11 : i32
        %add3A_299 = vector.broadcast %add3A_298 : i32 to vector<16xi32>
        %add3A_300 = arith.addi %add3A_189, %add3A_299 : vector<16xi32>
        %and3A_301 = arith.constant 127 : i32
        %and3A_302 = vector.broadcast %and3A_301 : i32 to vector<16xi32>
        %and3A_303 = arith.andi %add3A_300, %and3A_302 : vector<16xi32>
        %gather3A_304 = tpu.vector_load_idx %arg10[%add3A_164, %and3A_303] : memref<128x128xf32, #tpu.memory_space<vmem>>[vector<16xi32>, vector<16xi32>], vector<16xf32>,
        %gather3A_305 = tpu.vector_load_idx %arg12[%add3A_164, %and3A_303] : memref<128x128xf32, #tpu.memory_space<vmem>>[vector<16xi32>, vector<16xi32>], vector<16xf32>,
        %mul3A_306 = arith.mulf %gather3A_304, %gather3A_305 : vector<16xf32>
        %add3A_307 = arith.addf %add3A_267, %mul3A_306 : vector<16xf32>
        %add3A_308 = arith.constant 12 : i32
        %add3A_309 = vector.broadcast %add3A_308 : i32 to vector<16xi32>
        %add3A_310 = arith.addi %add3A_189, %add3A_309 : vector<16xi32>
        %and3A_311 = arith.constant 127 : i32
        %and3A_312 = vector.broadcast %and3A_311 : i32 to vector<16xi32>
        %and3A_313 = arith.andi %add3A_310, %and3A_312 : vector<16xi32>
        %gather3A_314 = tpu.vector_load_idx %arg10[%add3A_164, %and3A_313] : memref<128x128xf32, #tpu.memory_space<vmem>>[vector<16xi32>, vector<16xi32>], vector<16xf32>,
        %gather3A_315 = tpu.vector_load_idx %arg12[%add3A_164, %and3A_313] : memref<128x128xf32, #tpu.memory_space<vmem>>[vector<16xi32>, vector<16xi32>], vector<16xf32>,
        %mul3A_316 = arith.mulf %gather3A_314, %gather3A_315 : vector<16xf32>
        %add3A_317 = arith.addf %add3A_277, %mul3A_316 : vector<16xf32>
        %add3A_318 = arith.constant 13 : i32
        %add3A_319 = vector.broadcast %add3A_318 : i32 to vector<16xi32>
        %add3A_320 = arith.addi %add3A_189, %add3A_319 : vector<16xi32>
        %and3A_321 = arith.constant 127 : i32
        %and3A_322 = vector.broadcast %and3A_321 : i32 to vector<16xi32>
        %and3A_323 = arith.andi %add3A_320, %and3A_322 : vector<16xi32>
        %gather3A_324 = tpu.vector_load_idx %arg10[%add3A_164, %and3A_323] : memref<128x128xf32, #tpu.memory_space<vmem>>[vector<16xi32>, vector<16xi32>], vector<16xf32>,
        %gather3A_325 = tpu.vector_load_idx %arg12[%add3A_164, %and3A_323] : memref<128x128xf32, #tpu.memory_space<vmem>>[vector<16xi32>, vector<16xi32>], vector<16xf32>,
        %mul3A_326 = arith.mulf %gather3A_324, %gather3A_325 : vector<16xf32>
        %add3A_327 = arith.addf %add3A_287, %mul3A_326 : vector<16xf32>
        %add3A_328 = arith.constant 14 : i32
        %add3A_329 = vector.broadcast %add3A_328 : i32 to vector<16xi32>
        %add3A_330 = arith.addi %add3A_189, %add3A_329 : vector<16xi32>
        %and3A_331 = arith.constant 127 : i32
        %and3A_332 = vector.broadcast %and3A_331 : i32 to vector<16xi32>
        %and3A_333 = arith.andi %add3A_330, %and3A_332 : vector<16xi32>
        %gather3A_334 = tpu.vector_load_idx %arg10[%add3A_164, %and3A_333] : memref<128x128xf32, #tpu.memory_space<vmem>>[vector<16xi32>, vector<16xi32>], vector<16xf32>,
        %gather3A_335 = tpu.vector_load_idx %arg12[%add3A_164, %and3A_333] : memref<128x128xf32, #tpu.memory_space<vmem>>[vector<16xi32>, vector<16xi32>], vector<16xf32>,
        %mul3A_336 = arith.mulf %gather3A_334, %gather3A_335 : vector<16xf32>
        %add3A_337 = arith.addf %add3A_297, %mul3A_336 : vector<16xf32>
        %add3A_338 = arith.constant 15 : i32
        %add3A_339 = vector.broadcast %add3A_338 : i32 to vector<16xi32>
        %add3A_340 = arith.addi %add3A_189, %add3A_339 : vector<16xi32>
        %and3A_341 = arith.constant 127 : i32
        %and3A_342 = vector.broadcast %and3A_341 : i32 to vector<16xi32>
        %and3A_343 = arith.andi %add3A_340, %and3A_342 : vector<16xi32>
        %gather3A_344 = tpu.vector_load_idx %arg10[%add3A_164, %and3A_343] : memref<128x128xf32, #tpu.memory_space<vmem>>[vector<16xi32>, vector<16xi32>], vector<16xf32>,
        %gather3A_345 = tpu.vector_load_idx %arg12[%add3A_164, %and3A_343] : memref<128x128xf32, #tpu.memory_space<vmem>>[vector<16xi32>, vector<16xi32>], vector<16xf32>,
        %mul3A_346 = arith.mulf %gather3A_344, %gather3A_345 : vector<16xf32>
        %add3A_347 = arith.addf %add3A_307, %mul3A_346 : vector<16xf32>
        scf.yield %add3A_317, %add3A_327, %add3A_337, %add3A_347 : vector<16xf32>, vector<16xf32>, vector<16xf32>, vector<16xf32>
      }
      %scan3A_171 = arith.constant 8 : i32
      %add3A_172 = arith.addf %scan3A_170#0, %scan3A_170#1 : vector<16xf32>
      %add3A_173 = arith.addf %scan3A_170#2, %scan3A_170#3 : vector<16xf32>
      %add3A_174 = arith.addf %add3A_172, %add3A_173 : vector<16xf32>
      %add3A_175 = arith.addf %add3A_174, %get3A_26 : vector<16xf32>
      %mul3A_176 = arith.constant 16 : i32
      %mul3A_177 = arith.muli %scan3A_160, %mul3A_176 : i32
      %add3A_178 = arith.constant 0 : i32
      %add3A_179 = arith.addi %add3A_178, %mul3A_177 : i32
      %swap3A = arith.index_cast %add3A_179 : i32 to index
      %swap3A_180 = tpu.vector_load %arg15[%swap3A] {strides = array<i32>} : memref<512xf32, #tpu.memory_space<vmem>>, vector<16xf32>,
      tpu.vector_store %arg15[%swap3A], %add3A_175 {strides = array<i32>} : memref<512xf32, #tpu.memory_space<vmem>>, vector<16xf32>,
    }
    %scan3A_71 = arith.constant 8 : i32
    %dma_start3A_72 = arith.constant 2 : i32
    %dma_start3A_73 = arith.constant 0 : i32
    %dma_start3A_74 = tpu.memref_slice %arg8[%dma_start3A_72, %dma_start3A_73] : memref<4x128xi32, #tpu.memory_space<vmem>> -> memref<1x128xi32, #tpu.memory_space<vmem>>
    %dma_start3A_75 = tpu.memref_squeeze %dma_start3A_74 : memref<1x128xi32, #tpu.memory_space<vmem>> -> memref<128xi32, #tpu.memory_space<vmem>>
    %dma_start3A_76 = arith.constant 0 : i32
    %dma_start3A_77 = arith.constant 0 : i32
    %dma_start3A_78 = tpu.memref_slice %arg4[%dma_start3A_76, %dma_start3A_77] : memref<1000000x128xf32, #tpu.memory_space<hbm>> -> memref<1000000x128xf32, #tpu.memory_space<hbm>>
    tpu.enqueue_indirect_dma source(%dma_start3A_78 : memref<1000000x128xf32, #tpu.memory_space<hbm>>) target(%arg10 : memref<128x128xf32, #tpu.memory_space<vmem>>) offsets(%dma_start3A_75 : memref<128xi32, #tpu.memory_space<vmem>>) semaphore(%arg16 : memref<!tpu.dma_semaphore, #tpu.memory_space<semaphore_mem>>)
    %dma_start3A_79 = arith.constant 2 : i32
    %dma_start3A_80 = arith.constant 0 : i32
    %dma_start3A_81 = tpu.memref_slice %arg9[%dma_start3A_79, %dma_start3A_80] : memref<4x128xi32, #tpu.memory_space<vmem>> -> memref<1x128xi32, #tpu.memory_space<vmem>>
    %dma_start3A_82 = tpu.memref_squeeze %dma_start3A_81 : memref<1x128xi32, #tpu.memory_space<vmem>> -> memref<128xi32, #tpu.memory_space<vmem>>
    %dma_start3A_83 = arith.constant 0 : i32
    %dma_start3A_84 = arith.constant 0 : i32
    %dma_start3A_85 = tpu.memref_slice %arg5[%dma_start3A_83, %dma_start3A_84] : memref<100000x128xf32, #tpu.memory_space<hbm>> -> memref<100000x128xf32, #tpu.memory_space<hbm>>
    tpu.enqueue_indirect_dma source(%dma_start3A_85 : memref<100000x128xf32, #tpu.memory_space<hbm>>) target(%arg12 : memref<128x128xf32, #tpu.memory_space<vmem>>) offsets(%dma_start3A_82 : memref<128xi32, #tpu.memory_space<vmem>>) semaphore(%arg16 : memref<!tpu.dma_semaphore, #tpu.memory_space<semaphore_mem>>)
    %dma_wait3A_86 = arith.constant 1 : i32
    %dma_wait3A_87 = arith.constant 0 : i32
    %dma_wait3A_88 = tpu.memref_slice %arg8[%dma_wait3A_86, %dma_wait3A_87] : memref<4x128xi32, #tpu.memory_space<vmem>> -> memref<1x128xi32, #tpu.memory_space<vmem>>
    %dma_wait3A_89 = tpu.memref_squeeze %dma_wait3A_88 : memref<1x128xi32, #tpu.memory_space<vmem>> -> memref<128xi32, #tpu.memory_space<vmem>>
    %dma_wait3A_90 = arith.constant 0 : i32
    %dma_wait3A_91 = arith.constant 0 : i32
    %dma_wait3A_92 = tpu.memref_slice %arg4[%dma_wait3A_90, %dma_wait3A_91] : memref<1000000x128xf32, #tpu.memory_space<hbm>> -> memref<1000000x128xf32, #tpu.memory_space<hbm>>
    tpu.wait_indirect_dma semaphore(%arg17 : memref<!tpu.dma_semaphore, #tpu.memory_space<semaphore_mem>>) src(%dma_wait3A_92 : memref<1000000x128xf32, #tpu.memory_space<hbm>>) dst(%arg11 : memref<128x128xf32, #tpu.memory_space<vmem>>)
    %dma_wait3A_93 = arith.constant 1 : i32
    %dma_wait3A_94 = arith.constant 0 : i32
    %dma_wait3A_95 = tpu.memref_slice %arg9[%dma_wait3A_93, %dma_wait3A_94] : memref<4x128xi32, #tpu.memory_space<vmem>> -> memref<1x128xi32, #tpu.memory_space<vmem>>
    %dma_wait3A_96 = tpu.memref_squeeze %dma_wait3A_95 : memref<1x128xi32, #tpu.memory_space<vmem>> -> memref<128xi32, #tpu.memory_space<vmem>>
    %dma_wait3A_97 = arith.constant 0 : i32
    %dma_wait3A_98 = arith.constant 0 : i32
    %dma_wait3A_99 = tpu.memref_slice %arg5[%dma_wait3A_97, %dma_wait3A_98] : memref<100000x128xf32, #tpu.memory_space<hbm>> -> memref<100000x128xf32, #tpu.memory_space<hbm>>
    tpu.wait_indirect_dma semaphore(%arg17 : memref<!tpu.dma_semaphore, #tpu.memory_space<semaphore_mem>>) src(%dma_wait3A_99 : memref<100000x128xf32, #tpu.memory_space<hbm>>) dst(%arg13 : memref<128x128xf32, #tpu.memory_space<vmem>>)
    %scan3A_100 = arith.constant 0 : i32
    %scan3A_101 = arith.constant 0 : i32
    %scan3A_102 = arith.constant 8 : i32
    %scan3A_103 = arith.addi %scan3A_101, %scan3A_102 : i32
    %scan3A_104 = arith.constant 1 : i32
    scf.for %scan3A_160 = %scan3A_101 to %scan3A_103 step %scan3A_104  : i32 {
      %iota3A = tpu.iota {dimensions = array<i32: 0>} : vector<16xi32>
      %mul3A_161 = arith.constant 16 : i32
      %mul3A_162 = arith.muli %scan3A_160, %mul3A_161 : i32
      %add3A_163 = vector.broadcast %mul3A_162 : i32 to vector<16xi32>
      %add3A_164 = arith.addi %add3A_163, %iota3A : vector<16xi32>
      %broadcast_in_dim3A = arith.constant 0.000000e+00 : f32
      %broadcast_in_dim3A_165 = vector.broadcast %broadcast_in_dim3A : f32 to vector<16xf32>
      %scan3A_166 = arith.constant 0 : i32
      %scan3A_167 = arith.constant 8 : i32
      %scan3A_168 = arith.addi %scan3A_166, %scan3A_167 : i32
      %scan3A_169 = arith.constant 1 : i32
      %scan3A_170:4 = scf.for %scan3A_181 = %scan3A_166 to %scan3A_168 step %scan3A_169 iter_args(%scan3A_182 = %broadcast_in_dim3A_165, %scan3A_183 = %broadcast_in_dim3A_165, %scan3A_184 = %broadcast_in_dim3A_165, %scan3A_185 = %broadcast_in_dim3A_165) -> (vector<16xf32>, vector<16xf32>, vector<16xf32>, vector<16xf32>)  : i32 {
        %mul3A_186 = arith.constant 16 : i32
        %mul3A_187 = arith.muli %scan3A_181, %mul3A_186 : i32
        %add3A_188 = vector.broadcast %mul3A_187 : i32 to vector<16xi32>
        %add3A_189 = arith.addi %add3A_164, %add3A_188 : vector<16xi32>
        %add3A_190 = arith.constant 0 : i32
        %add3A_191 = vector.broadcast %add3A_190 : i32 to vector<16xi32>
        %add3A_192 = arith.addi %add3A_189, %add3A_191 : vector<16xi32>
        %and3A = arith.constant 127 : i32
        %and3A_193 = vector.broadcast %and3A : i32 to vector<16xi32>
        %and3A_194 = arith.andi %add3A_192, %and3A_193 : vector<16xi32>
        %gather3A = tpu.vector_load_idx %arg11[%add3A_164, %and3A_194] : memref<128x128xf32, #tpu.memory_space<vmem>>[vector<16xi32>, vector<16xi32>], vector<16xf32>,
        %gather3A_195 = tpu.vector_load_idx %arg13[%add3A_164, %and3A_194] : memref<128x128xf32, #tpu.memory_space<vmem>>[vector<16xi32>, vector<16xi32>], vector<16xf32>,
        %mul3A_196 = arith.mulf %gather3A, %gather3A_195 : vector<16xf32>
        %add3A_197 = arith.addf %scan3A_182, %mul3A_196 : vector<16xf32>
        %add3A_198 = arith.constant 1 : i32
        %add3A_199 = vector.broadcast %add3A_198 : i32 to vector<16xi32>
        %add3A_200 = arith.addi %add3A_189, %add3A_199 : vector<16xi32>
        %and3A_201 = arith.constant 127 : i32
        %and3A_202 = vector.broadcast %and3A_201 : i32 to vector<16xi32>
        %and3A_203 = arith.andi %add3A_200, %and3A_202 : vector<16xi32>
        %gather3A_204 = tpu.vector_load_idx %arg11[%add3A_164, %and3A_203] : memref<128x128xf32, #tpu.memory_space<vmem>>[vector<16xi32>, vector<16xi32>], vector<16xf32>,
        %gather3A_205 = tpu.vector_load_idx %arg13[%add3A_164, %and3A_203] : memref<128x128xf32, #tpu.memory_space<vmem>>[vector<16xi32>, vector<16xi32>], vector<16xf32>,
        %mul3A_206 = arith.mulf %gather3A_204, %gather3A_205 : vector<16xf32>
        %add3A_207 = arith.addf %scan3A_183, %mul3A_206 : vector<16xf32>
        %add3A_208 = arith.constant 2 : i32
        %add3A_209 = vector.broadcast %add3A_208 : i32 to vector<16xi32>
        %add3A_210 = arith.addi %add3A_189, %add3A_209 : vector<16xi32>
        %and3A_211 = arith.constant 127 : i32
        %and3A_212 = vector.broadcast %and3A_211 : i32 to vector<16xi32>
        %and3A_213 = arith.andi %add3A_210, %and3A_212 : vector<16xi32>
        %gather3A_214 = tpu.vector_load_idx %arg11[%add3A_164, %and3A_213] : memref<128x128xf32, #tpu.memory_space<vmem>>[vector<16xi32>, vector<16xi32>], vector<16xf32>,
        %gather3A_215 = tpu.vector_load_idx %arg13[%add3A_164, %and3A_213] : memref<128x128xf32, #tpu.memory_space<vmem>>[vector<16xi32>, vector<16xi32>], vector<16xf32>,
        %mul3A_216 = arith.mulf %gather3A_214, %gather3A_215 : vector<16xf32>
        %add3A_217 = arith.addf %scan3A_184, %mul3A_216 : vector<16xf32>
        %add3A_218 = arith.constant 3 : i32
        %add3A_219 = vector.broadcast %add3A_218 : i32 to vector<16xi32>
        %add3A_220 = arith.addi %add3A_189, %add3A_219 : vector<16xi32>
        %and3A_221 = arith.constant 127 : i32
        %and3A_222 = vector.broadcast %and3A_221 : i32 to vector<16xi32>
        %and3A_223 = arith.andi %add3A_220, %and3A_222 : vector<16xi32>
        %gather3A_224 = tpu.vector_load_idx %arg11[%add3A_164, %and3A_223] : memref<128x128xf32, #tpu.memory_space<vmem>>[vector<16xi32>, vector<16xi32>], vector<16xf32>,
        %gather3A_225 = tpu.vector_load_idx %arg13[%add3A_164, %and3A_223] : memref<128x128xf32, #tpu.memory_space<vmem>>[vector<16xi32>, vector<16xi32>], vector<16xf32>,
        %mul3A_226 = arith.mulf %gather3A_224, %gather3A_225 : vector<16xf32>
        %add3A_227 = arith.addf %scan3A_185, %mul3A_226 : vector<16xf32>
        %add3A_228 = arith.constant 4 : i32
        %add3A_229 = vector.broadcast %add3A_228 : i32 to vector<16xi32>
        %add3A_230 = arith.addi %add3A_189, %add3A_229 : vector<16xi32>
        %and3A_231 = arith.constant 127 : i32
        %and3A_232 = vector.broadcast %and3A_231 : i32 to vector<16xi32>
        %and3A_233 = arith.andi %add3A_230, %and3A_232 : vector<16xi32>
        %gather3A_234 = tpu.vector_load_idx %arg11[%add3A_164, %and3A_233] : memref<128x128xf32, #tpu.memory_space<vmem>>[vector<16xi32>, vector<16xi32>], vector<16xf32>,
        %gather3A_235 = tpu.vector_load_idx %arg13[%add3A_164, %and3A_233] : memref<128x128xf32, #tpu.memory_space<vmem>>[vector<16xi32>, vector<16xi32>], vector<16xf32>,
        %mul3A_236 = arith.mulf %gather3A_234, %gather3A_235 : vector<16xf32>
        %add3A_237 = arith.addf %add3A_197, %mul3A_236 : vector<16xf32>
        %add3A_238 = arith.constant 5 : i32
        %add3A_239 = vector.broadcast %add3A_238 : i32 to vector<16xi32>
        %add3A_240 = arith.addi %add3A_189, %add3A_239 : vector<16xi32>
        %and3A_241 = arith.constant 127 : i32
        %and3A_242 = vector.broadcast %and3A_241 : i32 to vector<16xi32>
        %and3A_243 = arith.andi %add3A_240, %and3A_242 : vector<16xi32>
        %gather3A_244 = tpu.vector_load_idx %arg11[%add3A_164, %and3A_243] : memref<128x128xf32, #tpu.memory_space<vmem>>[vector<16xi32>, vector<16xi32>], vector<16xf32>,
        %gather3A_245 = tpu.vector_load_idx %arg13[%add3A_164, %and3A_243] : memref<128x128xf32, #tpu.memory_space<vmem>>[vector<16xi32>, vector<16xi32>], vector<16xf32>,
        %mul3A_246 = arith.mulf %gather3A_244, %gather3A_245 : vector<16xf32>
        %add3A_247 = arith.addf %add3A_207, %mul3A_246 : vector<16xf32>
        %add3A_248 = arith.constant 6 : i32
        %add3A_249 = vector.broadcast %add3A_248 : i32 to vector<16xi32>
        %add3A_250 = arith.addi %add3A_189, %add3A_249 : vector<16xi32>
        %and3A_251 = arith.constant 127 : i32
        %and3A_252 = vector.broadcast %and3A_251 : i32 to vector<16xi32>
        %and3A_253 = arith.andi %add3A_250, %and3A_252 : vector<16xi32>
        %gather3A_254 = tpu.vector_load_idx %arg11[%add3A_164, %and3A_253] : memref<128x128xf32, #tpu.memory_space<vmem>>[vector<16xi32>, vector<16xi32>], vector<16xf32>,
        %gather3A_255 = tpu.vector_load_idx %arg13[%add3A_164, %and3A_253] : memref<128x128xf32, #tpu.memory_space<vmem>>[vector<16xi32>, vector<16xi32>], vector<16xf32>,
        %mul3A_256 = arith.mulf %gather3A_254, %gather3A_255 : vector<16xf32>
        %add3A_257 = arith.addf %add3A_217, %mul3A_256 : vector<16xf32>
        %add3A_258 = arith.constant 7 : i32
        %add3A_259 = vector.broadcast %add3A_258 : i32 to vector<16xi32>
        %add3A_260 = arith.addi %add3A_189, %add3A_259 : vector<16xi32>
        %and3A_261 = arith.constant 127 : i32
        %and3A_262 = vector.broadcast %and3A_261 : i32 to vector<16xi32>
        %and3A_263 = arith.andi %add3A_260, %and3A_262 : vector<16xi32>
        %gather3A_264 = tpu.vector_load_idx %arg11[%add3A_164, %and3A_263] : memref<128x128xf32, #tpu.memory_space<vmem>>[vector<16xi32>, vector<16xi32>], vector<16xf32>,
        %gather3A_265 = tpu.vector_load_idx %arg13[%add3A_164, %and3A_263] : memref<128x128xf32, #tpu.memory_space<vmem>>[vector<16xi32>, vector<16xi32>], vector<16xf32>,
        %mul3A_266 = arith.mulf %gather3A_264, %gather3A_265 : vector<16xf32>
        %add3A_267 = arith.addf %add3A_227, %mul3A_266 : vector<16xf32>
        %add3A_268 = arith.constant 8 : i32
        %add3A_269 = vector.broadcast %add3A_268 : i32 to vector<16xi32>
        %add3A_270 = arith.addi %add3A_189, %add3A_269 : vector<16xi32>
        %and3A_271 = arith.constant 127 : i32
        %and3A_272 = vector.broadcast %and3A_271 : i32 to vector<16xi32>
        %and3A_273 = arith.andi %add3A_270, %and3A_272 : vector<16xi32>
        %gather3A_274 = tpu.vector_load_idx %arg11[%add3A_164, %and3A_273] : memref<128x128xf32, #tpu.memory_space<vmem>>[vector<16xi32>, vector<16xi32>], vector<16xf32>,
        %gather3A_275 = tpu.vector_load_idx %arg13[%add3A_164, %and3A_273] : memref<128x128xf32, #tpu.memory_space<vmem>>[vector<16xi32>, vector<16xi32>], vector<16xf32>,
        %mul3A_276 = arith.mulf %gather3A_274, %gather3A_275 : vector<16xf32>
        %add3A_277 = arith.addf %add3A_237, %mul3A_276 : vector<16xf32>
        %add3A_278 = arith.constant 9 : i32
        %add3A_279 = vector.broadcast %add3A_278 : i32 to vector<16xi32>
        %add3A_280 = arith.addi %add3A_189, %add3A_279 : vector<16xi32>
        %and3A_281 = arith.constant 127 : i32
        %and3A_282 = vector.broadcast %and3A_281 : i32 to vector<16xi32>
        %and3A_283 = arith.andi %add3A_280, %and3A_282 : vector<16xi32>
        %gather3A_284 = tpu.vector_load_idx %arg11[%add3A_164, %and3A_283] : memref<128x128xf32, #tpu.memory_space<vmem>>[vector<16xi32>, vector<16xi32>], vector<16xf32>,
        %gather3A_285 = tpu.vector_load_idx %arg13[%add3A_164, %and3A_283] : memref<128x128xf32, #tpu.memory_space<vmem>>[vector<16xi32>, vector<16xi32>], vector<16xf32>,
        %mul3A_286 = arith.mulf %gather3A_284, %gather3A_285 : vector<16xf32>
        %add3A_287 = arith.addf %add3A_247, %mul3A_286 : vector<16xf32>
        %add3A_288 = arith.constant 10 : i32
        %add3A_289 = vector.broadcast %add3A_288 : i32 to vector<16xi32>
        %add3A_290 = arith.addi %add3A_189, %add3A_289 : vector<16xi32>
        %and3A_291 = arith.constant 127 : i32
        %and3A_292 = vector.broadcast %and3A_291 : i32 to vector<16xi32>
        %and3A_293 = arith.andi %add3A_290, %and3A_292 : vector<16xi32>
        %gather3A_294 = tpu.vector_load_idx %arg11[%add3A_164, %and3A_293] : memref<128x128xf32, #tpu.memory_space<vmem>>[vector<16xi32>, vector<16xi32>], vector<16xf32>,
        %gather3A_295 = tpu.vector_load_idx %arg13[%add3A_164, %and3A_293] : memref<128x128xf32, #tpu.memory_space<vmem>>[vector<16xi32>, vector<16xi32>], vector<16xf32>,
        %mul3A_296 = arith.mulf %gather3A_294, %gather3A_295 : vector<16xf32>
        %add3A_297 = arith.addf %add3A_257, %mul3A_296 : vector<16xf32>
        %add3A_298 = arith.constant 11 : i32
        %add3A_299 = vector.broadcast %add3A_298 : i32 to vector<16xi32>
        %add3A_300 = arith.addi %add3A_189, %add3A_299 : vector<16xi32>
        %and3A_301 = arith.constant 127 : i32
        %and3A_302 = vector.broadcast %and3A_301 : i32 to vector<16xi32>
        %and3A_303 = arith.andi %add3A_300, %and3A_302 : vector<16xi32>
        %gather3A_304 = tpu.vector_load_idx %arg11[%add3A_164, %and3A_303] : memref<128x128xf32, #tpu.memory_space<vmem>>[vector<16xi32>, vector<16xi32>], vector<16xf32>,
        %gather3A_305 = tpu.vector_load_idx %arg13[%add3A_164, %and3A_303] : memref<128x128xf32, #tpu.memory_space<vmem>>[vector<16xi32>, vector<16xi32>], vector<16xf32>,
        %mul3A_306 = arith.mulf %gather3A_304, %gather3A_305 : vector<16xf32>
        %add3A_307 = arith.addf %add3A_267, %mul3A_306 : vector<16xf32>
        %add3A_308 = arith.constant 12 : i32
        %add3A_309 = vector.broadcast %add3A_308 : i32 to vector<16xi32>
        %add3A_310 = arith.addi %add3A_189, %add3A_309 : vector<16xi32>
        %and3A_311 = arith.constant 127 : i32
        %and3A_312 = vector.broadcast %and3A_311 : i32 to vector<16xi32>
        %and3A_313 = arith.andi %add3A_310, %and3A_312 : vector<16xi32>
        %gather3A_314 = tpu.vector_load_idx %arg11[%add3A_164, %and3A_313] : memref<128x128xf32, #tpu.memory_space<vmem>>[vector<16xi32>, vector<16xi32>], vector<16xf32>,
        %gather3A_315 = tpu.vector_load_idx %arg13[%add3A_164, %and3A_313] : memref<128x128xf32, #tpu.memory_space<vmem>>[vector<16xi32>, vector<16xi32>], vector<16xf32>,
        %mul3A_316 = arith.mulf %gather3A_314, %gather3A_315 : vector<16xf32>
        %add3A_317 = arith.addf %add3A_277, %mul3A_316 : vector<16xf32>
        %add3A_318 = arith.constant 13 : i32
        %add3A_319 = vector.broadcast %add3A_318 : i32 to vector<16xi32>
        %add3A_320 = arith.addi %add3A_189, %add3A_319 : vector<16xi32>
        %and3A_321 = arith.constant 127 : i32
        %and3A_322 = vector.broadcast %and3A_321 : i32 to vector<16xi32>
        %and3A_323 = arith.andi %add3A_320, %and3A_322 : vector<16xi32>
        %gather3A_324 = tpu.vector_load_idx %arg11[%add3A_164, %and3A_323] : memref<128x128xf32, #tpu.memory_space<vmem>>[vector<16xi32>, vector<16xi32>], vector<16xf32>,
        %gather3A_325 = tpu.vector_load_idx %arg13[%add3A_164, %and3A_323] : memref<128x128xf32, #tpu.memory_space<vmem>>[vector<16xi32>, vector<16xi32>], vector<16xf32>,
        %mul3A_326 = arith.mulf %gather3A_324, %gather3A_325 : vector<16xf32>
        %add3A_327 = arith.addf %add3A_287, %mul3A_326 : vector<16xf32>
        %add3A_328 = arith.constant 14 : i32
        %add3A_329 = vector.broadcast %add3A_328 : i32 to vector<16xi32>
        %add3A_330 = arith.addi %add3A_189, %add3A_329 : vector<16xi32>
        %and3A_331 = arith.constant 127 : i32
        %and3A_332 = vector.broadcast %and3A_331 : i32 to vector<16xi32>
        %and3A_333 = arith.andi %add3A_330, %and3A_332 : vector<16xi32>
        %gather3A_334 = tpu.vector_load_idx %arg11[%add3A_164, %and3A_333] : memref<128x128xf32, #tpu.memory_space<vmem>>[vector<16xi32>, vector<16xi32>], vector<16xf32>,
        %gather3A_335 = tpu.vector_load_idx %arg13[%add3A_164, %and3A_333] : memref<128x128xf32, #tpu.memory_space<vmem>>[vector<16xi32>, vector<16xi32>], vector<16xf32>,
        %mul3A_336 = arith.mulf %gather3A_334, %gather3A_335 : vector<16xf32>
        %add3A_337 = arith.addf %add3A_297, %mul3A_336 : vector<16xf32>
        %add3A_338 = arith.constant 15 : i32
        %add3A_339 = vector.broadcast %add3A_338 : i32 to vector<16xi32>
        %add3A_340 = arith.addi %add3A_189, %add3A_339 : vector<16xi32>
        %and3A_341 = arith.constant 127 : i32
        %and3A_342 = vector.broadcast %and3A_341 : i32 to vector<16xi32>
        %and3A_343 = arith.andi %add3A_340, %and3A_342 : vector<16xi32>
        %gather3A_344 = tpu.vector_load_idx %arg11[%add3A_164, %and3A_343] : memref<128x128xf32, #tpu.memory_space<vmem>>[vector<16xi32>, vector<16xi32>], vector<16xf32>,
        %gather3A_345 = tpu.vector_load_idx %arg13[%add3A_164, %and3A_343] : memref<128x128xf32, #tpu.memory_space<vmem>>[vector<16xi32>, vector<16xi32>], vector<16xf32>,
        %mul3A_346 = arith.mulf %gather3A_344, %gather3A_345 : vector<16xf32>
        %add3A_347 = arith.addf %add3A_307, %mul3A_346 : vector<16xf32>
        scf.yield %add3A_317, %add3A_327, %add3A_337, %add3A_347 : vector<16xf32>, vector<16xf32>, vector<16xf32>, vector<16xf32>
      }
      %scan3A_171 = arith.constant 8 : i32
      %add3A_172 = arith.addf %scan3A_170#0, %scan3A_170#1 : vector<16xf32>
      %add3A_173 = arith.addf %scan3A_170#2, %scan3A_170#3 : vector<16xf32>
      %add3A_174 = arith.addf %add3A_172, %add3A_173 : vector<16xf32>
      %add3A_175 = arith.addf %add3A_174, %get3A_26 : vector<16xf32>
      %mul3A_176 = arith.constant 16 : i32
      %mul3A_177 = arith.muli %scan3A_160, %mul3A_176 : i32
      %add3A_178 = arith.constant 128 : i32
      %add3A_179 = arith.addi %add3A_178, %mul3A_177 : i32
      %swap3A = arith.index_cast %add3A_179 : i32 to index
      %swap3A_180 = tpu.vector_load %arg15[%swap3A] {strides = array<i32>} : memref<512xf32, #tpu.memory_space<vmem>>, vector<16xf32>,
      tpu.vector_store %arg15[%swap3A], %add3A_175 {strides = array<i32>} : memref<512xf32, #tpu.memory_space<vmem>>, vector<16xf32>,
    }
    %scan3A_105 = arith.constant 8 : i32
    %dma_start3A_106 = arith.constant 3 : i32
    %dma_start3A_107 = arith.constant 0 : i32
    %dma_start3A_108 = tpu.memref_slice %arg8[%dma_start3A_106, %dma_start3A_107] : memref<4x128xi32, #tpu.memory_space<vmem>> -> memref<1x128xi32, #tpu.memory_space<vmem>>
    %dma_start3A_109 = tpu.memref_squeeze %dma_start3A_108 : memref<1x128xi32, #tpu.memory_space<vmem>> -> memref<128xi32, #tpu.memory_space<vmem>>
    %dma_start3A_110 = arith.constant 0 : i32
    %dma_start3A_111 = arith.constant 0 : i32
    %dma_start3A_112 = tpu.memref_slice %arg4[%dma_start3A_110, %dma_start3A_111] : memref<1000000x128xf32, #tpu.memory_space<hbm>> -> memref<1000000x128xf32, #tpu.memory_space<hbm>>
    tpu.enqueue_indirect_dma source(%dma_start3A_112 : memref<1000000x128xf32, #tpu.memory_space<hbm>>) target(%arg11 : memref<128x128xf32, #tpu.memory_space<vmem>>) offsets(%dma_start3A_109 : memref<128xi32, #tpu.memory_space<vmem>>) semaphore(%arg17 : memref<!tpu.dma_semaphore, #tpu.memory_space<semaphore_mem>>)
    %dma_start3A_113 = arith.constant 3 : i32
    %dma_start3A_114 = arith.constant 0 : i32
    %dma_start3A_115 = tpu.memref_slice %arg9[%dma_start3A_113, %dma_start3A_114] : memref<4x128xi32, #tpu.memory_space<vmem>> -> memref<1x128xi32, #tpu.memory_space<vmem>>
    %dma_start3A_116 = tpu.memref_squeeze %dma_start3A_115 : memref<1x128xi32, #tpu.memory_space<vmem>> -> memref<128xi32, #tpu.memory_space<vmem>>
    %dma_start3A_117 = arith.constant 0 : i32
    %dma_start3A_118 = arith.constant 0 : i32
    %dma_start3A_119 = tpu.memref_slice %arg5[%dma_start3A_117, %dma_start3A_118] : memref<100000x128xf32, #tpu.memory_space<hbm>> -> memref<100000x128xf32, #tpu.memory_space<hbm>>
    tpu.enqueue_indirect_dma source(%dma_start3A_119 : memref<100000x128xf32, #tpu.memory_space<hbm>>) target(%arg13 : memref<128x128xf32, #tpu.memory_space<vmem>>) offsets(%dma_start3A_116 : memref<128xi32, #tpu.memory_space<vmem>>) semaphore(%arg17 : memref<!tpu.dma_semaphore, #tpu.memory_space<semaphore_mem>>)
    %dma_wait3A_120 = arith.constant 2 : i32
    %dma_wait3A_121 = arith.constant 0 : i32
    %dma_wait3A_122 = tpu.memref_slice %arg8[%dma_wait3A_120, %dma_wait3A_121] : memref<4x128xi32, #tpu.memory_space<vmem>> -> memref<1x128xi32, #tpu.memory_space<vmem>>
    %dma_wait3A_123 = tpu.memref_squeeze %dma_wait3A_122 : memref<1x128xi32, #tpu.memory_space<vmem>> -> memref<128xi32, #tpu.memory_space<vmem>>
    %dma_wait3A_124 = arith.constant 0 : i32
    %dma_wait3A_125 = arith.constant 0 : i32
    %dma_wait3A_126 = tpu.memref_slice %arg4[%dma_wait3A_124, %dma_wait3A_125] : memref<1000000x128xf32, #tpu.memory_space<hbm>> -> memref<1000000x128xf32, #tpu.memory_space<hbm>>
    tpu.wait_indirect_dma semaphore(%arg16 : memref<!tpu.dma_semaphore, #tpu.memory_space<semaphore_mem>>) src(%dma_wait3A_126 : memref<1000000x128xf32, #tpu.memory_space<hbm>>) dst(%arg10 : memref<128x128xf32, #tpu.memory_space<vmem>>)
    %dma_wait3A_127 = arith.constant 2 : i32
    %dma_wait3A_128 = arith.constant 0 : i32
    %dma_wait3A_129 = tpu.memref_slice %arg9[%dma_wait3A_127, %dma_wait3A_128] : memref<4x128xi32, #tpu.memory_space<vmem>> -> memref<1x128xi32, #tpu.memory_space<vmem>>
    %dma_wait3A_130 = tpu.memref_squeeze %dma_wait3A_129 : memref<1x128xi32, #tpu.memory_space<vmem>> -> memref<128xi32, #tpu.memory_space<vmem>>
    %dma_wait3A_131 = arith.constant 0 : i32
    %dma_wait3A_132 = arith.constant 0 : i32
    %dma_wait3A_133 = tpu.memref_slice %arg5[%dma_wait3A_131, %dma_wait3A_132] : memref<100000x128xf32, #tpu.memory_space<hbm>> -> memref<100000x128xf32, #tpu.memory_space<hbm>>
    tpu.wait_indirect_dma semaphore(%arg16 : memref<!tpu.dma_semaphore, #tpu.memory_space<semaphore_mem>>) src(%dma_wait3A_133 : memref<100000x128xf32, #tpu.memory_space<hbm>>) dst(%arg12 : memref<128x128xf32, #tpu.memory_space<vmem>>)
    %scan3A_134 = arith.constant 0 : i32
    %scan3A_135 = arith.constant 0 : i32
    %scan3A_136 = arith.constant 8 : i32
    %scan3A_137 = arith.addi %scan3A_135, %scan3A_136 : i32
    %scan3A_138 = arith.constant 1 : i32
    scf.for %scan3A_160 = %scan3A_135 to %scan3A_137 step %scan3A_138  : i32 {
      %iota3A = tpu.iota {dimensions = array<i32: 0>} : vector<16xi32>
      %mul3A_161 = arith.constant 16 : i32
      %mul3A_162 = arith.muli %scan3A_160, %mul3A_161 : i32
      %add3A_163 = vector.broadcast %mul3A_162 : i32 to vector<16xi32>
      %add3A_164 = arith.addi %add3A_163, %iota3A : vector<16xi32>
      %broadcast_in_dim3A = arith.constant 0.000000e+00 : f32
      %broadcast_in_dim3A_165 = vector.broadcast %broadcast_in_dim3A : f32 to vector<16xf32>
      %scan3A_166 = arith.constant 0 : i32
      %scan3A_167 = arith.constant 8 : i32
      %scan3A_168 = arith.addi %scan3A_166, %scan3A_167 : i32
      %scan3A_169 = arith.constant 1 : i32
      %scan3A_170:4 = scf.for %scan3A_181 = %scan3A_166 to %scan3A_168 step %scan3A_169 iter_args(%scan3A_182 = %broadcast_in_dim3A_165, %scan3A_183 = %broadcast_in_dim3A_165, %scan3A_184 = %broadcast_in_dim3A_165, %scan3A_185 = %broadcast_in_dim3A_165) -> (vector<16xf32>, vector<16xf32>, vector<16xf32>, vector<16xf32>)  : i32 {
        %mul3A_186 = arith.constant 16 : i32
        %mul3A_187 = arith.muli %scan3A_181, %mul3A_186 : i32
        %add3A_188 = vector.broadcast %mul3A_187 : i32 to vector<16xi32>
        %add3A_189 = arith.addi %add3A_164, %add3A_188 : vector<16xi32>
        %add3A_190 = arith.constant 0 : i32
        %add3A_191 = vector.broadcast %add3A_190 : i32 to vector<16xi32>
        %add3A_192 = arith.addi %add3A_189, %add3A_191 : vector<16xi32>
        %and3A = arith.constant 127 : i32
        %and3A_193 = vector.broadcast %and3A : i32 to vector<16xi32>
        %and3A_194 = arith.andi %add3A_192, %and3A_193 : vector<16xi32>
        %gather3A = tpu.vector_load_idx %arg10[%add3A_164, %and3A_194] : memref<128x128xf32, #tpu.memory_space<vmem>>[vector<16xi32>, vector<16xi32>], vector<16xf32>,
        %gather3A_195 = tpu.vector_load_idx %arg12[%add3A_164, %and3A_194] : memref<128x128xf32, #tpu.memory_space<vmem>>[vector<16xi32>, vector<16xi32>], vector<16xf32>,
        %mul3A_196 = arith.mulf %gather3A, %gather3A_195 : vector<16xf32>
        %add3A_197 = arith.addf %scan3A_182, %mul3A_196 : vector<16xf32>
        %add3A_198 = arith.constant 1 : i32
        %add3A_199 = vector.broadcast %add3A_198 : i32 to vector<16xi32>
        %add3A_200 = arith.addi %add3A_189, %add3A_199 : vector<16xi32>
        %and3A_201 = arith.constant 127 : i32
        %and3A_202 = vector.broadcast %and3A_201 : i32 to vector<16xi32>
        %and3A_203 = arith.andi %add3A_200, %and3A_202 : vector<16xi32>
        %gather3A_204 = tpu.vector_load_idx %arg10[%add3A_164, %and3A_203] : memref<128x128xf32, #tpu.memory_space<vmem>>[vector<16xi32>, vector<16xi32>], vector<16xf32>,
        %gather3A_205 = tpu.vector_load_idx %arg12[%add3A_164, %and3A_203] : memref<128x128xf32, #tpu.memory_space<vmem>>[vector<16xi32>, vector<16xi32>], vector<16xf32>,
        %mul3A_206 = arith.mulf %gather3A_204, %gather3A_205 : vector<16xf32>
        %add3A_207 = arith.addf %scan3A_183, %mul3A_206 : vector<16xf32>
        %add3A_208 = arith.constant 2 : i32
        %add3A_209 = vector.broadcast %add3A_208 : i32 to vector<16xi32>
        %add3A_210 = arith.addi %add3A_189, %add3A_209 : vector<16xi32>
        %and3A_211 = arith.constant 127 : i32
        %and3A_212 = vector.broadcast %and3A_211 : i32 to vector<16xi32>
        %and3A_213 = arith.andi %add3A_210, %and3A_212 : vector<16xi32>
        %gather3A_214 = tpu.vector_load_idx %arg10[%add3A_164, %and3A_213] : memref<128x128xf32, #tpu.memory_space<vmem>>[vector<16xi32>, vector<16xi32>], vector<16xf32>,
        %gather3A_215 = tpu.vector_load_idx %arg12[%add3A_164, %and3A_213] : memref<128x128xf32, #tpu.memory_space<vmem>>[vector<16xi32>, vector<16xi32>], vector<16xf32>,
        %mul3A_216 = arith.mulf %gather3A_214, %gather3A_215 : vector<16xf32>
        %add3A_217 = arith.addf %scan3A_184, %mul3A_216 : vector<16xf32>
        %add3A_218 = arith.constant 3 : i32
        %add3A_219 = vector.broadcast %add3A_218 : i32 to vector<16xi32>
        %add3A_220 = arith.addi %add3A_189, %add3A_219 : vector<16xi32>
        %and3A_221 = arith.constant 127 : i32
        %and3A_222 = vector.broadcast %and3A_221 : i32 to vector<16xi32>
        %and3A_223 = arith.andi %add3A_220, %and3A_222 : vector<16xi32>
        %gather3A_224 = tpu.vector_load_idx %arg10[%add3A_164, %and3A_223] : memref<128x128xf32, #tpu.memory_space<vmem>>[vector<16xi32>, vector<16xi32>], vector<16xf32>,
        %gather3A_225 = tpu.vector_load_idx %arg12[%add3A_164, %and3A_223] : memref<128x128xf32, #tpu.memory_space<vmem>>[vector<16xi32>, vector<16xi32>], vector<16xf32>,
        %mul3A_226 = arith.mulf %gather3A_224, %gather3A_225 : vector<16xf32>
        %add3A_227 = arith.addf %scan3A_185, %mul3A_226 : vector<16xf32>
        %add3A_228 = arith.constant 4 : i32
        %add3A_229 = vector.broadcast %add3A_228 : i32 to vector<16xi32>
        %add3A_230 = arith.addi %add3A_189, %add3A_229 : vector<16xi32>
        %and3A_231 = arith.constant 127 : i32
        %and3A_232 = vector.broadcast %and3A_231 : i32 to vector<16xi32>
        %and3A_233 = arith.andi %add3A_230, %and3A_232 : vector<16xi32>
        %gather3A_234 = tpu.vector_load_idx %arg10[%add3A_164, %and3A_233] : memref<128x128xf32, #tpu.memory_space<vmem>>[vector<16xi32>, vector<16xi32>], vector<16xf32>,
        %gather3A_235 = tpu.vector_load_idx %arg12[%add3A_164, %and3A_233] : memref<128x128xf32, #tpu.memory_space<vmem>>[vector<16xi32>, vector<16xi32>], vector<16xf32>,
        %mul3A_236 = arith.mulf %gather3A_234, %gather3A_235 : vector<16xf32>
        %add3A_237 = arith.addf %add3A_197, %mul3A_236 : vector<16xf32>
        %add3A_238 = arith.constant 5 : i32
        %add3A_239 = vector.broadcast %add3A_238 : i32 to vector<16xi32>
        %add3A_240 = arith.addi %add3A_189, %add3A_239 : vector<16xi32>
        %and3A_241 = arith.constant 127 : i32
        %and3A_242 = vector.broadcast %and3A_241 : i32 to vector<16xi32>
        %and3A_243 = arith.andi %add3A_240, %and3A_242 : vector<16xi32>
        %gather3A_244 = tpu.vector_load_idx %arg10[%add3A_164, %and3A_243] : memref<128x128xf32, #tpu.memory_space<vmem>>[vector<16xi32>, vector<16xi32>], vector<16xf32>,
        %gather3A_245 = tpu.vector_load_idx %arg12[%add3A_164, %and3A_243] : memref<128x128xf32, #tpu.memory_space<vmem>>[vector<16xi32>, vector<16xi32>], vector<16xf32>,
        %mul3A_246 = arith.mulf %gather3A_244, %gather3A_245 : vector<16xf32>
        %add3A_247 = arith.addf %add3A_207, %mul3A_246 : vector<16xf32>
        %add3A_248 = arith.constant 6 : i32
        %add3A_249 = vector.broadcast %add3A_248 : i32 to vector<16xi32>
        %add3A_250 = arith.addi %add3A_189, %add3A_249 : vector<16xi32>
        %and3A_251 = arith.constant 127 : i32
        %and3A_252 = vector.broadcast %and3A_251 : i32 to vector<16xi32>
        %and3A_253 = arith.andi %add3A_250, %and3A_252 : vector<16xi32>
        %gather3A_254 = tpu.vector_load_idx %arg10[%add3A_164, %and3A_253] : memref<128x128xf32, #tpu.memory_space<vmem>>[vector<16xi32>, vector<16xi32>], vector<16xf32>,
        %gather3A_255 = tpu.vector_load_idx %arg12[%add3A_164, %and3A_253] : memref<128x128xf32, #tpu.memory_space<vmem>>[vector<16xi32>, vector<16xi32>], vector<16xf32>,
        %mul3A_256 = arith.mulf %gather3A_254, %gather3A_255 : vector<16xf32>
        %add3A_257 = arith.addf %add3A_217, %mul3A_256 : vector<16xf32>
        %add3A_258 = arith.constant 7 : i32
        %add3A_259 = vector.broadcast %add3A_258 : i32 to vector<16xi32>
        %add3A_260 = arith.addi %add3A_189, %add3A_259 : vector<16xi32>
        %and3A_261 = arith.constant 127 : i32
        %and3A_262 = vector.broadcast %and3A_261 : i32 to vector<16xi32>
        %and3A_263 = arith.andi %add3A_260, %and3A_262 : vector<16xi32>
        %gather3A_264 = tpu.vector_load_idx %arg10[%add3A_164, %and3A_263] : memref<128x128xf32, #tpu.memory_space<vmem>>[vector<16xi32>, vector<16xi32>], vector<16xf32>,
        %gather3A_265 = tpu.vector_load_idx %arg12[%add3A_164, %and3A_263] : memref<128x128xf32, #tpu.memory_space<vmem>>[vector<16xi32>, vector<16xi32>], vector<16xf32>,
        %mul3A_266 = arith.mulf %gather3A_264, %gather3A_265 : vector<16xf32>
        %add3A_267 = arith.addf %add3A_227, %mul3A_266 : vector<16xf32>
        %add3A_268 = arith.constant 8 : i32
        %add3A_269 = vector.broadcast %add3A_268 : i32 to vector<16xi32>
        %add3A_270 = arith.addi %add3A_189, %add3A_269 : vector<16xi32>
        %and3A_271 = arith.constant 127 : i32
        %and3A_272 = vector.broadcast %and3A_271 : i32 to vector<16xi32>
        %and3A_273 = arith.andi %add3A_270, %and3A_272 : vector<16xi32>
        %gather3A_274 = tpu.vector_load_idx %arg10[%add3A_164, %and3A_273] : memref<128x128xf32, #tpu.memory_space<vmem>>[vector<16xi32>, vector<16xi32>], vector<16xf32>,
        %gather3A_275 = tpu.vector_load_idx %arg12[%add3A_164, %and3A_273] : memref<128x128xf32, #tpu.memory_space<vmem>>[vector<16xi32>, vector<16xi32>], vector<16xf32>,
        %mul3A_276 = arith.mulf %gather3A_274, %gather3A_275 : vector<16xf32>
        %add3A_277 = arith.addf %add3A_237, %mul3A_276 : vector<16xf32>
        %add3A_278 = arith.constant 9 : i32
        %add3A_279 = vector.broadcast %add3A_278 : i32 to vector<16xi32>
        %add3A_280 = arith.addi %add3A_189, %add3A_279 : vector<16xi32>
        %and3A_281 = arith.constant 127 : i32
        %and3A_282 = vector.broadcast %and3A_281 : i32 to vector<16xi32>
        %and3A_283 = arith.andi %add3A_280, %and3A_282 : vector<16xi32>
        %gather3A_284 = tpu.vector_load_idx %arg10[%add3A_164, %and3A_283] : memref<128x128xf32, #tpu.memory_space<vmem>>[vector<16xi32>, vector<16xi32>], vector<16xf32>,
        %gather3A_285 = tpu.vector_load_idx %arg12[%add3A_164, %and3A_283] : memref<128x128xf32, #tpu.memory_space<vmem>>[vector<16xi32>, vector<16xi32>], vector<16xf32>,
        %mul3A_286 = arith.mulf %gather3A_284, %gather3A_285 : vector<16xf32>
        %add3A_287 = arith.addf %add3A_247, %mul3A_286 : vector<16xf32>
        %add3A_288 = arith.constant 10 : i32
        %add3A_289 = vector.broadcast %add3A_288 : i32 to vector<16xi32>
        %add3A_290 = arith.addi %add3A_189, %add3A_289 : vector<16xi32>
        %and3A_291 = arith.constant 127 : i32
        %and3A_292 = vector.broadcast %and3A_291 : i32 to vector<16xi32>
        %and3A_293 = arith.andi %add3A_290, %and3A_292 : vector<16xi32>
        %gather3A_294 = tpu.vector_load_idx %arg10[%add3A_164, %and3A_293] : memref<128x128xf32, #tpu.memory_space<vmem>>[vector<16xi32>, vector<16xi32>], vector<16xf32>,
        %gather3A_295 = tpu.vector_load_idx %arg12[%add3A_164, %and3A_293] : memref<128x128xf32, #tpu.memory_space<vmem>>[vector<16xi32>, vector<16xi32>], vector<16xf32>,
        %mul3A_296 = arith.mulf %gather3A_294, %gather3A_295 : vector<16xf32>
        %add3A_297 = arith.addf %add3A_257, %mul3A_296 : vector<16xf32>
        %add3A_298 = arith.constant 11 : i32
        %add3A_299 = vector.broadcast %add3A_298 : i32 to vector<16xi32>
        %add3A_300 = arith.addi %add3A_189, %add3A_299 : vector<16xi32>
        %and3A_301 = arith.constant 127 : i32
        %and3A_302 = vector.broadcast %and3A_301 : i32 to vector<16xi32>
        %and3A_303 = arith.andi %add3A_300, %and3A_302 : vector<16xi32>
        %gather3A_304 = tpu.vector_load_idx %arg10[%add3A_164, %and3A_303] : memref<128x128xf32, #tpu.memory_space<vmem>>[vector<16xi32>, vector<16xi32>], vector<16xf32>,
        %gather3A_305 = tpu.vector_load_idx %arg12[%add3A_164, %and3A_303] : memref<128x128xf32, #tpu.memory_space<vmem>>[vector<16xi32>, vector<16xi32>], vector<16xf32>,
        %mul3A_306 = arith.mulf %gather3A_304, %gather3A_305 : vector<16xf32>
        %add3A_307 = arith.addf %add3A_267, %mul3A_306 : vector<16xf32>
        %add3A_308 = arith.constant 12 : i32
        %add3A_309 = vector.broadcast %add3A_308 : i32 to vector<16xi32>
        %add3A_310 = arith.addi %add3A_189, %add3A_309 : vector<16xi32>
        %and3A_311 = arith.constant 127 : i32
        %and3A_312 = vector.broadcast %and3A_311 : i32 to vector<16xi32>
        %and3A_313 = arith.andi %add3A_310, %and3A_312 : vector<16xi32>
        %gather3A_314 = tpu.vector_load_idx %arg10[%add3A_164, %and3A_313] : memref<128x128xf32, #tpu.memory_space<vmem>>[vector<16xi32>, vector<16xi32>], vector<16xf32>,
        %gather3A_315 = tpu.vector_load_idx %arg12[%add3A_164, %and3A_313] : memref<128x128xf32, #tpu.memory_space<vmem>>[vector<16xi32>, vector<16xi32>], vector<16xf32>,
        %mul3A_316 = arith.mulf %gather3A_314, %gather3A_315 : vector<16xf32>
        %add3A_317 = arith.addf %add3A_277, %mul3A_316 : vector<16xf32>
        %add3A_318 = arith.constant 13 : i32
        %add3A_319 = vector.broadcast %add3A_318 : i32 to vector<16xi32>
        %add3A_320 = arith.addi %add3A_189, %add3A_319 : vector<16xi32>
        %and3A_321 = arith.constant 127 : i32
        %and3A_322 = vector.broadcast %and3A_321 : i32 to vector<16xi32>
        %and3A_323 = arith.andi %add3A_320, %and3A_322 : vector<16xi32>
        %gather3A_324 = tpu.vector_load_idx %arg10[%add3A_164, %and3A_323] : memref<128x128xf32, #tpu.memory_space<vmem>>[vector<16xi32>, vector<16xi32>], vector<16xf32>,
        %gather3A_325 = tpu.vector_load_idx %arg12[%add3A_164, %and3A_323] : memref<128x128xf32, #tpu.memory_space<vmem>>[vector<16xi32>, vector<16xi32>], vector<16xf32>,
        %mul3A_326 = arith.mulf %gather3A_324, %gather3A_325 : vector<16xf32>
        %add3A_327 = arith.addf %add3A_287, %mul3A_326 : vector<16xf32>
        %add3A_328 = arith.constant 14 : i32
        %add3A_329 = vector.broadcast %add3A_328 : i32 to vector<16xi32>
        %add3A_330 = arith.addi %add3A_189, %add3A_329 : vector<16xi32>
        %and3A_331 = arith.constant 127 : i32
        %and3A_332 = vector.broadcast %and3A_331 : i32 to vector<16xi32>
        %and3A_333 = arith.andi %add3A_330, %and3A_332 : vector<16xi32>
        %gather3A_334 = tpu.vector_load_idx %arg10[%add3A_164, %and3A_333] : memref<128x128xf32, #tpu.memory_space<vmem>>[vector<16xi32>, vector<16xi32>], vector<16xf32>,
        %gather3A_335 = tpu.vector_load_idx %arg12[%add3A_164, %and3A_333] : memref<128x128xf32, #tpu.memory_space<vmem>>[vector<16xi32>, vector<16xi32>], vector<16xf32>,
        %mul3A_336 = arith.mulf %gather3A_334, %gather3A_335 : vector<16xf32>
        %add3A_337 = arith.addf %add3A_297, %mul3A_336 : vector<16xf32>
        %add3A_338 = arith.constant 15 : i32
        %add3A_339 = vector.broadcast %add3A_338 : i32 to vector<16xi32>
        %add3A_340 = arith.addi %add3A_189, %add3A_339 : vector<16xi32>
        %and3A_341 = arith.constant 127 : i32
        %and3A_342 = vector.broadcast %and3A_341 : i32 to vector<16xi32>
        %and3A_343 = arith.andi %add3A_340, %and3A_342 : vector<16xi32>
        %gather3A_344 = tpu.vector_load_idx %arg10[%add3A_164, %and3A_343] : memref<128x128xf32, #tpu.memory_space<vmem>>[vector<16xi32>, vector<16xi32>], vector<16xf32>,
        %gather3A_345 = tpu.vector_load_idx %arg12[%add3A_164, %and3A_343] : memref<128x128xf32, #tpu.memory_space<vmem>>[vector<16xi32>, vector<16xi32>], vector<16xf32>,
        %mul3A_346 = arith.mulf %gather3A_344, %gather3A_345 : vector<16xf32>
        %add3A_347 = arith.addf %add3A_307, %mul3A_346 : vector<16xf32>
        scf.yield %add3A_317, %add3A_327, %add3A_337, %add3A_347 : vector<16xf32>, vector<16xf32>, vector<16xf32>, vector<16xf32>
      }
      %scan3A_171 = arith.constant 8 : i32
      %add3A_172 = arith.addf %scan3A_170#0, %scan3A_170#1 : vector<16xf32>
      %add3A_173 = arith.addf %scan3A_170#2, %scan3A_170#3 : vector<16xf32>
      %add3A_174 = arith.addf %add3A_172, %add3A_173 : vector<16xf32>
      %add3A_175 = arith.addf %add3A_174, %get3A_26 : vector<16xf32>
      %mul3A_176 = arith.constant 16 : i32
      %mul3A_177 = arith.muli %scan3A_160, %mul3A_176 : i32
      %add3A_178 = arith.constant 256 : i32
      %add3A_179 = arith.addi %add3A_178, %mul3A_177 : i32
      %swap3A = arith.index_cast %add3A_179 : i32 to index
      %swap3A_180 = tpu.vector_load %arg15[%swap3A] {strides = array<i32>} : memref<512xf32, #tpu.memory_space<vmem>>, vector<16xf32>,
      tpu.vector_store %arg15[%swap3A], %add3A_175 {strides = array<i32>} : memref<512xf32, #tpu.memory_space<vmem>>, vector<16xf32>,
    }
    %scan3A_139 = arith.constant 8 : i32
    %dma_wait3A_140 = arith.constant 3 : i32
    %dma_wait3A_141 = arith.constant 0 : i32
    %dma_wait3A_142 = tpu.memref_slice %arg8[%dma_wait3A_140, %dma_wait3A_141] : memref<4x128xi32, #tpu.memory_space<vmem>> -> memref<1x128xi32, #tpu.memory_space<vmem>>
    %dma_wait3A_143 = tpu.memref_squeeze %dma_wait3A_142 : memref<1x128xi32, #tpu.memory_space<vmem>> -> memref<128xi32, #tpu.memory_space<vmem>>
    %dma_wait3A_144 = arith.constant 0 : i32
    %dma_wait3A_145 = arith.constant 0 : i32
    %dma_wait3A_146 = tpu.memref_slice %arg4[%dma_wait3A_144, %dma_wait3A_145] : memref<1000000x128xf32, #tpu.memory_space<hbm>> -> memref<1000000x128xf32, #tpu.memory_space<hbm>>
    tpu.wait_indirect_dma semaphore(%arg17 : memref<!tpu.dma_semaphore, #tpu.memory_space<semaphore_mem>>) src(%dma_wait3A_146 : memref<1000000x128xf32, #tpu.memory_space<hbm>>) dst(%arg11 : memref<128x128xf32, #tpu.memory_space<vmem>>)
    %dma_wait3A_147 = arith.constant 3 : i32
    %dma_wait3A_148 = arith.constant 0 : i32
    %dma_wait3A_149 = tpu.memref_slice %arg9[%dma_wait3A_147, %dma_wait3A_148] : memref<4x128xi32, #tpu.memory_space<vmem>> -> memref<1x128xi32, #tpu.memory_space<vmem>>
    %dma_wait3A_150 = tpu.memref_squeeze %dma_wait3A_149 : memref<1x128xi32, #tpu.memory_space<vmem>> -> memref<128xi32, #tpu.memory_space<vmem>>
    %dma_wait3A_151 = arith.constant 0 : i32
    %dma_wait3A_152 = arith.constant 0 : i32
    %dma_wait3A_153 = tpu.memref_slice %arg5[%dma_wait3A_151, %dma_wait3A_152] : memref<100000x128xf32, #tpu.memory_space<hbm>> -> memref<100000x128xf32, #tpu.memory_space<hbm>>
    tpu.wait_indirect_dma semaphore(%arg17 : memref<!tpu.dma_semaphore, #tpu.memory_space<semaphore_mem>>) src(%dma_wait3A_153 : memref<100000x128xf32, #tpu.memory_space<hbm>>) dst(%arg13 : memref<128x128xf32, #tpu.memory_space<vmem>>)
    %scan3A_154 = arith.constant 0 : i32
    %scan3A_155 = arith.constant 0 : i32
    %scan3A_156 = arith.constant 8 : i32
    %scan3A_157 = arith.addi %scan3A_155, %scan3A_156 : i32
    %scan3A_158 = arith.constant 1 : i32
    scf.for %scan3A_160 = %scan3A_155 to %scan3A_157 step %scan3A_158  : i32 {
      %iota3A = tpu.iota {dimensions = array<i32: 0>} : vector<16xi32>
      %mul3A_161 = arith.constant 16 : i32
      %mul3A_162 = arith.muli %scan3A_160, %mul3A_161 : i32
      %add3A_163 = vector.broadcast %mul3A_162 : i32 to vector<16xi32>
      %add3A_164 = arith.addi %add3A_163, %iota3A : vector<16xi32>
      %broadcast_in_dim3A = arith.constant 0.000000e+00 : f32
      %broadcast_in_dim3A_165 = vector.broadcast %broadcast_in_dim3A : f32 to vector<16xf32>
      %scan3A_166 = arith.constant 0 : i32
      %scan3A_167 = arith.constant 8 : i32
      %scan3A_168 = arith.addi %scan3A_166, %scan3A_167 : i32
      %scan3A_169 = arith.constant 1 : i32
      %scan3A_170:4 = scf.for %scan3A_181 = %scan3A_166 to %scan3A_168 step %scan3A_169 iter_args(%scan3A_182 = %broadcast_in_dim3A_165, %scan3A_183 = %broadcast_in_dim3A_165, %scan3A_184 = %broadcast_in_dim3A_165, %scan3A_185 = %broadcast_in_dim3A_165) -> (vector<16xf32>, vector<16xf32>, vector<16xf32>, vector<16xf32>)  : i32 {
        %mul3A_186 = arith.constant 16 : i32
        %mul3A_187 = arith.muli %scan3A_181, %mul3A_186 : i32
        %add3A_188 = vector.broadcast %mul3A_187 : i32 to vector<16xi32>
        %add3A_189 = arith.addi %add3A_164, %add3A_188 : vector<16xi32>
        %add3A_190 = arith.constant 0 : i32
        %add3A_191 = vector.broadcast %add3A_190 : i32 to vector<16xi32>
        %add3A_192 = arith.addi %add3A_189, %add3A_191 : vector<16xi32>
        %and3A = arith.constant 127 : i32
        %and3A_193 = vector.broadcast %and3A : i32 to vector<16xi32>
        %and3A_194 = arith.andi %add3A_192, %and3A_193 : vector<16xi32>
        %gather3A = tpu.vector_load_idx %arg11[%add3A_164, %and3A_194] : memref<128x128xf32, #tpu.memory_space<vmem>>[vector<16xi32>, vector<16xi32>], vector<16xf32>,
        %gather3A_195 = tpu.vector_load_idx %arg13[%add3A_164, %and3A_194] : memref<128x128xf32, #tpu.memory_space<vmem>>[vector<16xi32>, vector<16xi32>], vector<16xf32>,
        %mul3A_196 = arith.mulf %gather3A, %gather3A_195 : vector<16xf32>
        %add3A_197 = arith.addf %scan3A_182, %mul3A_196 : vector<16xf32>
        %add3A_198 = arith.constant 1 : i32
        %add3A_199 = vector.broadcast %add3A_198 : i32 to vector<16xi32>
        %add3A_200 = arith.addi %add3A_189, %add3A_199 : vector<16xi32>
        %and3A_201 = arith.constant 127 : i32
        %and3A_202 = vector.broadcast %and3A_201 : i32 to vector<16xi32>
        %and3A_203 = arith.andi %add3A_200, %and3A_202 : vector<16xi32>
        %gather3A_204 = tpu.vector_load_idx %arg11[%add3A_164, %and3A_203] : memref<128x128xf32, #tpu.memory_space<vmem>>[vector<16xi32>, vector<16xi32>], vector<16xf32>,
        %gather3A_205 = tpu.vector_load_idx %arg13[%add3A_164, %and3A_203] : memref<128x128xf32, #tpu.memory_space<vmem>>[vector<16xi32>, vector<16xi32>], vector<16xf32>,
        %mul3A_206 = arith.mulf %gather3A_204, %gather3A_205 : vector<16xf32>
        %add3A_207 = arith.addf %scan3A_183, %mul3A_206 : vector<16xf32>
        %add3A_208 = arith.constant 2 : i32
        %add3A_209 = vector.broadcast %add3A_208 : i32 to vector<16xi32>
        %add3A_210 = arith.addi %add3A_189, %add3A_209 : vector<16xi32>
        %and3A_211 = arith.constant 127 : i32
        %and3A_212 = vector.broadcast %and3A_211 : i32 to vector<16xi32>
        %and3A_213 = arith.andi %add3A_210, %and3A_212 : vector<16xi32>
        %gather3A_214 = tpu.vector_load_idx %arg11[%add3A_164, %and3A_213] : memref<128x128xf32, #tpu.memory_space<vmem>>[vector<16xi32>, vector<16xi32>], vector<16xf32>,
        %gather3A_215 = tpu.vector_load_idx %arg13[%add3A_164, %and3A_213] : memref<128x128xf32, #tpu.memory_space<vmem>>[vector<16xi32>, vector<16xi32>], vector<16xf32>,
        %mul3A_216 = arith.mulf %gather3A_214, %gather3A_215 : vector<16xf32>
        %add3A_217 = arith.addf %scan3A_184, %mul3A_216 : vector<16xf32>
        %add3A_218 = arith.constant 3 : i32
        %add3A_219 = vector.broadcast %add3A_218 : i32 to vector<16xi32>
        %add3A_220 = arith.addi %add3A_189, %add3A_219 : vector<16xi32>
        %and3A_221 = arith.constant 127 : i32
        %and3A_222 = vector.broadcast %and3A_221 : i32 to vector<16xi32>
        %and3A_223 = arith.andi %add3A_220, %and3A_222 : vector<16xi32>
        %gather3A_224 = tpu.vector_load_idx %arg11[%add3A_164, %and3A_223] : memref<128x128xf32, #tpu.memory_space<vmem>>[vector<16xi32>, vector<16xi32>], vector<16xf32>,
        %gather3A_225 = tpu.vector_load_idx %arg13[%add3A_164, %and3A_223] : memref<128x128xf32, #tpu.memory_space<vmem>>[vector<16xi32>, vector<16xi32>], vector<16xf32>,
        %mul3A_226 = arith.mulf %gather3A_224, %gather3A_225 : vector<16xf32>
        %add3A_227 = arith.addf %scan3A_185, %mul3A_226 : vector<16xf32>
        %add3A_228 = arith.constant 4 : i32
        %add3A_229 = vector.broadcast %add3A_228 : i32 to vector<16xi32>
        %add3A_230 = arith.addi %add3A_189, %add3A_229 : vector<16xi32>
        %and3A_231 = arith.constant 127 : i32
        %and3A_232 = vector.broadcast %and3A_231 : i32 to vector<16xi32>
        %and3A_233 = arith.andi %add3A_230, %and3A_232 : vector<16xi32>
        %gather3A_234 = tpu.vector_load_idx %arg11[%add3A_164, %and3A_233] : memref<128x128xf32, #tpu.memory_space<vmem>>[vector<16xi32>, vector<16xi32>], vector<16xf32>,
        %gather3A_235 = tpu.vector_load_idx %arg13[%add3A_164, %and3A_233] : memref<128x128xf32, #tpu.memory_space<vmem>>[vector<16xi32>, vector<16xi32>], vector<16xf32>,
        %mul3A_236 = arith.mulf %gather3A_234, %gather3A_235 : vector<16xf32>
        %add3A_237 = arith.addf %add3A_197, %mul3A_236 : vector<16xf32>
        %add3A_238 = arith.constant 5 : i32
        %add3A_239 = vector.broadcast %add3A_238 : i32 to vector<16xi32>
        %add3A_240 = arith.addi %add3A_189, %add3A_239 : vector<16xi32>
        %and3A_241 = arith.constant 127 : i32
        %and3A_242 = vector.broadcast %and3A_241 : i32 to vector<16xi32>
        %and3A_243 = arith.andi %add3A_240, %and3A_242 : vector<16xi32>
        %gather3A_244 = tpu.vector_load_idx %arg11[%add3A_164, %and3A_243] : memref<128x128xf32, #tpu.memory_space<vmem>>[vector<16xi32>, vector<16xi32>], vector<16xf32>,
        %gather3A_245 = tpu.vector_load_idx %arg13[%add3A_164, %and3A_243] : memref<128x128xf32, #tpu.memory_space<vmem>>[vector<16xi32>, vector<16xi32>], vector<16xf32>,
        %mul3A_246 = arith.mulf %gather3A_244, %gather3A_245 : vector<16xf32>
        %add3A_247 = arith.addf %add3A_207, %mul3A_246 : vector<16xf32>
        %add3A_248 = arith.constant 6 : i32
        %add3A_249 = vector.broadcast %add3A_248 : i32 to vector<16xi32>
        %add3A_250 = arith.addi %add3A_189, %add3A_249 : vector<16xi32>
        %and3A_251 = arith.constant 127 : i32
        %and3A_252 = vector.broadcast %and3A_251 : i32 to vector<16xi32>
        %and3A_253 = arith.andi %add3A_250, %and3A_252 : vector<16xi32>
        %gather3A_254 = tpu.vector_load_idx %arg11[%add3A_164, %and3A_253] : memref<128x128xf32, #tpu.memory_space<vmem>>[vector<16xi32>, vector<16xi32>], vector<16xf32>,
        %gather3A_255 = tpu.vector_load_idx %arg13[%add3A_164, %and3A_253] : memref<128x128xf32, #tpu.memory_space<vmem>>[vector<16xi32>, vector<16xi32>], vector<16xf32>,
        %mul3A_256 = arith.mulf %gather3A_254, %gather3A_255 : vector<16xf32>
        %add3A_257 = arith.addf %add3A_217, %mul3A_256 : vector<16xf32>
        %add3A_258 = arith.constant 7 : i32
        %add3A_259 = vector.broadcast %add3A_258 : i32 to vector<16xi32>
        %add3A_260 = arith.addi %add3A_189, %add3A_259 : vector<16xi32>
        %and3A_261 = arith.constant 127 : i32
        %and3A_262 = vector.broadcast %and3A_261 : i32 to vector<16xi32>
        %and3A_263 = arith.andi %add3A_260, %and3A_262 : vector<16xi32>
        %gather3A_264 = tpu.vector_load_idx %arg11[%add3A_164, %and3A_263] : memref<128x128xf32, #tpu.memory_space<vmem>>[vector<16xi32>, vector<16xi32>], vector<16xf32>,
        %gather3A_265 = tpu.vector_load_idx %arg13[%add3A_164, %and3A_263] : memref<128x128xf32, #tpu.memory_space<vmem>>[vector<16xi32>, vector<16xi32>], vector<16xf32>,
        %mul3A_266 = arith.mulf %gather3A_264, %gather3A_265 : vector<16xf32>
        %add3A_267 = arith.addf %add3A_227, %mul3A_266 : vector<16xf32>
        %add3A_268 = arith.constant 8 : i32
        %add3A_269 = vector.broadcast %add3A_268 : i32 to vector<16xi32>
        %add3A_270 = arith.addi %add3A_189, %add3A_269 : vector<16xi32>
        %and3A_271 = arith.constant 127 : i32
        %and3A_272 = vector.broadcast %and3A_271 : i32 to vector<16xi32>
        %and3A_273 = arith.andi %add3A_270, %and3A_272 : vector<16xi32>
        %gather3A_274 = tpu.vector_load_idx %arg11[%add3A_164, %and3A_273] : memref<128x128xf32, #tpu.memory_space<vmem>>[vector<16xi32>, vector<16xi32>], vector<16xf32>,
        %gather3A_275 = tpu.vector_load_idx %arg13[%add3A_164, %and3A_273] : memref<128x128xf32, #tpu.memory_space<vmem>>[vector<16xi32>, vector<16xi32>], vector<16xf32>,
        %mul3A_276 = arith.mulf %gather3A_274, %gather3A_275 : vector<16xf32>
        %add3A_277 = arith.addf %add3A_237, %mul3A_276 : vector<16xf32>
        %add3A_278 = arith.constant 9 : i32
        %add3A_279 = vector.broadcast %add3A_278 : i32 to vector<16xi32>
        %add3A_280 = arith.addi %add3A_189, %add3A_279 : vector<16xi32>
        %and3A_281 = arith.constant 127 : i32
        %and3A_282 = vector.broadcast %and3A_281 : i32 to vector<16xi32>
        %and3A_283 = arith.andi %add3A_280, %and3A_282 : vector<16xi32>
        %gather3A_284 = tpu.vector_load_idx %arg11[%add3A_164, %and3A_283] : memref<128x128xf32, #tpu.memory_space<vmem>>[vector<16xi32>, vector<16xi32>], vector<16xf32>,
        %gather3A_285 = tpu.vector_load_idx %arg13[%add3A_164, %and3A_283] : memref<128x128xf32, #tpu.memory_space<vmem>>[vector<16xi32>, vector<16xi32>], vector<16xf32>,
        %mul3A_286 = arith.mulf %gather3A_284, %gather3A_285 : vector<16xf32>
        %add3A_287 = arith.addf %add3A_247, %mul3A_286 : vector<16xf32>
        %add3A_288 = arith.constant 10 : i32
        %add3A_289 = vector.broadcast %add3A_288 : i32 to vector<16xi32>
        %add3A_290 = arith.addi %add3A_189, %add3A_289 : vector<16xi32>
        %and3A_291 = arith.constant 127 : i32
        %and3A_292 = vector.broadcast %and3A_291 : i32 to vector<16xi32>
        %and3A_293 = arith.andi %add3A_290, %and3A_292 : vector<16xi32>
        %gather3A_294 = tpu.vector_load_idx %arg11[%add3A_164, %and3A_293] : memref<128x128xf32, #tpu.memory_space<vmem>>[vector<16xi32>, vector<16xi32>], vector<16xf32>,
        %gather3A_295 = tpu.vector_load_idx %arg13[%add3A_164, %and3A_293] : memref<128x128xf32, #tpu.memory_space<vmem>>[vector<16xi32>, vector<16xi32>], vector<16xf32>,
        %mul3A_296 = arith.mulf %gather3A_294, %gather3A_295 : vector<16xf32>
        %add3A_297 = arith.addf %add3A_257, %mul3A_296 : vector<16xf32>
        %add3A_298 = arith.constant 11 : i32
        %add3A_299 = vector.broadcast %add3A_298 : i32 to vector<16xi32>
        %add3A_300 = arith.addi %add3A_189, %add3A_299 : vector<16xi32>
        %and3A_301 = arith.constant 127 : i32
        %and3A_302 = vector.broadcast %and3A_301 : i32 to vector<16xi32>
        %and3A_303 = arith.andi %add3A_300, %and3A_302 : vector<16xi32>
        %gather3A_304 = tpu.vector_load_idx %arg11[%add3A_164, %and3A_303] : memref<128x128xf32, #tpu.memory_space<vmem>>[vector<16xi32>, vector<16xi32>], vector<16xf32>,
        %gather3A_305 = tpu.vector_load_idx %arg13[%add3A_164, %and3A_303] : memref<128x128xf32, #tpu.memory_space<vmem>>[vector<16xi32>, vector<16xi32>], vector<16xf32>,
        %mul3A_306 = arith.mulf %gather3A_304, %gather3A_305 : vector<16xf32>
        %add3A_307 = arith.addf %add3A_267, %mul3A_306 : vector<16xf32>
        %add3A_308 = arith.constant 12 : i32
        %add3A_309 = vector.broadcast %add3A_308 : i32 to vector<16xi32>
        %add3A_310 = arith.addi %add3A_189, %add3A_309 : vector<16xi32>
        %and3A_311 = arith.constant 127 : i32
        %and3A_312 = vector.broadcast %and3A_311 : i32 to vector<16xi32>
        %and3A_313 = arith.andi %add3A_310, %and3A_312 : vector<16xi32>
        %gather3A_314 = tpu.vector_load_idx %arg11[%add3A_164, %and3A_313] : memref<128x128xf32, #tpu.memory_space<vmem>>[vector<16xi32>, vector<16xi32>], vector<16xf32>,
        %gather3A_315 = tpu.vector_load_idx %arg13[%add3A_164, %and3A_313] : memref<128x128xf32, #tpu.memory_space<vmem>>[vector<16xi32>, vector<16xi32>], vector<16xf32>,
        %mul3A_316 = arith.mulf %gather3A_314, %gather3A_315 : vector<16xf32>
        %add3A_317 = arith.addf %add3A_277, %mul3A_316 : vector<16xf32>
        %add3A_318 = arith.constant 13 : i32
        %add3A_319 = vector.broadcast %add3A_318 : i32 to vector<16xi32>
        %add3A_320 = arith.addi %add3A_189, %add3A_319 : vector<16xi32>
        %and3A_321 = arith.constant 127 : i32
        %and3A_322 = vector.broadcast %and3A_321 : i32 to vector<16xi32>
        %and3A_323 = arith.andi %add3A_320, %and3A_322 : vector<16xi32>
        %gather3A_324 = tpu.vector_load_idx %arg11[%add3A_164, %and3A_323] : memref<128x128xf32, #tpu.memory_space<vmem>>[vector<16xi32>, vector<16xi32>], vector<16xf32>,
        %gather3A_325 = tpu.vector_load_idx %arg13[%add3A_164, %and3A_323] : memref<128x128xf32, #tpu.memory_space<vmem>>[vector<16xi32>, vector<16xi32>], vector<16xf32>,
        %mul3A_326 = arith.mulf %gather3A_324, %gather3A_325 : vector<16xf32>
        %add3A_327 = arith.addf %add3A_287, %mul3A_326 : vector<16xf32>
        %add3A_328 = arith.constant 14 : i32
        %add3A_329 = vector.broadcast %add3A_328 : i32 to vector<16xi32>
        %add3A_330 = arith.addi %add3A_189, %add3A_329 : vector<16xi32>
        %and3A_331 = arith.constant 127 : i32
        %and3A_332 = vector.broadcast %and3A_331 : i32 to vector<16xi32>
        %and3A_333 = arith.andi %add3A_330, %and3A_332 : vector<16xi32>
        %gather3A_334 = tpu.vector_load_idx %arg11[%add3A_164, %and3A_333] : memref<128x128xf32, #tpu.memory_space<vmem>>[vector<16xi32>, vector<16xi32>], vector<16xf32>,
        %gather3A_335 = tpu.vector_load_idx %arg13[%add3A_164, %and3A_333] : memref<128x128xf32, #tpu.memory_space<vmem>>[vector<16xi32>, vector<16xi32>], vector<16xf32>,
        %mul3A_336 = arith.mulf %gather3A_334, %gather3A_335 : vector<16xf32>
        %add3A_337 = arith.addf %add3A_297, %mul3A_336 : vector<16xf32>
        %add3A_338 = arith.constant 15 : i32
        %add3A_339 = vector.broadcast %add3A_338 : i32 to vector<16xi32>
        %add3A_340 = arith.addi %add3A_189, %add3A_339 : vector<16xi32>
        %and3A_341 = arith.constant 127 : i32
        %and3A_342 = vector.broadcast %and3A_341 : i32 to vector<16xi32>
        %and3A_343 = arith.andi %add3A_340, %and3A_342 : vector<16xi32>
        %gather3A_344 = tpu.vector_load_idx %arg11[%add3A_164, %and3A_343] : memref<128x128xf32, #tpu.memory_space<vmem>>[vector<16xi32>, vector<16xi32>], vector<16xf32>,
        %gather3A_345 = tpu.vector_load_idx %arg13[%add3A_164, %and3A_343] : memref<128x128xf32, #tpu.memory_space<vmem>>[vector<16xi32>, vector<16xi32>], vector<16xf32>,
        %mul3A_346 = arith.mulf %gather3A_344, %gather3A_345 : vector<16xf32>
        %add3A_347 = arith.addf %add3A_307, %mul3A_346 : vector<16xf32>
        scf.yield %add3A_317, %add3A_327, %add3A_337, %add3A_347 : vector<16xf32>, vector<16xf32>, vector<16xf32>, vector<16xf32>
      }
      %scan3A_171 = arith.constant 8 : i32
      %add3A_172 = arith.addf %scan3A_170#0, %scan3A_170#1 : vector<16xf32>
      %add3A_173 = arith.addf %scan3A_170#2, %scan3A_170#3 : vector<16xf32>
      %add3A_174 = arith.addf %add3A_172, %add3A_173 : vector<16xf32>
      %add3A_175 = arith.addf %add3A_174, %get3A_26 : vector<16xf32>
      %mul3A_176 = arith.constant 16 : i32
      %mul3A_177 = arith.muli %scan3A_160, %mul3A_176 : i32
      %add3A_178 = arith.constant 384 : i32
      %add3A_179 = arith.addi %add3A_178, %mul3A_177 : i32
      %swap3A = arith.index_cast %add3A_179 : i32 to index
      %swap3A_180 = tpu.vector_load %arg15[%swap3A] {strides = array<i32>} : memref<512xf32, #tpu.memory_space<vmem>>, vector<16xf32>,
      tpu.vector_store %arg15[%swap3A], %add3A_175 {strides = array<i32>} : memref<512xf32, #tpu.memory_space<vmem>>, vector<16xf32>,
    }
    %scan3A_159 = arith.constant 8 : i32
    "tpu.region"() ({
      %run_scoped3A_160 = tpu.sem_alloc : memref<!tpu.dma_semaphore, #tpu.memory_space<semaphore_mem>>
      %dma_start3A_161 = tpu.memref_slice %arg7[%mul3A_2] : memref<16384xf32, #tpu.memory_space<hbm>> -> memref<512xf32, #tpu.memory_space<hbm>>
      %dma_start3A_162 = tpu.memref_slice %arg7[%mul3A_2] : memref<16384xf32, #tpu.memory_space<hbm>> -> memref<512xf32, #tpu.memory_space<hbm>>
      tpu.enqueue_dma source(%arg15 : memref<512xf32, #tpu.memory_space<vmem>>) target(%dma_start3A_162 : memref<512xf32, #tpu.memory_space<hbm>>) target_semaphore(%run_scoped3A_160 : memref<!tpu.dma_semaphore, #tpu.memory_space<semaphore_mem>>)
      %dma_wait3A_163 = tpu.memref_slice %arg7[%mul3A_2] : memref<16384xf32, #tpu.memory_space<hbm>> -> memref<512xf32, #tpu.memory_space<hbm>>
      %dma_wait3A_164 = tpu.memref_slice %arg7[%mul3A_2] : memref<16384xf32, #tpu.memory_space<hbm>> -> memref<512xf32, #tpu.memory_space<hbm>>
      tpu.wait_dma2 semaphore(%run_scoped3A_160 : memref<!tpu.dma_semaphore, #tpu.memory_space<semaphore_mem>>) src(%arg15 : memref<512xf32, #tpu.memory_space<vmem>>) dst(%dma_wait3A_164 : memref<512xf32, #tpu.memory_space<hbm>>)
      tpu.yield
    }) : () -> ()
    return
  }
}

#map = affine_map<(d0, d1) -> (0)>
module attributes {stable_mosaic.version = 14 : i64} {
  func.func @_bias_add_body(%arg0: i32, %arg1: i32, %arg2: memref<16384xi32, #tpu.memory_space<hbm>>, %arg3: memref<16384xi32, #tpu.memory_space<hbm>>, %arg4: memref<16384xf32, #tpu.memory_space<hbm>>, %arg5: memref<1000000xf32, #tpu.memory_space<hbm>>, %arg6: memref<100000xf32, #tpu.memory_space<hbm>>, %arg7: memref<16384xf32, #tpu.memory_space<hbm>>, %arg8: memref<4x128xi32, #tpu.memory_space<vmem>>, %arg9: memref<4x128xi32, #tpu.memory_space<vmem>>, %arg10: memref<512xf32, #tpu.memory_space<vmem>>, %arg11: memref<512xf32, #tpu.memory_space<vmem>>, %arg12: memref<512xf32, #tpu.memory_space<vmem>>, %arg13: memref<!tpu.dma_semaphore, #tpu.memory_space<semaphore_mem>>, %arg14: memref<!tpu.dma_semaphore, #tpu.memory_space<semaphore_mem>>) attributes {dimension_semantics = [#tpu.dimension_semantics<core_parallel>, #tpu.dimension_semantics<subcore_parallel>], iteration_bounds = array<i64: 2, 16>, scalar_prefetch = 0 : i64, scratch_operands = 7 : i64, tpu.core_type = #tpu.core_type<sc_vector_subcore>, window_params = [{transform_indices = #map}, {transform_indices = #map}, {transform_indices = #map}, {transform_indices = #map}, {transform_indices = #map}, {transform_indices = #map}]} {
    %mul3A = arith.constant 2 : i32
    %mul3A_0 = arith.muli %arg1, %mul3A : i32
    %add3A = arith.addi %mul3A_0, %arg0 : i32
    %mul3A_1 = arith.constant 512 : i32
    %mul3A_2 = arith.muli %add3A, %mul3A_1 : i32
    %dma_start3A = tpu.memref_slice %arg4[%mul3A_2] : memref<16384xf32, #tpu.memory_space<hbm>> -> memref<512xf32, #tpu.memory_space<hbm>>
    %dma_start3A_3 = tpu.memref_slice %arg4[%mul3A_2] : memref<16384xf32, #tpu.memory_space<hbm>> -> memref<512xf32, #tpu.memory_space<hbm>>
    tpu.enqueue_dma source(%dma_start3A_3 : memref<512xf32, #tpu.memory_space<hbm>>) target(%arg10 : memref<512xf32, #tpu.memory_space<vmem>>) target_semaphore(%arg13 : memref<!tpu.dma_semaphore, #tpu.memory_space<semaphore_mem>>)
    %add3A_4 = arith.constant 0 : i32
    %add3A_5 = arith.addi %mul3A_2, %add3A_4 : i32
    %dma_start3A_6 = arith.constant 0 : i32
    %dma_start3A_7 = arith.constant 0 : i32
    %dma_start3A_8 = tpu.memref_slice %arg8[%dma_start3A_6, %dma_start3A_7] : memref<4x128xi32, #tpu.memory_space<vmem>> -> memref<1x128xi32, #tpu.memory_space<vmem>>
    %dma_start3A_9 = tpu.memref_squeeze %dma_start3A_8 : memref<1x128xi32, #tpu.memory_space<vmem>> -> memref<128xi32, #tpu.memory_space<vmem>>
    %dma_start3A_10 = tpu.memref_slice %arg2[%add3A_5] : memref<16384xi32, #tpu.memory_space<hbm>> -> memref<128xi32, #tpu.memory_space<hbm>>
    %dma_start3A_11 = arith.constant 0 : i32
    %dma_start3A_12 = tpu.memref_slice %arg8[%dma_start3A_6, %dma_start3A_11] : memref<4x128xi32, #tpu.memory_space<vmem>> -> memref<1x128xi32, #tpu.memory_space<vmem>>
    %dma_start3A_13 = tpu.memref_squeeze %dma_start3A_12 : memref<1x128xi32, #tpu.memory_space<vmem>> -> memref<128xi32, #tpu.memory_space<vmem>>
    %dma_start3A_14 = tpu.memref_slice %arg2[%add3A_5] : memref<16384xi32, #tpu.memory_space<hbm>> -> memref<128xi32, #tpu.memory_space<hbm>>
    tpu.enqueue_dma source(%dma_start3A_14 : memref<128xi32, #tpu.memory_space<hbm>>) target(%dma_start3A_13 : memref<128xi32, #tpu.memory_space<vmem>>) target_semaphore(%arg13 : memref<!tpu.dma_semaphore, #tpu.memory_space<semaphore_mem>>)
    %add3A_15 = arith.constant 0 : i32
    %add3A_16 = arith.addi %mul3A_2, %add3A_15 : i32
    %dma_start3A_17 = arith.constant 0 : i32
    %dma_start3A_18 = arith.constant 0 : i32
    %dma_start3A_19 = tpu.memref_slice %arg9[%dma_start3A_17, %dma_start3A_18] : memref<4x128xi32, #tpu.memory_space<vmem>> -> memref<1x128xi32, #tpu.memory_space<vmem>>
    %dma_start3A_20 = tpu.memref_squeeze %dma_start3A_19 : memref<1x128xi32, #tpu.memory_space<vmem>> -> memref<128xi32, #tpu.memory_space<vmem>>
    %dma_start3A_21 = tpu.memref_slice %arg3[%add3A_16] : memref<16384xi32, #tpu.memory_space<hbm>> -> memref<128xi32, #tpu.memory_space<hbm>>
    %dma_start3A_22 = arith.constant 0 : i32
    %dma_start3A_23 = tpu.memref_slice %arg9[%dma_start3A_17, %dma_start3A_22] : memref<4x128xi32, #tpu.memory_space<vmem>> -> memref<1x128xi32, #tpu.memory_space<vmem>>
    %dma_start3A_24 = tpu.memref_squeeze %dma_start3A_23 : memref<1x128xi32, #tpu.memory_space<vmem>> -> memref<128xi32, #tpu.memory_space<vmem>>
    %dma_start3A_25 = tpu.memref_slice %arg3[%add3A_16] : memref<16384xi32, #tpu.memory_space<hbm>> -> memref<128xi32, #tpu.memory_space<hbm>>
    tpu.enqueue_dma source(%dma_start3A_25 : memref<128xi32, #tpu.memory_space<hbm>>) target(%dma_start3A_24 : memref<128xi32, #tpu.memory_space<vmem>>) target_semaphore(%arg13 : memref<!tpu.dma_semaphore, #tpu.memory_space<semaphore_mem>>)
    %add3A_26 = arith.constant 128 : i32
    %add3A_27 = arith.addi %mul3A_2, %add3A_26 : i32
    %dma_start3A_28 = arith.constant 1 : i32
    %dma_start3A_29 = arith.constant 0 : i32
    %dma_start3A_30 = tpu.memref_slice %arg8[%dma_start3A_28, %dma_start3A_29] : memref<4x128xi32, #tpu.memory_space<vmem>> -> memref<1x128xi32, #tpu.memory_space<vmem>>
    %dma_start3A_31 = tpu.memref_squeeze %dma_start3A_30 : memref<1x128xi32, #tpu.memory_space<vmem>> -> memref<128xi32, #tpu.memory_space<vmem>>
    %dma_start3A_32 = tpu.memref_slice %arg2[%add3A_27] : memref<16384xi32, #tpu.memory_space<hbm>> -> memref<128xi32, #tpu.memory_space<hbm>>
    %dma_start3A_33 = arith.constant 0 : i32
    %dma_start3A_34 = tpu.memref_slice %arg8[%dma_start3A_28, %dma_start3A_33] : memref<4x128xi32, #tpu.memory_space<vmem>> -> memref<1x128xi32, #tpu.memory_space<vmem>>
    %dma_start3A_35 = tpu.memref_squeeze %dma_start3A_34 : memref<1x128xi32, #tpu.memory_space<vmem>> -> memref<128xi32, #tpu.memory_space<vmem>>
    %dma_start3A_36 = tpu.memref_slice %arg2[%add3A_27] : memref<16384xi32, #tpu.memory_space<hbm>> -> memref<128xi32, #tpu.memory_space<hbm>>
    tpu.enqueue_dma source(%dma_start3A_36 : memref<128xi32, #tpu.memory_space<hbm>>) target(%dma_start3A_35 : memref<128xi32, #tpu.memory_space<vmem>>) target_semaphore(%arg13 : memref<!tpu.dma_semaphore, #tpu.memory_space<semaphore_mem>>)
    %add3A_37 = arith.constant 128 : i32
    %add3A_38 = arith.addi %mul3A_2, %add3A_37 : i32
    %dma_start3A_39 = arith.constant 1 : i32
    %dma_start3A_40 = arith.constant 0 : i32
    %dma_start3A_41 = tpu.memref_slice %arg9[%dma_start3A_39, %dma_start3A_40] : memref<4x128xi32, #tpu.memory_space<vmem>> -> memref<1x128xi32, #tpu.memory_space<vmem>>
    %dma_start3A_42 = tpu.memref_squeeze %dma_start3A_41 : memref<1x128xi32, #tpu.memory_space<vmem>> -> memref<128xi32, #tpu.memory_space<vmem>>
    %dma_start3A_43 = tpu.memref_slice %arg3[%add3A_38] : memref<16384xi32, #tpu.memory_space<hbm>> -> memref<128xi32, #tpu.memory_space<hbm>>
    %dma_start3A_44 = arith.constant 0 : i32
    %dma_start3A_45 = tpu.memref_slice %arg9[%dma_start3A_39, %dma_start3A_44] : memref<4x128xi32, #tpu.memory_space<vmem>> -> memref<1x128xi32, #tpu.memory_space<vmem>>
    %dma_start3A_46 = tpu.memref_squeeze %dma_start3A_45 : memref<1x128xi32, #tpu.memory_space<vmem>> -> memref<128xi32, #tpu.memory_space<vmem>>
    %dma_start3A_47 = tpu.memref_slice %arg3[%add3A_38] : memref<16384xi32, #tpu.memory_space<hbm>> -> memref<128xi32, #tpu.memory_space<hbm>>
    tpu.enqueue_dma source(%dma_start3A_47 : memref<128xi32, #tpu.memory_space<hbm>>) target(%dma_start3A_46 : memref<128xi32, #tpu.memory_space<vmem>>) target_semaphore(%arg13 : memref<!tpu.dma_semaphore, #tpu.memory_space<semaphore_mem>>)
    %add3A_48 = arith.constant 256 : i32
    %add3A_49 = arith.addi %mul3A_2, %add3A_48 : i32
    %dma_start3A_50 = arith.constant 2 : i32
    %dma_start3A_51 = arith.constant 0 : i32
    %dma_start3A_52 = tpu.memref_slice %arg8[%dma_start3A_50, %dma_start3A_51] : memref<4x128xi32, #tpu.memory_space<vmem>> -> memref<1x128xi32, #tpu.memory_space<vmem>>
    %dma_start3A_53 = tpu.memref_squeeze %dma_start3A_52 : memref<1x128xi32, #tpu.memory_space<vmem>> -> memref<128xi32, #tpu.memory_space<vmem>>
    %dma_start3A_54 = tpu.memref_slice %arg2[%add3A_49] : memref<16384xi32, #tpu.memory_space<hbm>> -> memref<128xi32, #tpu.memory_space<hbm>>
    %dma_start3A_55 = arith.constant 0 : i32
    %dma_start3A_56 = tpu.memref_slice %arg8[%dma_start3A_50, %dma_start3A_55] : memref<4x128xi32, #tpu.memory_space<vmem>> -> memref<1x128xi32, #tpu.memory_space<vmem>>
    %dma_start3A_57 = tpu.memref_squeeze %dma_start3A_56 : memref<1x128xi32, #tpu.memory_space<vmem>> -> memref<128xi32, #tpu.memory_space<vmem>>
    %dma_start3A_58 = tpu.memref_slice %arg2[%add3A_49] : memref<16384xi32, #tpu.memory_space<hbm>> -> memref<128xi32, #tpu.memory_space<hbm>>
    tpu.enqueue_dma source(%dma_start3A_58 : memref<128xi32, #tpu.memory_space<hbm>>) target(%dma_start3A_57 : memref<128xi32, #tpu.memory_space<vmem>>) target_semaphore(%arg13 : memref<!tpu.dma_semaphore, #tpu.memory_space<semaphore_mem>>)
    %add3A_59 = arith.constant 256 : i32
    %add3A_60 = arith.addi %mul3A_2, %add3A_59 : i32
    %dma_start3A_61 = arith.constant 2 : i32
    %dma_start3A_62 = arith.constant 0 : i32
    %dma_start3A_63 = tpu.memref_slice %arg9[%dma_start3A_61, %dma_start3A_62] : memref<4x128xi32, #tpu.memory_space<vmem>> -> memref<1x128xi32, #tpu.memory_space<vmem>>
    %dma_start3A_64 = tpu.memref_squeeze %dma_start3A_63 : memref<1x128xi32, #tpu.memory_space<vmem>> -> memref<128xi32, #tpu.memory_space<vmem>>
    %dma_start3A_65 = tpu.memref_slice %arg3[%add3A_60] : memref<16384xi32, #tpu.memory_space<hbm>> -> memref<128xi32, #tpu.memory_space<hbm>>
    %dma_start3A_66 = arith.constant 0 : i32
    %dma_start3A_67 = tpu.memref_slice %arg9[%dma_start3A_61, %dma_start3A_66] : memref<4x128xi32, #tpu.memory_space<vmem>> -> memref<1x128xi32, #tpu.memory_space<vmem>>
    %dma_start3A_68 = tpu.memref_squeeze %dma_start3A_67 : memref<1x128xi32, #tpu.memory_space<vmem>> -> memref<128xi32, #tpu.memory_space<vmem>>
    %dma_start3A_69 = tpu.memref_slice %arg3[%add3A_60] : memref<16384xi32, #tpu.memory_space<hbm>> -> memref<128xi32, #tpu.memory_space<hbm>>
    tpu.enqueue_dma source(%dma_start3A_69 : memref<128xi32, #tpu.memory_space<hbm>>) target(%dma_start3A_68 : memref<128xi32, #tpu.memory_space<vmem>>) target_semaphore(%arg13 : memref<!tpu.dma_semaphore, #tpu.memory_space<semaphore_mem>>)
    %add3A_70 = arith.constant 384 : i32
    %add3A_71 = arith.addi %mul3A_2, %add3A_70 : i32
    %dma_start3A_72 = arith.constant 3 : i32
    %dma_start3A_73 = arith.constant 0 : i32
    %dma_start3A_74 = tpu.memref_slice %arg8[%dma_start3A_72, %dma_start3A_73] : memref<4x128xi32, #tpu.memory_space<vmem>> -> memref<1x128xi32, #tpu.memory_space<vmem>>
    %dma_start3A_75 = tpu.memref_squeeze %dma_start3A_74 : memref<1x128xi32, #tpu.memory_space<vmem>> -> memref<128xi32, #tpu.memory_space<vmem>>
    %dma_start3A_76 = tpu.memref_slice %arg2[%add3A_71] : memref<16384xi32, #tpu.memory_space<hbm>> -> memref<128xi32, #tpu.memory_space<hbm>>
    %dma_start3A_77 = arith.constant 0 : i32
    %dma_start3A_78 = tpu.memref_slice %arg8[%dma_start3A_72, %dma_start3A_77] : memref<4x128xi32, #tpu.memory_space<vmem>> -> memref<1x128xi32, #tpu.memory_space<vmem>>
    %dma_start3A_79 = tpu.memref_squeeze %dma_start3A_78 : memref<1x128xi32, #tpu.memory_space<vmem>> -> memref<128xi32, #tpu.memory_space<vmem>>
    %dma_start3A_80 = tpu.memref_slice %arg2[%add3A_71] : memref<16384xi32, #tpu.memory_space<hbm>> -> memref<128xi32, #tpu.memory_space<hbm>>
    tpu.enqueue_dma source(%dma_start3A_80 : memref<128xi32, #tpu.memory_space<hbm>>) target(%dma_start3A_79 : memref<128xi32, #tpu.memory_space<vmem>>) target_semaphore(%arg13 : memref<!tpu.dma_semaphore, #tpu.memory_space<semaphore_mem>>)
    %add3A_81 = arith.constant 384 : i32
    %add3A_82 = arith.addi %mul3A_2, %add3A_81 : i32
    %dma_start3A_83 = arith.constant 3 : i32
    %dma_start3A_84 = arith.constant 0 : i32
    %dma_start3A_85 = tpu.memref_slice %arg9[%dma_start3A_83, %dma_start3A_84] : memref<4x128xi32, #tpu.memory_space<vmem>> -> memref<1x128xi32, #tpu.memory_space<vmem>>
    %dma_start3A_86 = tpu.memref_squeeze %dma_start3A_85 : memref<1x128xi32, #tpu.memory_space<vmem>> -> memref<128xi32, #tpu.memory_space<vmem>>
    %dma_start3A_87 = tpu.memref_slice %arg3[%add3A_82] : memref<16384xi32, #tpu.memory_space<hbm>> -> memref<128xi32, #tpu.memory_space<hbm>>
    %dma_start3A_88 = arith.constant 0 : i32
    %dma_start3A_89 = tpu.memref_slice %arg9[%dma_start3A_83, %dma_start3A_88] : memref<4x128xi32, #tpu.memory_space<vmem>> -> memref<1x128xi32, #tpu.memory_space<vmem>>
    %dma_start3A_90 = tpu.memref_squeeze %dma_start3A_89 : memref<1x128xi32, #tpu.memory_space<vmem>> -> memref<128xi32, #tpu.memory_space<vmem>>
    %dma_start3A_91 = tpu.memref_slice %arg3[%add3A_82] : memref<16384xi32, #tpu.memory_space<hbm>> -> memref<128xi32, #tpu.memory_space<hbm>>
    tpu.enqueue_dma source(%dma_start3A_91 : memref<128xi32, #tpu.memory_space<hbm>>) target(%dma_start3A_90 : memref<128xi32, #tpu.memory_space<vmem>>) target_semaphore(%arg13 : memref<!tpu.dma_semaphore, #tpu.memory_space<semaphore_mem>>)
    %dma_wait3A = arith.constant 0 : i32
    %dma_wait3A_92 = arith.constant 0 : i32
    %dma_wait3A_93 = tpu.memref_slice %arg8[%dma_wait3A, %dma_wait3A_92] : memref<4x128xi32, #tpu.memory_space<vmem>> -> memref<1x128xi32, #tpu.memory_space<vmem>>
    %dma_wait3A_94 = tpu.memref_squeeze %dma_wait3A_93 : memref<1x128xi32, #tpu.memory_space<vmem>> -> memref<128xi32, #tpu.memory_space<vmem>>
    %dma_wait3A_95 = tpu.memref_slice %arg2[%add3A_5] : memref<16384xi32, #tpu.memory_space<hbm>> -> memref<128xi32, #tpu.memory_space<hbm>>
    %dma_wait3A_96 = arith.constant 0 : i32
    %dma_wait3A_97 = tpu.memref_slice %arg8[%dma_wait3A, %dma_wait3A_96] : memref<4x128xi32, #tpu.memory_space<vmem>> -> memref<1x128xi32, #tpu.memory_space<vmem>>
    %dma_wait3A_98 = tpu.memref_squeeze %dma_wait3A_97 : memref<1x128xi32, #tpu.memory_space<vmem>> -> memref<128xi32, #tpu.memory_space<vmem>>
    %dma_wait3A_99 = tpu.memref_slice %arg2[%add3A_5] : memref<16384xi32, #tpu.memory_space<hbm>> -> memref<128xi32, #tpu.memory_space<hbm>>
    tpu.wait_dma2 semaphore(%arg13 : memref<!tpu.dma_semaphore, #tpu.memory_space<semaphore_mem>>) src(%dma_wait3A_99 : memref<128xi32, #tpu.memory_space<hbm>>) dst(%dma_wait3A_98 : memref<128xi32, #tpu.memory_space<vmem>>)
    %dma_wait3A_100 = arith.constant 0 : i32
    %dma_wait3A_101 = arith.constant 0 : i32
    %dma_wait3A_102 = tpu.memref_slice %arg9[%dma_wait3A_100, %dma_wait3A_101] : memref<4x128xi32, #tpu.memory_space<vmem>> -> memref<1x128xi32, #tpu.memory_space<vmem>>
    %dma_wait3A_103 = tpu.memref_squeeze %dma_wait3A_102 : memref<1x128xi32, #tpu.memory_space<vmem>> -> memref<128xi32, #tpu.memory_space<vmem>>
    %dma_wait3A_104 = tpu.memref_slice %arg3[%add3A_16] : memref<16384xi32, #tpu.memory_space<hbm>> -> memref<128xi32, #tpu.memory_space<hbm>>
    %dma_wait3A_105 = arith.constant 0 : i32
    %dma_wait3A_106 = tpu.memref_slice %arg9[%dma_wait3A_100, %dma_wait3A_105] : memref<4x128xi32, #tpu.memory_space<vmem>> -> memref<1x128xi32, #tpu.memory_space<vmem>>
    %dma_wait3A_107 = tpu.memref_squeeze %dma_wait3A_106 : memref<1x128xi32, #tpu.memory_space<vmem>> -> memref<128xi32, #tpu.memory_space<vmem>>
    %dma_wait3A_108 = tpu.memref_slice %arg3[%add3A_16] : memref<16384xi32, #tpu.memory_space<hbm>> -> memref<128xi32, #tpu.memory_space<hbm>>
    tpu.wait_dma2 semaphore(%arg13 : memref<!tpu.dma_semaphore, #tpu.memory_space<semaphore_mem>>) src(%dma_wait3A_108 : memref<128xi32, #tpu.memory_space<hbm>>) dst(%dma_wait3A_107 : memref<128xi32, #tpu.memory_space<vmem>>)
    %dma_wait3A_109 = arith.constant 1 : i32
    %dma_wait3A_110 = arith.constant 0 : i32
    %dma_wait3A_111 = tpu.memref_slice %arg8[%dma_wait3A_109, %dma_wait3A_110] : memref<4x128xi32, #tpu.memory_space<vmem>> -> memref<1x128xi32, #tpu.memory_space<vmem>>
    %dma_wait3A_112 = tpu.memref_squeeze %dma_wait3A_111 : memref<1x128xi32, #tpu.memory_space<vmem>> -> memref<128xi32, #tpu.memory_space<vmem>>
    %dma_wait3A_113 = tpu.memref_slice %arg2[%add3A_27] : memref<16384xi32, #tpu.memory_space<hbm>> -> memref<128xi32, #tpu.memory_space<hbm>>
    %dma_wait3A_114 = arith.constant 0 : i32
    %dma_wait3A_115 = tpu.memref_slice %arg8[%dma_wait3A_109, %dma_wait3A_114] : memref<4x128xi32, #tpu.memory_space<vmem>> -> memref<1x128xi32, #tpu.memory_space<vmem>>
    %dma_wait3A_116 = tpu.memref_squeeze %dma_wait3A_115 : memref<1x128xi32, #tpu.memory_space<vmem>> -> memref<128xi32, #tpu.memory_space<vmem>>
    %dma_wait3A_117 = tpu.memref_slice %arg2[%add3A_27] : memref<16384xi32, #tpu.memory_space<hbm>> -> memref<128xi32, #tpu.memory_space<hbm>>
    tpu.wait_dma2 semaphore(%arg13 : memref<!tpu.dma_semaphore, #tpu.memory_space<semaphore_mem>>) src(%dma_wait3A_117 : memref<128xi32, #tpu.memory_space<hbm>>) dst(%dma_wait3A_116 : memref<128xi32, #tpu.memory_space<vmem>>)
    %dma_wait3A_118 = arith.constant 1 : i32
    %dma_wait3A_119 = arith.constant 0 : i32
    %dma_wait3A_120 = tpu.memref_slice %arg9[%dma_wait3A_118, %dma_wait3A_119] : memref<4x128xi32, #tpu.memory_space<vmem>> -> memref<1x128xi32, #tpu.memory_space<vmem>>
    %dma_wait3A_121 = tpu.memref_squeeze %dma_wait3A_120 : memref<1x128xi32, #tpu.memory_space<vmem>> -> memref<128xi32, #tpu.memory_space<vmem>>
    %dma_wait3A_122 = tpu.memref_slice %arg3[%add3A_38] : memref<16384xi32, #tpu.memory_space<hbm>> -> memref<128xi32, #tpu.memory_space<hbm>>
    %dma_wait3A_123 = arith.constant 0 : i32
    %dma_wait3A_124 = tpu.memref_slice %arg9[%dma_wait3A_118, %dma_wait3A_123] : memref<4x128xi32, #tpu.memory_space<vmem>> -> memref<1x128xi32, #tpu.memory_space<vmem>>
    %dma_wait3A_125 = tpu.memref_squeeze %dma_wait3A_124 : memref<1x128xi32, #tpu.memory_space<vmem>> -> memref<128xi32, #tpu.memory_space<vmem>>
    %dma_wait3A_126 = tpu.memref_slice %arg3[%add3A_38] : memref<16384xi32, #tpu.memory_space<hbm>> -> memref<128xi32, #tpu.memory_space<hbm>>
    tpu.wait_dma2 semaphore(%arg13 : memref<!tpu.dma_semaphore, #tpu.memory_space<semaphore_mem>>) src(%dma_wait3A_126 : memref<128xi32, #tpu.memory_space<hbm>>) dst(%dma_wait3A_125 : memref<128xi32, #tpu.memory_space<vmem>>)
    %dma_wait3A_127 = arith.constant 2 : i32
    %dma_wait3A_128 = arith.constant 0 : i32
    %dma_wait3A_129 = tpu.memref_slice %arg8[%dma_wait3A_127, %dma_wait3A_128] : memref<4x128xi32, #tpu.memory_space<vmem>> -> memref<1x128xi32, #tpu.memory_space<vmem>>
    %dma_wait3A_130 = tpu.memref_squeeze %dma_wait3A_129 : memref<1x128xi32, #tpu.memory_space<vmem>> -> memref<128xi32, #tpu.memory_space<vmem>>
    %dma_wait3A_131 = tpu.memref_slice %arg2[%add3A_49] : memref<16384xi32, #tpu.memory_space<hbm>> -> memref<128xi32, #tpu.memory_space<hbm>>
    %dma_wait3A_132 = arith.constant 0 : i32
    %dma_wait3A_133 = tpu.memref_slice %arg8[%dma_wait3A_127, %dma_wait3A_132] : memref<4x128xi32, #tpu.memory_space<vmem>> -> memref<1x128xi32, #tpu.memory_space<vmem>>
    %dma_wait3A_134 = tpu.memref_squeeze %dma_wait3A_133 : memref<1x128xi32, #tpu.memory_space<vmem>> -> memref<128xi32, #tpu.memory_space<vmem>>
    %dma_wait3A_135 = tpu.memref_slice %arg2[%add3A_49] : memref<16384xi32, #tpu.memory_space<hbm>> -> memref<128xi32, #tpu.memory_space<hbm>>
    tpu.wait_dma2 semaphore(%arg13 : memref<!tpu.dma_semaphore, #tpu.memory_space<semaphore_mem>>) src(%dma_wait3A_135 : memref<128xi32, #tpu.memory_space<hbm>>) dst(%dma_wait3A_134 : memref<128xi32, #tpu.memory_space<vmem>>)
    %dma_wait3A_136 = arith.constant 2 : i32
    %dma_wait3A_137 = arith.constant 0 : i32
    %dma_wait3A_138 = tpu.memref_slice %arg9[%dma_wait3A_136, %dma_wait3A_137] : memref<4x128xi32, #tpu.memory_space<vmem>> -> memref<1x128xi32, #tpu.memory_space<vmem>>
    %dma_wait3A_139 = tpu.memref_squeeze %dma_wait3A_138 : memref<1x128xi32, #tpu.memory_space<vmem>> -> memref<128xi32, #tpu.memory_space<vmem>>
    %dma_wait3A_140 = tpu.memref_slice %arg3[%add3A_60] : memref<16384xi32, #tpu.memory_space<hbm>> -> memref<128xi32, #tpu.memory_space<hbm>>
    %dma_wait3A_141 = arith.constant 0 : i32
    %dma_wait3A_142 = tpu.memref_slice %arg9[%dma_wait3A_136, %dma_wait3A_141] : memref<4x128xi32, #tpu.memory_space<vmem>> -> memref<1x128xi32, #tpu.memory_space<vmem>>
    %dma_wait3A_143 = tpu.memref_squeeze %dma_wait3A_142 : memref<1x128xi32, #tpu.memory_space<vmem>> -> memref<128xi32, #tpu.memory_space<vmem>>
    %dma_wait3A_144 = tpu.memref_slice %arg3[%add3A_60] : memref<16384xi32, #tpu.memory_space<hbm>> -> memref<128xi32, #tpu.memory_space<hbm>>
    tpu.wait_dma2 semaphore(%arg13 : memref<!tpu.dma_semaphore, #tpu.memory_space<semaphore_mem>>) src(%dma_wait3A_144 : memref<128xi32, #tpu.memory_space<hbm>>) dst(%dma_wait3A_143 : memref<128xi32, #tpu.memory_space<vmem>>)
    %dma_wait3A_145 = arith.constant 3 : i32
    %dma_wait3A_146 = arith.constant 0 : i32
    %dma_wait3A_147 = tpu.memref_slice %arg8[%dma_wait3A_145, %dma_wait3A_146] : memref<4x128xi32, #tpu.memory_space<vmem>> -> memref<1x128xi32, #tpu.memory_space<vmem>>
    %dma_wait3A_148 = tpu.memref_squeeze %dma_wait3A_147 : memref<1x128xi32, #tpu.memory_space<vmem>> -> memref<128xi32, #tpu.memory_space<vmem>>
    %dma_wait3A_149 = tpu.memref_slice %arg2[%add3A_71] : memref<16384xi32, #tpu.memory_space<hbm>> -> memref<128xi32, #tpu.memory_space<hbm>>
    %dma_wait3A_150 = arith.constant 0 : i32
    %dma_wait3A_151 = tpu.memref_slice %arg8[%dma_wait3A_145, %dma_wait3A_150] : memref<4x128xi32, #tpu.memory_space<vmem>> -> memref<1x128xi32, #tpu.memory_space<vmem>>
    %dma_wait3A_152 = tpu.memref_squeeze %dma_wait3A_151 : memref<1x128xi32, #tpu.memory_space<vmem>> -> memref<128xi32, #tpu.memory_space<vmem>>
    %dma_wait3A_153 = tpu.memref_slice %arg2[%add3A_71] : memref<16384xi32, #tpu.memory_space<hbm>> -> memref<128xi32, #tpu.memory_space<hbm>>
    tpu.wait_dma2 semaphore(%arg13 : memref<!tpu.dma_semaphore, #tpu.memory_space<semaphore_mem>>) src(%dma_wait3A_153 : memref<128xi32, #tpu.memory_space<hbm>>) dst(%dma_wait3A_152 : memref<128xi32, #tpu.memory_space<vmem>>)
    %dma_wait3A_154 = arith.constant 3 : i32
    %dma_wait3A_155 = arith.constant 0 : i32
    %dma_wait3A_156 = tpu.memref_slice %arg9[%dma_wait3A_154, %dma_wait3A_155] : memref<4x128xi32, #tpu.memory_space<vmem>> -> memref<1x128xi32, #tpu.memory_space<vmem>>
    %dma_wait3A_157 = tpu.memref_squeeze %dma_wait3A_156 : memref<1x128xi32, #tpu.memory_space<vmem>> -> memref<128xi32, #tpu.memory_space<vmem>>
    %dma_wait3A_158 = tpu.memref_slice %arg3[%add3A_82] : memref<16384xi32, #tpu.memory_space<hbm>> -> memref<128xi32, #tpu.memory_space<hbm>>
    %dma_wait3A_159 = arith.constant 0 : i32
    %dma_wait3A_160 = tpu.memref_slice %arg9[%dma_wait3A_154, %dma_wait3A_159] : memref<4x128xi32, #tpu.memory_space<vmem>> -> memref<1x128xi32, #tpu.memory_space<vmem>>
    %dma_wait3A_161 = tpu.memref_squeeze %dma_wait3A_160 : memref<1x128xi32, #tpu.memory_space<vmem>> -> memref<128xi32, #tpu.memory_space<vmem>>
    %dma_wait3A_162 = tpu.memref_slice %arg3[%add3A_82] : memref<16384xi32, #tpu.memory_space<hbm>> -> memref<128xi32, #tpu.memory_space<hbm>>
    tpu.wait_dma2 semaphore(%arg13 : memref<!tpu.dma_semaphore, #tpu.memory_space<semaphore_mem>>) src(%dma_wait3A_162 : memref<128xi32, #tpu.memory_space<hbm>>) dst(%dma_wait3A_161 : memref<128xi32, #tpu.memory_space<vmem>>)
    %dma_start3A_163 = arith.constant 0 : i32
    %dma_start3A_164 = arith.constant 0 : i32
    %dma_start3A_165 = tpu.memref_slice %arg11[%dma_start3A_164] : memref<512xf32, #tpu.memory_space<vmem>> -> memref<128xf32, #tpu.memory_space<vmem>>
    %dma_start3A_166 = arith.constant 0 : i32
    %dma_start3A_167 = tpu.memref_slice %arg8[%dma_start3A_163, %dma_start3A_166] : memref<4x128xi32, #tpu.memory_space<vmem>> -> memref<1x128xi32, #tpu.memory_space<vmem>>
    %dma_start3A_168 = tpu.memref_squeeze %dma_start3A_167 : memref<1x128xi32, #tpu.memory_space<vmem>> -> memref<128xi32, #tpu.memory_space<vmem>>
    %dma_start3A_169 = arith.constant 0 : i32
    %dma_start3A_170 = tpu.memref_slice %arg5[%dma_start3A_169] : memref<1000000xf32, #tpu.memory_space<hbm>> -> memref<1000000xf32, #tpu.memory_space<hbm>>
    tpu.enqueue_indirect_dma source(%dma_start3A_170 : memref<1000000xf32, #tpu.memory_space<hbm>>) target(%dma_start3A_165 : memref<128xf32, #tpu.memory_space<vmem>>) offsets(%dma_start3A_168 : memref<128xi32, #tpu.memory_space<vmem>>) semaphore(%arg14 : memref<!tpu.dma_semaphore, #tpu.memory_space<semaphore_mem>>)
    %dma_start3A_171 = arith.constant 0 : i32
    %dma_start3A_172 = arith.constant 0 : i32
    %dma_start3A_173 = tpu.memref_slice %arg12[%dma_start3A_172] : memref<512xf32, #tpu.memory_space<vmem>> -> memref<128xf32, #tpu.memory_space<vmem>>
    %dma_start3A_174 = arith.constant 0 : i32
    %dma_start3A_175 = tpu.memref_slice %arg9[%dma_start3A_171, %dma_start3A_174] : memref<4x128xi32, #tpu.memory_space<vmem>> -> memref<1x128xi32, #tpu.memory_space<vmem>>
    %dma_start3A_176 = tpu.memref_squeeze %dma_start3A_175 : memref<1x128xi32, #tpu.memory_space<vmem>> -> memref<128xi32, #tpu.memory_space<vmem>>
    %dma_start3A_177 = arith.constant 0 : i32
    %dma_start3A_178 = tpu.memref_slice %arg6[%dma_start3A_177] : memref<100000xf32, #tpu.memory_space<hbm>> -> memref<100000xf32, #tpu.memory_space<hbm>>
    tpu.enqueue_indirect_dma source(%dma_start3A_178 : memref<100000xf32, #tpu.memory_space<hbm>>) target(%dma_start3A_173 : memref<128xf32, #tpu.memory_space<vmem>>) offsets(%dma_start3A_176 : memref<128xi32, #tpu.memory_space<vmem>>) semaphore(%arg14 : memref<!tpu.dma_semaphore, #tpu.memory_space<semaphore_mem>>)
    %dma_start3A_179 = arith.constant 1 : i32
    %dma_start3A_180 = arith.constant 128 : i32
    %dma_start3A_181 = tpu.memref_slice %arg11[%dma_start3A_180] : memref<512xf32, #tpu.memory_space<vmem>> -> memref<128xf32, #tpu.memory_space<vmem>>
    %dma_start3A_182 = arith.constant 0 : i32
    %dma_start3A_183 = tpu.memref_slice %arg8[%dma_start3A_179, %dma_start3A_182] : memref<4x128xi32, #tpu.memory_space<vmem>> -> memref<1x128xi32, #tpu.memory_space<vmem>>
    %dma_start3A_184 = tpu.memref_squeeze %dma_start3A_183 : memref<1x128xi32, #tpu.memory_space<vmem>> -> memref<128xi32, #tpu.memory_space<vmem>>
    %dma_start3A_185 = arith.constant 0 : i32
    %dma_start3A_186 = tpu.memref_slice %arg5[%dma_start3A_185] : memref<1000000xf32, #tpu.memory_space<hbm>> -> memref<1000000xf32, #tpu.memory_space<hbm>>
    tpu.enqueue_indirect_dma source(%dma_start3A_186 : memref<1000000xf32, #tpu.memory_space<hbm>>) target(%dma_start3A_181 : memref<128xf32, #tpu.memory_space<vmem>>) offsets(%dma_start3A_184 : memref<128xi32, #tpu.memory_space<vmem>>) semaphore(%arg14 : memref<!tpu.dma_semaphore, #tpu.memory_space<semaphore_mem>>)
    %dma_start3A_187 = arith.constant 1 : i32
    %dma_start3A_188 = arith.constant 128 : i32
    %dma_start3A_189 = tpu.memref_slice %arg12[%dma_start3A_188] : memref<512xf32, #tpu.memory_space<vmem>> -> memref<128xf32, #tpu.memory_space<vmem>>
    %dma_start3A_190 = arith.constant 0 : i32
    %dma_start3A_191 = tpu.memref_slice %arg9[%dma_start3A_187, %dma_start3A_190] : memref<4x128xi32, #tpu.memory_space<vmem>> -> memref<1x128xi32, #tpu.memory_space<vmem>>
    %dma_start3A_192 = tpu.memref_squeeze %dma_start3A_191 : memref<1x128xi32, #tpu.memory_space<vmem>> -> memref<128xi32, #tpu.memory_space<vmem>>
    %dma_start3A_193 = arith.constant 0 : i32
    %dma_start3A_194 = tpu.memref_slice %arg6[%dma_start3A_193] : memref<100000xf32, #tpu.memory_space<hbm>> -> memref<100000xf32, #tpu.memory_space<hbm>>
    tpu.enqueue_indirect_dma source(%dma_start3A_194 : memref<100000xf32, #tpu.memory_space<hbm>>) target(%dma_start3A_189 : memref<128xf32, #tpu.memory_space<vmem>>) offsets(%dma_start3A_192 : memref<128xi32, #tpu.memory_space<vmem>>) semaphore(%arg14 : memref<!tpu.dma_semaphore, #tpu.memory_space<semaphore_mem>>)
    %dma_start3A_195 = arith.constant 2 : i32
    %dma_start3A_196 = arith.constant 256 : i32
    %dma_start3A_197 = tpu.memref_slice %arg11[%dma_start3A_196] : memref<512xf32, #tpu.memory_space<vmem>> -> memref<128xf32, #tpu.memory_space<vmem>>
    %dma_start3A_198 = arith.constant 0 : i32
    %dma_start3A_199 = tpu.memref_slice %arg8[%dma_start3A_195, %dma_start3A_198] : memref<4x128xi32, #tpu.memory_space<vmem>> -> memref<1x128xi32, #tpu.memory_space<vmem>>
    %dma_start3A_200 = tpu.memref_squeeze %dma_start3A_199 : memref<1x128xi32, #tpu.memory_space<vmem>> -> memref<128xi32, #tpu.memory_space<vmem>>
    %dma_start3A_201 = arith.constant 0 : i32
    %dma_start3A_202 = tpu.memref_slice %arg5[%dma_start3A_201] : memref<1000000xf32, #tpu.memory_space<hbm>> -> memref<1000000xf32, #tpu.memory_space<hbm>>
    tpu.enqueue_indirect_dma source(%dma_start3A_202 : memref<1000000xf32, #tpu.memory_space<hbm>>) target(%dma_start3A_197 : memref<128xf32, #tpu.memory_space<vmem>>) offsets(%dma_start3A_200 : memref<128xi32, #tpu.memory_space<vmem>>) semaphore(%arg14 : memref<!tpu.dma_semaphore, #tpu.memory_space<semaphore_mem>>)
    %dma_start3A_203 = arith.constant 2 : i32
    %dma_start3A_204 = arith.constant 256 : i32
    %dma_start3A_205 = tpu.memref_slice %arg12[%dma_start3A_204] : memref<512xf32, #tpu.memory_space<vmem>> -> memref<128xf32, #tpu.memory_space<vmem>>
    %dma_start3A_206 = arith.constant 0 : i32
    %dma_start3A_207 = tpu.memref_slice %arg9[%dma_start3A_203, %dma_start3A_206] : memref<4x128xi32, #tpu.memory_space<vmem>> -> memref<1x128xi32, #tpu.memory_space<vmem>>
    %dma_start3A_208 = tpu.memref_squeeze %dma_start3A_207 : memref<1x128xi32, #tpu.memory_space<vmem>> -> memref<128xi32, #tpu.memory_space<vmem>>
    %dma_start3A_209 = arith.constant 0 : i32
    %dma_start3A_210 = tpu.memref_slice %arg6[%dma_start3A_209] : memref<100000xf32, #tpu.memory_space<hbm>> -> memref<100000xf32, #tpu.memory_space<hbm>>
    tpu.enqueue_indirect_dma source(%dma_start3A_210 : memref<100000xf32, #tpu.memory_space<hbm>>) target(%dma_start3A_205 : memref<128xf32, #tpu.memory_space<vmem>>) offsets(%dma_start3A_208 : memref<128xi32, #tpu.memory_space<vmem>>) semaphore(%arg14 : memref<!tpu.dma_semaphore, #tpu.memory_space<semaphore_mem>>)
    %dma_start3A_211 = arith.constant 3 : i32
    %dma_start3A_212 = arith.constant 384 : i32
    %dma_start3A_213 = tpu.memref_slice %arg11[%dma_start3A_212] : memref<512xf32, #tpu.memory_space<vmem>> -> memref<128xf32, #tpu.memory_space<vmem>>
    %dma_start3A_214 = arith.constant 0 : i32
    %dma_start3A_215 = tpu.memref_slice %arg8[%dma_start3A_211, %dma_start3A_214] : memref<4x128xi32, #tpu.memory_space<vmem>> -> memref<1x128xi32, #tpu.memory_space<vmem>>
    %dma_start3A_216 = tpu.memref_squeeze %dma_start3A_215 : memref<1x128xi32, #tpu.memory_space<vmem>> -> memref<128xi32, #tpu.memory_space<vmem>>
    %dma_start3A_217 = arith.constant 0 : i32
    %dma_start3A_218 = tpu.memref_slice %arg5[%dma_start3A_217] : memref<1000000xf32, #tpu.memory_space<hbm>> -> memref<1000000xf32, #tpu.memory_space<hbm>>
    tpu.enqueue_indirect_dma source(%dma_start3A_218 : memref<1000000xf32, #tpu.memory_space<hbm>>) target(%dma_start3A_213 : memref<128xf32, #tpu.memory_space<vmem>>) offsets(%dma_start3A_216 : memref<128xi32, #tpu.memory_space<vmem>>) semaphore(%arg14 : memref<!tpu.dma_semaphore, #tpu.memory_space<semaphore_mem>>)
    %dma_start3A_219 = arith.constant 3 : i32
    %dma_start3A_220 = arith.constant 384 : i32
    %dma_start3A_221 = tpu.memref_slice %arg12[%dma_start3A_220] : memref<512xf32, #tpu.memory_space<vmem>> -> memref<128xf32, #tpu.memory_space<vmem>>
    %dma_start3A_222 = arith.constant 0 : i32
    %dma_start3A_223 = tpu.memref_slice %arg9[%dma_start3A_219, %dma_start3A_222] : memref<4x128xi32, #tpu.memory_space<vmem>> -> memref<1x128xi32, #tpu.memory_space<vmem>>
    %dma_start3A_224 = tpu.memref_squeeze %dma_start3A_223 : memref<1x128xi32, #tpu.memory_space<vmem>> -> memref<128xi32, #tpu.memory_space<vmem>>
    %dma_start3A_225 = arith.constant 0 : i32
    %dma_start3A_226 = tpu.memref_slice %arg6[%dma_start3A_225] : memref<100000xf32, #tpu.memory_space<hbm>> -> memref<100000xf32, #tpu.memory_space<hbm>>
    tpu.enqueue_indirect_dma source(%dma_start3A_226 : memref<100000xf32, #tpu.memory_space<hbm>>) target(%dma_start3A_221 : memref<128xf32, #tpu.memory_space<vmem>>) offsets(%dma_start3A_224 : memref<128xi32, #tpu.memory_space<vmem>>) semaphore(%arg14 : memref<!tpu.dma_semaphore, #tpu.memory_space<semaphore_mem>>)
    %dma_wait3A_227 = tpu.memref_slice %arg4[%mul3A_2] : memref<16384xf32, #tpu.memory_space<hbm>> -> memref<512xf32, #tpu.memory_space<hbm>>
    %dma_wait3A_228 = tpu.memref_slice %arg4[%mul3A_2] : memref<16384xf32, #tpu.memory_space<hbm>> -> memref<512xf32, #tpu.memory_space<hbm>>
    tpu.wait_dma2 semaphore(%arg13 : memref<!tpu.dma_semaphore, #tpu.memory_space<semaphore_mem>>) src(%dma_wait3A_228 : memref<512xf32, #tpu.memory_space<hbm>>) dst(%arg10 : memref<512xf32, #tpu.memory_space<vmem>>)
    %dma_wait3A_229 = arith.constant 0 : i32
    %dma_wait3A_230 = arith.constant 0 : i32
    %dma_wait3A_231 = tpu.memref_slice %arg11[%dma_wait3A_230] : memref<512xf32, #tpu.memory_space<vmem>> -> memref<128xf32, #tpu.memory_space<vmem>>
    %dma_wait3A_232 = arith.constant 0 : i32
    %dma_wait3A_233 = tpu.memref_slice %arg8[%dma_wait3A_229, %dma_wait3A_232] : memref<4x128xi32, #tpu.memory_space<vmem>> -> memref<1x128xi32, #tpu.memory_space<vmem>>
    %dma_wait3A_234 = tpu.memref_squeeze %dma_wait3A_233 : memref<1x128xi32, #tpu.memory_space<vmem>> -> memref<128xi32, #tpu.memory_space<vmem>>
    %dma_wait3A_235 = arith.constant 0 : i32
    %dma_wait3A_236 = tpu.memref_slice %arg5[%dma_wait3A_235] : memref<1000000xf32, #tpu.memory_space<hbm>> -> memref<1000000xf32, #tpu.memory_space<hbm>>
    tpu.wait_indirect_dma semaphore(%arg14 : memref<!tpu.dma_semaphore, #tpu.memory_space<semaphore_mem>>) src(%dma_wait3A_236 : memref<1000000xf32, #tpu.memory_space<hbm>>) dst(%dma_wait3A_231 : memref<128xf32, #tpu.memory_space<vmem>>)
    %dma_wait3A_237 = arith.constant 0 : i32
    %dma_wait3A_238 = arith.constant 0 : i32
    %dma_wait3A_239 = tpu.memref_slice %arg12[%dma_wait3A_238] : memref<512xf32, #tpu.memory_space<vmem>> -> memref<128xf32, #tpu.memory_space<vmem>>
    %dma_wait3A_240 = arith.constant 0 : i32
    %dma_wait3A_241 = tpu.memref_slice %arg9[%dma_wait3A_237, %dma_wait3A_240] : memref<4x128xi32, #tpu.memory_space<vmem>> -> memref<1x128xi32, #tpu.memory_space<vmem>>
    %dma_wait3A_242 = tpu.memref_squeeze %dma_wait3A_241 : memref<1x128xi32, #tpu.memory_space<vmem>> -> memref<128xi32, #tpu.memory_space<vmem>>
    %dma_wait3A_243 = arith.constant 0 : i32
    %dma_wait3A_244 = tpu.memref_slice %arg6[%dma_wait3A_243] : memref<100000xf32, #tpu.memory_space<hbm>> -> memref<100000xf32, #tpu.memory_space<hbm>>
    tpu.wait_indirect_dma semaphore(%arg14 : memref<!tpu.dma_semaphore, #tpu.memory_space<semaphore_mem>>) src(%dma_wait3A_244 : memref<100000xf32, #tpu.memory_space<hbm>>) dst(%dma_wait3A_239 : memref<128xf32, #tpu.memory_space<vmem>>)
    %dma_wait3A_245 = arith.constant 1 : i32
    %dma_wait3A_246 = arith.constant 128 : i32
    %dma_wait3A_247 = tpu.memref_slice %arg11[%dma_wait3A_246] : memref<512xf32, #tpu.memory_space<vmem>> -> memref<128xf32, #tpu.memory_space<vmem>>
    %dma_wait3A_248 = arith.constant 0 : i32
    %dma_wait3A_249 = tpu.memref_slice %arg8[%dma_wait3A_245, %dma_wait3A_248] : memref<4x128xi32, #tpu.memory_space<vmem>> -> memref<1x128xi32, #tpu.memory_space<vmem>>
    %dma_wait3A_250 = tpu.memref_squeeze %dma_wait3A_249 : memref<1x128xi32, #tpu.memory_space<vmem>> -> memref<128xi32, #tpu.memory_space<vmem>>
    %dma_wait3A_251 = arith.constant 0 : i32
    %dma_wait3A_252 = tpu.memref_slice %arg5[%dma_wait3A_251] : memref<1000000xf32, #tpu.memory_space<hbm>> -> memref<1000000xf32, #tpu.memory_space<hbm>>
    tpu.wait_indirect_dma semaphore(%arg14 : memref<!tpu.dma_semaphore, #tpu.memory_space<semaphore_mem>>) src(%dma_wait3A_252 : memref<1000000xf32, #tpu.memory_space<hbm>>) dst(%dma_wait3A_247 : memref<128xf32, #tpu.memory_space<vmem>>)
    %dma_wait3A_253 = arith.constant 1 : i32
    %dma_wait3A_254 = arith.constant 128 : i32
    %dma_wait3A_255 = tpu.memref_slice %arg12[%dma_wait3A_254] : memref<512xf32, #tpu.memory_space<vmem>> -> memref<128xf32, #tpu.memory_space<vmem>>
    %dma_wait3A_256 = arith.constant 0 : i32
    %dma_wait3A_257 = tpu.memref_slice %arg9[%dma_wait3A_253, %dma_wait3A_256] : memref<4x128xi32, #tpu.memory_space<vmem>> -> memref<1x128xi32, #tpu.memory_space<vmem>>
    %dma_wait3A_258 = tpu.memref_squeeze %dma_wait3A_257 : memref<1x128xi32, #tpu.memory_space<vmem>> -> memref<128xi32, #tpu.memory_space<vmem>>
    %dma_wait3A_259 = arith.constant 0 : i32
    %dma_wait3A_260 = tpu.memref_slice %arg6[%dma_wait3A_259] : memref<100000xf32, #tpu.memory_space<hbm>> -> memref<100000xf32, #tpu.memory_space<hbm>>
    tpu.wait_indirect_dma semaphore(%arg14 : memref<!tpu.dma_semaphore, #tpu.memory_space<semaphore_mem>>) src(%dma_wait3A_260 : memref<100000xf32, #tpu.memory_space<hbm>>) dst(%dma_wait3A_255 : memref<128xf32, #tpu.memory_space<vmem>>)
    %dma_wait3A_261 = arith.constant 2 : i32
    %dma_wait3A_262 = arith.constant 256 : i32
    %dma_wait3A_263 = tpu.memref_slice %arg11[%dma_wait3A_262] : memref<512xf32, #tpu.memory_space<vmem>> -> memref<128xf32, #tpu.memory_space<vmem>>
    %dma_wait3A_264 = arith.constant 0 : i32
    %dma_wait3A_265 = tpu.memref_slice %arg8[%dma_wait3A_261, %dma_wait3A_264] : memref<4x128xi32, #tpu.memory_space<vmem>> -> memref<1x128xi32, #tpu.memory_space<vmem>>
    %dma_wait3A_266 = tpu.memref_squeeze %dma_wait3A_265 : memref<1x128xi32, #tpu.memory_space<vmem>> -> memref<128xi32, #tpu.memory_space<vmem>>
    %dma_wait3A_267 = arith.constant 0 : i32
    %dma_wait3A_268 = tpu.memref_slice %arg5[%dma_wait3A_267] : memref<1000000xf32, #tpu.memory_space<hbm>> -> memref<1000000xf32, #tpu.memory_space<hbm>>
    tpu.wait_indirect_dma semaphore(%arg14 : memref<!tpu.dma_semaphore, #tpu.memory_space<semaphore_mem>>) src(%dma_wait3A_268 : memref<1000000xf32, #tpu.memory_space<hbm>>) dst(%dma_wait3A_263 : memref<128xf32, #tpu.memory_space<vmem>>)
    %dma_wait3A_269 = arith.constant 2 : i32
    %dma_wait3A_270 = arith.constant 256 : i32
    %dma_wait3A_271 = tpu.memref_slice %arg12[%dma_wait3A_270] : memref<512xf32, #tpu.memory_space<vmem>> -> memref<128xf32, #tpu.memory_space<vmem>>
    %dma_wait3A_272 = arith.constant 0 : i32
    %dma_wait3A_273 = tpu.memref_slice %arg9[%dma_wait3A_269, %dma_wait3A_272] : memref<4x128xi32, #tpu.memory_space<vmem>> -> memref<1x128xi32, #tpu.memory_space<vmem>>
    %dma_wait3A_274 = tpu.memref_squeeze %dma_wait3A_273 : memref<1x128xi32, #tpu.memory_space<vmem>> -> memref<128xi32, #tpu.memory_space<vmem>>
    %dma_wait3A_275 = arith.constant 0 : i32
    %dma_wait3A_276 = tpu.memref_slice %arg6[%dma_wait3A_275] : memref<100000xf32, #tpu.memory_space<hbm>> -> memref<100000xf32, #tpu.memory_space<hbm>>
    tpu.wait_indirect_dma semaphore(%arg14 : memref<!tpu.dma_semaphore, #tpu.memory_space<semaphore_mem>>) src(%dma_wait3A_276 : memref<100000xf32, #tpu.memory_space<hbm>>) dst(%dma_wait3A_271 : memref<128xf32, #tpu.memory_space<vmem>>)
    %dma_wait3A_277 = arith.constant 3 : i32
    %dma_wait3A_278 = arith.constant 384 : i32
    %dma_wait3A_279 = tpu.memref_slice %arg11[%dma_wait3A_278] : memref<512xf32, #tpu.memory_space<vmem>> -> memref<128xf32, #tpu.memory_space<vmem>>
    %dma_wait3A_280 = arith.constant 0 : i32
    %dma_wait3A_281 = tpu.memref_slice %arg8[%dma_wait3A_277, %dma_wait3A_280] : memref<4x128xi32, #tpu.memory_space<vmem>> -> memref<1x128xi32, #tpu.memory_space<vmem>>
    %dma_wait3A_282 = tpu.memref_squeeze %dma_wait3A_281 : memref<1x128xi32, #tpu.memory_space<vmem>> -> memref<128xi32, #tpu.memory_space<vmem>>
    %dma_wait3A_283 = arith.constant 0 : i32
    %dma_wait3A_284 = tpu.memref_slice %arg5[%dma_wait3A_283] : memref<1000000xf32, #tpu.memory_space<hbm>> -> memref<1000000xf32, #tpu.memory_space<hbm>>
    tpu.wait_indirect_dma semaphore(%arg14 : memref<!tpu.dma_semaphore, #tpu.memory_space<semaphore_mem>>) src(%dma_wait3A_284 : memref<1000000xf32, #tpu.memory_space<hbm>>) dst(%dma_wait3A_279 : memref<128xf32, #tpu.memory_space<vmem>>)
    %dma_wait3A_285 = arith.constant 3 : i32
    %dma_wait3A_286 = arith.constant 384 : i32
    %dma_wait3A_287 = tpu.memref_slice %arg12[%dma_wait3A_286] : memref<512xf32, #tpu.memory_space<vmem>> -> memref<128xf32, #tpu.memory_space<vmem>>
    %dma_wait3A_288 = arith.constant 0 : i32
    %dma_wait3A_289 = tpu.memref_slice %arg9[%dma_wait3A_285, %dma_wait3A_288] : memref<4x128xi32, #tpu.memory_space<vmem>> -> memref<1x128xi32, #tpu.memory_space<vmem>>
    %dma_wait3A_290 = tpu.memref_squeeze %dma_wait3A_289 : memref<1x128xi32, #tpu.memory_space<vmem>> -> memref<128xi32, #tpu.memory_space<vmem>>
    %dma_wait3A_291 = arith.constant 0 : i32
    %dma_wait3A_292 = tpu.memref_slice %arg6[%dma_wait3A_291] : memref<100000xf32, #tpu.memory_space<hbm>> -> memref<100000xf32, #tpu.memory_space<hbm>>
    tpu.wait_indirect_dma semaphore(%arg14 : memref<!tpu.dma_semaphore, #tpu.memory_space<semaphore_mem>>) src(%dma_wait3A_292 : memref<100000xf32, #tpu.memory_space<hbm>>) dst(%dma_wait3A_287 : memref<128xf32, #tpu.memory_space<vmem>>)
    %scan3A = arith.constant 0 : i32
    %scan3A_293 = arith.constant 0 : i32
    %scan3A_294 = arith.constant 32 : i32
    %scan3A_295 = arith.addi %scan3A_293, %scan3A_294 : i32
    %scan3A_296 = arith.constant 1 : i32
    scf.for %scan3A_298 = %scan3A_293 to %scan3A_295 step %scan3A_296  : i32 {
      %mul3A_299 = arith.constant 16 : i32
      %mul3A_300 = arith.muli %scan3A_298, %mul3A_299 : i32
      %get3A = arith.index_cast %mul3A_300 : i32 to index
      %get3A_301 = tpu.vector_load %arg10[%get3A] {strides = array<i32>} : memref<512xf32, #tpu.memory_space<vmem>>, vector<16xf32>,
      %get3A_302 = arith.index_cast %mul3A_300 : i32 to index
      %get3A_303 = tpu.vector_load %arg11[%get3A_302] {strides = array<i32>} : memref<512xf32, #tpu.memory_space<vmem>>, vector<16xf32>,
      %add3A_304 = arith.addf %get3A_301, %get3A_303 : vector<16xf32>
      %get3A_305 = arith.index_cast %mul3A_300 : i32 to index
      %get3A_306 = tpu.vector_load %arg12[%get3A_305] {strides = array<i32>} : memref<512xf32, #tpu.memory_space<vmem>>, vector<16xf32>,
      %add3A_307 = arith.addf %add3A_304, %get3A_306 : vector<16xf32>
      %swap3A = arith.index_cast %mul3A_300 : i32 to index
      %swap3A_308 = tpu.vector_load %arg10[%swap3A] {strides = array<i32>} : memref<512xf32, #tpu.memory_space<vmem>>, vector<16xf32>,
      tpu.vector_store %arg10[%swap3A], %add3A_307 {strides = array<i32>} : memref<512xf32, #tpu.memory_space<vmem>>, vector<16xf32>,
    }
    %scan3A_297 = arith.constant 32 : i32
    "tpu.region"() ({
      %run_scoped3A = tpu.sem_alloc : memref<!tpu.dma_semaphore, #tpu.memory_space<semaphore_mem>>
      %dma_start3A_298 = tpu.memref_slice %arg7[%mul3A_2] : memref<16384xf32, #tpu.memory_space<hbm>> -> memref<512xf32, #tpu.memory_space<hbm>>
      %dma_start3A_299 = tpu.memref_slice %arg7[%mul3A_2] : memref<16384xf32, #tpu.memory_space<hbm>> -> memref<512xf32, #tpu.memory_space<hbm>>
      tpu.enqueue_dma source(%arg10 : memref<512xf32, #tpu.memory_space<vmem>>) target(%dma_start3A_299 : memref<512xf32, #tpu.memory_space<hbm>>) target_semaphore(%run_scoped3A : memref<!tpu.dma_semaphore, #tpu.memory_space<semaphore_mem>>)
      %dma_wait3A_300 = tpu.memref_slice %arg7[%mul3A_2] : memref<16384xf32, #tpu.memory_space<hbm>> -> memref<512xf32, #tpu.memory_space<hbm>>
      %dma_wait3A_301 = tpu.memref_slice %arg7[%mul3A_2] : memref<16384xf32, #tpu.memory_space<hbm>> -> memref<512xf32, #tpu.memory_space<hbm>>
      tpu.wait_dma2 semaphore(%run_scoped3A : memref<!tpu.dma_semaphore, #tpu.memory_space<semaphore_mem>>) src(%arg10 : memref<512xf32, #tpu.memory_space<vmem>>) dst(%dma_wait3A_301 : memref<512xf32, #tpu.memory_space<hbm>>)
      tpu.yield
    }) : () -> ()
    return
  }
}

</mosaic_0001>

<sc_bundles>
// kernel: kernel.4.cloned.1.call-start
scs
__scs_entry_jumppad:
0x0: {  	(pc) =	sbr.rel $0x88, $3  }
0x1: {  	(tag) =	ssettag $0x0;
	lr =	simm.s32 $0x1  }
0x2: {  	[smem:$0x3F9A] =	sst lr;
	_ =	strace $0xD0000000  }
0x3: {  	_ = 	snop  }
0x4: {  	_ = 	snop  }
0x5: {  	_ = 	snop  }
0x6: {  	_ = 	snop  }
0x7: {  	_ = 	snop  }
__scs_overlays_trampoline_lowered:
0x8: {  	[smem:$0x3FA9] =	sst s0  }
0x9: {  	[smem:$0x3FAA] =	sst s1  }
0xa: {  	[smem:$0x3FAB] =	sst s2  }
0xb: {  	[smem:$0x3FAC] =	sst s3  }
0xc: {  	[smem:$0x3FAD] =	sst s4  }
0xd: {  	[smem:$0x3FAE] =	sst s5  }
0xe: {  	[smem:$0x3FAF] =	sst s6  }
0xf: {  	[smem:$0x3FB0] =	sst s7  }
0x10: {  	[smem:$0x3FB1] =	sst s8  }
0x11: {  	[smem:$0x3FB2] =	sst s9;
	s0 =	simm.s32 @!p0 $0x0  }
0x12: {  	s1 =	sld [smem:$0x3F98];
	s0 =	simm.s32 @p0 $0x1  }
0x13: {  	[smem:$0x3FB3] =	sst s0;
	s0 =	simm.s32 @!p1 $0x0  }
0x14: {  	s2 =	sld [smem:$0x3F97];
	s0 =	simm.s32 @p1 $0x1  }
0x15: {  	[smem:$0x3FB4] =	sst s0;
	s0 =	simm.s32 @!p2 $0x0  }
0x16: {  	s3 =	sld [smem:$0x3FDB];
	s0 =	simm.s32 @p2 $0x1  }
0x17: {  	s4 =	simm.s32 $0x1BF5;
	[smem:$0x3FB6] =	sst s0  }
0x18: {  	s0 =	sld [smem:$0x3F99];
	_ =	swait.ge [sflag:s4], $0x0  }
0x19: {  	s7 =	sld [smem:$0x3F9A]  }
0x1a: {  	s8 =	sadd.s32 $0xFFFFE003, lr  }
0x1b: {  	s9 =	sadd.s32 $0xFFFFFEF7, lr;
	s5 =	simm.s32 $0xFFFFFFFF;
	p2 =	slt.u32 s8, $0xFFFFF086  }
0x1c: {  	p1 =	slt.u32 s9, $0xF7A;
	s5 =	simm.s32 @!p2 $0x0  }
0x1d: {  	s5 =	simm.s32 @p1 $0x1;
	p0 =	seq.s32 s7, s2  }
0x1e: {  	s7 =	smul.u32 @!p0 $0xF7A, s2;
	p2 =	seq.s32 @!p0 s5, $0x0  }
0x1f: {  	s9 =	smul.u32 $0xF7A, s1;
	s8 =	simm.s32 @!p0 $0x1BF5;
	p2 =	por !p2, p0  }
0x20: {  	[sflag:s8] =	ssyncset.s32 @!p0 $0xFFFFF086;
	s6 =	sadd.s32 @!p0 s3, s7;
	s7 =	simm.s32 @!p0 $0x108  }
0x21: {  	s3 =	sadd.s32 s3, s9;
	s6 =	sadd.s32 @!p0 $0x88, s6;
	s7 =	simm.s32 @p2 $0x1082  }
0x22: {  	[simem:s7], [sflag:s8] =	dma.local @!p0 [hbm:s6], $0xF7A  }
0x23: {  	s9 =	sor.u32 $0xD0000000, s2;
	s6 =	simm.s32 $0x108;
	_ =	swait.ge @!p0 [sflag:s8], $0x0  }
0x24: {  	s3 =	sadd.s32 $0x88, s3;
	s6 =	simm.s32 @!p1 $0x1082;
	[sflag:s4] =	ssyncset.s32 $0xFFFFF086  }
0x25: {  	[simem:s6], [sflag:s4] =	dma.local [hbm:s3], $0xF7A  }
0x26: {  	[smem:$0x3F9A] =	sst s1;
	(tag) =	ssettag s2;
	_ =	strace s9  }
0x27: {  	s1 =	sld [smem:$0x3FAA]  }
0x28: {  	s2 =	sld [smem:$0x3FAB]  }
0x29: {  	s4 =	sld [smem:$0x3FAD]  }
0x2a: {  	p0 =	seq.s32 s5, $0x0;
	s5 =	sld [smem:$0x3FAE]  }
0x2b: {  	s6 =	sld [smem:$0x3FAF]  }
0x2c: {  	s7 =	sld [smem:$0x3FB0]  }
0x2d: {  	s3 =	simm.s32 $0x108;
	s8 =	sld [smem:$0x3FB1]  }
0x2e: {  	s3 =	simm.s32 @!p0 $0x1082;
	s9 =	sld [smem:$0x3FB2]  }
0x2f: {  	lr =	sadd.s32 s0, s3;
	s0 =	sld [smem:$0x3FA9]  }
0x30: {  	s3 =	sld [smem:$0x3FAC]  }
0x31: {  	[smem:$0x3FB5] =	sst s10  }
0x32: {  	s10 =	sld [smem:$0x3FB3];
	_ =	sdelay $0x3  }
0x33: {  	p0 =	seq.s32 s10, $0x1;
	s10 =	sld [smem:$0x3FB5];
	_ =	sdelay $0x3  }
0x34: {  	[smem:$0x3FB5] =	sst s10  }
0x35: {  	s10 =	sld [smem:$0x3FB4];
	_ =	sdelay $0x3  }
0x36: {  	p1 =	seq.s32 s10, $0x1;
	s10 =	sld [smem:$0x3FB5];
	_ =	sdelay $0x3  }
0x37: {  	[smem:$0x3FB5] =	sst s10  }
0x38: {  	s10 =	sld [smem:$0x3FB6]  }
0x39: {  	_ = 	snop;
	(pc) =	sbr.ind lr, $3  }
0x3a: {  	_ = 	snop  }
0x3b: {  	_ = 	snop  }
0x3c: {  	p2 =	seq.s32 s10, $0x1;
	s10 =	sld [smem:$0x3FB5]  }
0x3d: {  	_ =	shalt  }
0x3e: {  	_ =	shalt  }
0x3f: {  	_ =	shalt  }
0x40: {  	_ =	shalt  }
0x41: {  	_ =	shalt  }
0x42: {  	_ =	shalt  }
0x43: {  	_ =	shalt  }
0x44: {  	_ =	shalt  }
0x45: {  	_ =	shalt  }
0x46: {  	_ =	shalt  }
0x47: {  	_ =	shalt  }
0x48: {  	_ =	shalt  }
0x49: {  	_ =	shalt  }
0x4a: {  	_ =	shalt  }
0x4b: {  	_ =	shalt  }
0x4c: {  	_ =	shalt  }
0x4d: {  	_ =	shalt  }
0x4e: {  	_ =	shalt  }
0x4f: {  	_ =	shalt  }
0x50: {  	_ =	shalt  }
0x51: {  	_ =	shalt  }
0x52: {  	_ =	shalt  }
0x53: {  	_ =	shalt  }
0x54: {  	_ =	shalt  }
0x55: {  	_ =	shalt  }
0x56: {  	_ =	shalt  }
0x57: {  	_ =	shalt  }
0x58: {  	_ =	shalt  }
0x59: {  	_ =	shalt  }
0x5a: {  	_ =	shalt  }
0x5b: {  	_ =	shalt  }
0x5c: {  	_ =	shalt  }
0x5d: {  	_ =	shalt  }
0x5e: {  	_ =	shalt  }
0x5f: {  	_ =	shalt  }
0x60: {  	_ =	shalt  }
0x61: {  	_ =	shalt  }
0x62: {  	_ =	shalt  }
0x63: {  	_ =	shalt  }
0x64: {  	_ =	shalt  }
0x65: {  	_ =	shalt  }
0x66: {  	_ =	shalt  }
0x67: {  	_ =	shalt  }
0x68: {  	_ =	shalt  }
0x69: {  	_ =	shalt  }
0x6a: {  	_ =	shalt  }
0x6b: {  	_ =	shalt  }
0x6c: {  	_ =	shalt  }
0x6d: {  	_ =	shalt  }
0x6e: {  	_ =	shalt  }
0x6f: {  	_ =	shalt  }
0x70: {  	_ =	shalt  }
0x71: {  	_ =	shalt  }
0x72: {  	_ =	shalt  }
0x73: {  	_ =	shalt  }
0x74: {  	_ =	shalt  }
0x75: {  	_ =	shalt  }
0x76: {  	_ =	shalt  }
0x77: {  	_ =	shalt  }
0x78: {  	_ =	shalt  }
0x79: {  	_ =	shalt  }
0x7a: {  	_ =	shalt  }
0x7b: {  	_ =	shalt  }
0x7c: {  	_ =	shalt  }
0x7d: {  	_ =	shalt  }
0x7e: {  	_ =	shalt  }
0x7f: {  	_ =	shalt  }
0x80: {  	_ =	shalt  }
0x81: {  	_ =	shalt  }
0x82: {  	_ =	shalt  }
0x83: {  	_ =	shalt  }
0x84: {  	_ =	shalt  }
0x85: {  	_ =	shalt  }
0x86: {  	_ =	shalt  }
0x87: {  	_ =	shalt  }
.Lfunc_end0:
.L_simem_size_0:
called_computation_lowered:
.L_overlay_start_0:
0x88: {  	s2 =	sld [smem:$0x3FD9]  }
0x89: {  	s3 =	sld [smem:$0x3FFE];
	_ =	sdelay $0x1  }
0x8a: {  	s1 =	srdreg.scid  }
0x8b: {  	s0 =	sand.u32 $0x1, s1  }
0x8c: {  	s17 =	sshll.u32 s0, $0xA;
	s2 =	sadd.s32 s3, s2  }
0x8d: {  	s2 =	sadd.s32 s2, s17  }
0x8e: {  	[smem:$0x3FC1] =	sst s2  }
0x8f: {  	_ = 	snop  }
0x90: {  	s2 =	sld [smem:$0x3FC9]  }
0x91: {  	s18 =	sld [smem:$0x3FC8]  }
0x92: {  	s4 =	sld [smem:$0x3FC7]  }
0x93: {  	s5 =	sld [smem:$0x3FC6];
	(tm) =	ssettm $0x1  }
0x94: {  	s6 =	sld [smem:$0x3FFB];
	_ =	sdelay $0x3  }
0x95: {  	_ =	strace s6  }
0x96: {  	s6 =	sld [smem:$0x3FFC];
	_ =	sdelay $0x3  }
0x97: {  	_ =	strace s6  }
0x98: {  	s6 =	sld [smem:$0x3FFD];
	_ =	sdelay $0x3  }
0x99: {  	_ =	strace s6  }
0x9a: {  	_ =	strace $0x8FFFFFFF  }
0x9b: {  	s19 =	sld [smem:$0x3FDB];
	_ =	sdelay $0x1  }
0x9c: {  	s7 =	simm.s32 $_scs_section_size  }
0x9d: {  	s8 =	simm.s32 $_size__tile_overlayer_lowered;
	s9 =	simm.s32 $_tile_overlayer_lowered  }
0x9e: {  	s22 =	simm.s32 $0x1BFF;
	s21 =	sshll.u32 s9, $0x1;
	s6 =	sadd.s32 s7, s19  }
0x9f: {  	s10 =	simm.s32 $0x0;
	s20 =	sshll.u32 s8, $0x1;
	s8 =	sadd.s32 s21, s6  }
0xa0: {  	[timem:s10], [sflag:s22] =	dma.local [hbm:s8], s20  }
0xa1: {  	_ =	swait.ge [sflag:s22], s20  }
0xa2: {  	s7 =	ssub.s32 $0x0, s20;
	[sflag:s22] =	ssyncset.done $0x0  }
0xa3: {  	[sflag:s22] =	ssyncadd.s32 s7;
	_ =	sdelay $0x1  }
0xa4: {  	s23 =	simm.s32 $0x1B8B  }
0xa5: {  	_ =	swait.ge [sflag:s23], $0x1  }
0xa6: {  	[sflag:s23] =	ssyncset.done $0x0  }
0xa7: {  	s25 =	simm.s32 $0x1B8E;
	s24 =	sld [smem:$0x3FFE];
	[sflag:s23] =	ssyncadd.s32 $0xFFFFFFFF  }
0xa8: {  	s26 =	simm.s32 $execute0_lowered;
	[smem:$0x3FD2] =	sst s25  }
0xa9: {  	s8 =	sshll.u32 s26, $0x1;
	_ =	strace $0x80000046;
	[dreg:$0x1] =	wrdreg $0xFFFFFFFF  }
0xaa: {  	s28 =	simm.s32 $_size_execute0_lowered;
	s6 =	sadd.s32 s6, s8;
	[dreg:$0x0] =	wrdreg $0x0  }
0xab: {  	s8 =	sshll.u32 s28, $0x1;
	[dreg:$0x2] =	wrdreg s6  }
0xac: {  	[dreg:$0x3] =	wrdreg s8  }
0xad: {  	[dreg:$0x4] =	wrdreg $0xC0  }
0xae: {  	_ =	task [dreg:s10], $0x5FFFF  }
0xaf: {  	[dreg:$0x1] =	wrdreg $0xFFFFFFFF  }
0xb0: {  	[dreg:$0x0] =	wrdreg $0x60  }
0xb1: {  	[dreg:$0x2] =	wrdreg s2  }
0xb2: {  	[dreg:$0x3] =	wrdreg s18  }
0xb3: {  	[dreg:$0x4] =	wrdreg s4  }
0xb4: {  	[dreg:$0x5] =	wrdreg s5  }
0xb5: {  	[dreg:$0x6] =	wrdreg s24  }
0xb6: {  	[dreg:$0x7] =	wrdreg $0x9  }
0xb7: {  	_ =	task.clear_ibuf [dreg:s10], $0x8FFFF;
	_ =	strace $0x90000046  }
0xb8: {  	s29 =	simm.s32 $0x9;
	_ =	strace $0x80000048  }
0xb9: {  	_ =	swait.ge [sflag:s29], $0x1  }
0xba: {  	[sflag:s29] =	ssyncadd.s32 $0xFFFFFFFF  }
0xbb: {  	_ =	strace $0x90000048  }
0xbc: {  	_ =	sfence  }
0xbd: {  	s30 =	sld [smem:$0x0];
	_ =	sdelay $0x2  }
0xbe: {  	s31 =	sshll.u32 s1, $0xD;
	s1 =	sshrl.u32 s1, $0x2  }
0xbf: {  	s3 =	sand.u32 $0x4000, s31;
	s1 =	sadd.s32 s1, s30  }
0xc0: {  	s0 =	sor.u32 s3, s0;
	s1 =	sshll.u32 s1, $0x11  }
0xc1: {  	s0 =	sor.u32 s1, s0  }
0xc2: {  	s0 =	sadd.s32 $0x8F2B, s0  }
0xc3: {  	[sflag:s0] =	ssyncadd.remote.s32 $0x1  }
0xc4: {  	_ =	sfence.sel $0xFFFF  }
0xc5: {  	[dreg:$0x0] =	wrdreg $0xFFFFFFFF;
	(pc) =	sbr.abs _section_cstart, $3  }
0xc6: {  	[dreg:$0x1] =	wrdreg $0xFFFFFFFF  }
0xc7: {  	_ =	task.clear_ibuf [dreg:s10], $0x2FFFF;
	_ =	strace $0x9FFFFFFF  }
0xc8: {  	(tm) =	ssettm $0x7FFFFFFF  }
0xc9: {  	_ =	shalt  }
tec
execute0_lowered:
.L_overlay_start_1:
0x0: {  	(tag) =	ssettag $0x1  }
0x1: {  	s0 =	rddreg [dreg:$0x0]  }
0x2: {  	s3 =	rddreg [dreg:$0x1]  }
0x3: {  	s1 =	rddreg [dreg:$0x2]  }
0x4: {  	s2 =	rddreg [dreg:$0x3]  }
0x5: {  	s5 =	rddreg [dreg:$0x4]  }
0x6: {  	s4 =	simm.s32 $0x0;
	s6 =	srdreg.scid;
	s7 =	stileid.u32  }
0x7: {  	s17 =	simm.s32 $0x3;
	s19 =	simm.s32 $0x80;
	s20 =	simm.s32 $0x280  }
0x8: {  	s21 =	simm.s32 $0x100;
	s22 =	simm.s32 $0x300;
	s23 =	simm.s32 $0x180  }
0x9: {  	s24 =	simm.s32 $0x380;
	s28 =	simm.s32 $0x4400;
	s29 =	simm.s32 $0xC400  }
0xa: {  	s30 =	simm.s32 $0x1;
	s31 =	simm.s32 $0x2;
	[smem:$0x7FF] =	sst s4  }
0xb: {  	s6 =	sand.u32 $0x1, s6;
	s7 =	sshll.u32 s7, $0x7;
	s26 =	sadd.s32 $0x200, s5  }
0xc: {  	s8 =	sshll.u32 s6, $0x6;
	s6 =	ssub.s32 $0x2, s6;
	_ =	strace $0x80000047  }
0xd: {  	[dreg:$0x6] =	wrdreg s26;
	s12 =	sor.u32 s8, s7;
	s25 =	sshrl.u32 s6, $0x1  }
0xe: {  	s26 =	simm.s32 $0x8400;
	s5 =	sadd.s32 s12, s5;
	s15 =	ssub.s32 s6, s25  }
0xf: {  	s6 =	sadd.s32 s0, s12;
	s7 =	sadd.s32 s3, s12;
	s9 =	sor.u32 $0x10, s12  }
0x10: {  	s11 =	sor.u32 $0x20, s12;
	s13 =	sor.u32 $0x30, s12;
	s25 =	simm.s32 $0x400  }
0x11: {  	s8 =	sadd.s32 s0, s9;
	s9 =	sadd.s32 s3, s9;
	s10 =	sadd.s32 s0, s11  }
0x12: {  	s11 =	sadd.s32 s3, s11;
	s12 =	sadd.s32 s0, s13;
	s13 =	sadd.s32 s3, s13  }
0x13: {  	v0 =	vlaneseq.u32;
	s14 =	sadd.s32 $0x400, s5;
	s15 =	smax.u32 s15, $0x1;
	s3 =	simm.s32 $0x0  }
.LBB2_1:
0x14: {  	s0 =	rddreg [dreg:$0x6];
	s5 =	simm.s32 $0x10400  }
0x15: {  	[tilespmem:s5], [sflag:$0x3] =	stream.linear.gather [hbm4b:s0+s4], $0x80, $0x38;
	[tilespmem:$0x10680] =	vst v63  }
0x16: {  	_ =	swait.ge [sflag:s17], $0x80  }
0x17: {  	[sflag:s17] =	ssyncset.done $0x0  }
0x18: {  	[sflag:s17] =	ssyncadd.s32 $0xFFFFFF80  }
0x19: {  	[tilespmem:s4], [sflag:$0x3] =	stream.linear.gather [hbm4b:s6+s4], $0x80, $0x38;
	[tilespmem:$0x10680] =	vst v63  }
0x1a: {  	_ =	swait.ge [sflag:s17], $0x80  }
0x1b: {  	[sflag:s17] =	ssyncset.done $0x0  }
0x1c: {  	s18 =	simm.s32 $0x200;
	[sflag:s17] =	ssyncadd.s32 $0xFFFFFF80  }
0x1d: {  	[tilespmem:s18], [sflag:$0x3] =	stream.linear.gather [hbm4b:s7+s4], $0x80, $0x38;
	[tilespmem:$0x10680] =	vst v63  }
0x1e: {  	_ =	swait.ge [sflag:s17], $0x80  }
0x1f: {  	[sflag:s17] =	ssyncset.done $0x0  }
0x20: {  	[sflag:s17] =	ssyncadd.s32 $0xFFFFFF80  }
0x21: {  	[tilespmem:s19], [sflag:$0x3] =	stream.linear.gather [hbm4b:s8+s4], $0x80, $0x38;
	[tilespmem:$0x10680] =	vst v63  }
0x22: {  	_ =	swait.ge [sflag:s17], $0x80  }
0x23: {  	[sflag:s17] =	ssyncset.done $0x0  }
0x24: {  	[sflag:s17] =	ssyncadd.s32 $0xFFFFFF80  }
0x25: {  	[tilespmem:s20], [sflag:$0x3] =	stream.linear.gather [hbm4b:s9+s4], $0x80, $0x38;
	[tilespmem:$0x10680] =	vst v63  }
0x26: {  	_ =	swait.ge [sflag:s17], $0x80  }
0x27: {  	[sflag:s17] =	ssyncset.done $0x0  }
0x28: {  	[sflag:s17] =	ssyncadd.s32 $0xFFFFFF80  }
0x29: {  	[tilespmem:s21], [sflag:$0x3] =	stream.linear.gather [hbm4b:s10+s4], $0x80, $0x38;
	[tilespmem:$0x10680] =	vst v63  }
0x2a: {  	_ =	swait.ge [sflag:s17], $0x80  }
0x2b: {  	[sflag:s17] =	ssyncset.done $0x0  }
0x2c: {  	[sflag:s17] =	ssyncadd.s32 $0xFFFFFF80  }
0x2d: {  	[tilespmem:s22], [sflag:$0x3] =	stream.linear.gather [hbm4b:s11+s4], $0x80, $0x38;
	[tilespmem:$0x10680] =	vst v63  }
0x2e: {  	_ =	swait.ge [sflag:s17], $0x80  }
0x2f: {  	[sflag:s17] =	ssyncset.done $0x0  }
0x30: {  	[sflag:s17] =	ssyncadd.s32 $0xFFFFFF80  }
0x31: {  	[tilespmem:s23], [sflag:$0x3] =	stream.linear.gather [hbm4b:s12+s4], $0x80, $0x38;
	[tilespmem:$0x10680] =	vst v63  }
0x32: {  	_ =	swait.ge [sflag:s17], $0x80  }
0x33: {  	[sflag:s17] =	ssyncset.done $0x0  }
0x34: {  	[sflag:s17] =	ssyncadd.s32 $0xFFFFFF80  }
0x35: {  	[tilespmem:s24], [sflag:$0x3] =	stream.linear.gather [hbm4b:s13+s4], $0x80, $0x38;
	[tilespmem:$0x10680] =	vst v63  }
0x36: {  	_ =	swait.ge [sflag:s17], $0x80  }
0x37: {  	[sflag:s17] =	ssyncset.done $0x0  }
0x38: {  	[sflag:s17] =	ssyncadd.s32 $0xFFFFFF80  }
0x39: {  	v1 =	vld [tilespmem:$0x10400];
	[tilespmem:s25], [sflag:$0x1] =	stream.indirect.gather [hbm4b:s1+s19], $0x80, s4, s19, $0xb8  }
0x3a: {  	_ = 	snop  }
0x3b: {  	[tilespmem:s26], [sflag:$0x1] =	stream.indirect.gather [hbm4b:s2+s19], $0x80, s18, s19, $0xb8;
	[tilespmem:$0x10680] =	vst v63  }
0x3c: {  	_ = 	snop  }
0x3d: {  	[tilespmem:s28], [sflag:$0x2] =	stream.indirect.gather [hbm4b:s1+s19], $0x80, s19, s19, $0xb8;
	[tilespmem:$0x10680] =	vst v63  }
0x3e: {  	_ = 	snop  }
0x3f: {  	[tilespmem:s29], [sflag:$0x2] =	stream.indirect.gather [hbm4b:s2+s19], $0x80, s20, s19, $0xb8;
	[tilespmem:$0x10680] =	vst v63  }
0x40: {  	_ =	swait.ge [sflag:s30], $0x4000  }
0x41: {  	[sflag:s30] =	ssyncset.done $0x0  }
0x42: {  	[sflag:s30] =	ssyncadd.s32 $0xFFFFC000  }
0x43: {  	_ =	swait.ge [sflag:s30], $0x4000  }
0x44: {  	[sflag:s30] =	ssyncset.done $0x0  }
0x45: {  	s16 =	simm.s32 $0x0;
	[sflag:s30] =	ssyncadd.s32 $0xFFFFC000  }
.LBB2_2:
0x46: {  	s0 =	sshll.u32 s16, $0x4  }
0x47: {  	s5 =	simm.s32 $0x0;
	v6 =	vor.u32 s0, v0  }
0x48: {  	v4 =	vadd.s32 s5, v6  }
0x49: {  	v2 =	vshll.u32 v6, $0x7;
	v3 =	vand.u32 $0x7F, v4  }
0x4a: {  	v5 =	vadd.s32 $0xC, v4;
	v3 =	vor.u32 v2, v3  }
0x4b: {  	v5 =	vand.u32 $0x7F, v5  }
0x4c: {  	v7 =	vadd.s32 $0xD, v4;
	v5 =	vor.u32 v2, v5  }
0x4d: {  	v7 =	vand.u32 $0x7F, v7  }
0x4e: {  	v8 =	vadd.s32 $0xE, v4;
	v12 =	vor.u32 v2, v7  }
0x4f: {  	v8 =	vand.u32 $0x7F, v8;
	v7 =	vld.idx.msk [tilespmem:v3+s25+$0x0], $0xffff  }
0x50: {  	v9 =	vadd.s32 $0x8, v4;
	v13 =	vor.u32 v2, v8;
	v8 =	vld.idx.msk [tilespmem:v3+s26+$0x0], $0xffff  }
0x51: {  	v3 =	vand.u32 $0x7F, v9;
	v9 =	vld.idx.msk [tilespmem:v5+s25+$0x0], $0xffff  }
0x52: {  	v10 =	vadd.s32 $0x9, v4;
	v15 =	vor.u32 v2, v3;
	v11 =	vld.idx.msk [tilespmem:v5+s26+$0x0], $0xffff  }
0x53: {  	v3 =	vand.u32 $0x7F, v10;
	v10 =	vld.idx.msk [tilespmem:v12+s25+$0x0], $0xffff  }
0x54: {  	v5 =	vadd.s32 $0xA, v4;
	v14 =	vld.idx.msk [tilespmem:v12+s26+$0x0], $0xffff;
	v16 =	vor.u32 v2, v3  }
0x55: {  	v5 =	vand.u32 $0x7F, v5;
	v3 =	vld.idx.msk [tilespmem:v13+s25+$0x0], $0xffff  }
0x56: {  	v12 =	vadd.s32 $0x4, v4;
	v17 =	vor.u32 v2, v5;
	v5 =	vld.idx.msk [tilespmem:v13+s26+$0x0], $0xffff  }
0x57: {  	v12 =	vand.u32 $0x7F, v12;
	v19 =	vld.idx.msk [tilespmem:v15+s25+$0x0], $0xffff  }
0x58: {  	v18 =	vor.u32 v2, v12;
	v12 =	vadd.s32 $0x5, v4;
	v21 =	vld.idx.msk [tilespmem:v15+s26+$0x0], $0xffff  }
0x59: {  	v12 =	vand.u32 $0x7F, v12;
	v20 =	vld.idx.msk [tilespmem:v16+s25+$0x0], $0xffff  }
0x5a: {  	v26 =	vor.u32 v2, v12;
	v22 =	vld.idx.msk [tilespmem:v16+s26+$0x0], $0xffff;
	v16 =	vadd.s32 $0x6, v4  }
0x5b: {  	v13 =	vld.idx.msk [tilespmem:v17+s25+$0x0], $0xffff;
	v16 =	vand.u32 $0x7F, v16  }
0x5c: {  	v15 =	vld.idx.msk [tilespmem:v17+s26+$0x0], $0xffff;
	v17 =	vadd.s32 $0x1, v4;
	v29 =	vor.u32 v2, v16  }
0x5d: {  	v23 =	vld.idx.msk [tilespmem:v18+s25+$0x0], $0xffff;
	v16 =	vand.u32 $0x7F, v17  }
0x5e: {  	v24 =	vadd.s32 $0x2, v4;
	v30 =	vadd.s32 $0x3, v4;
	v25 =	vld.idx.msk [tilespmem:v18+s26+$0x0], $0xffff;
	v28 =	vor.u32 v2, v16  }
0x5f: {  	v12 =	vimm.f32 $0.0e+00;
	v18 =	vimm.f32 $0.0e+00;
	v17 =	vand.u32 $0x7F, v24;
	v24 =	vld.idx.msk [tilespmem:v26+s25+$0x0], $0xffff  }
0x60: {  	s18 =	simm.s32 $0x10;
	v27 =	vor.u32 v2, v17;
	v26 =	vld.idx.msk [tilespmem:v26+s26+$0x0], $0xffff;
	v16 =	vimm.f32 $0.0e+00;
	v17 =	vimm.f32 $0.0e+00  }
.LBB2_3:
0x61: {  	v31 =	vadd.s32 s18, v6;
	p0 =	sne.s32 s18, $0x70;
	v30 =	vand.u32 $0x7F, v30;
	v32 =	vld.idx.msk [tilespmem:v29+s25+$0x0], $0xffff  }
0x62: {  	v34 =	vadd.s32 $0x7, v4;
	v33 =	vadd.s32 $0xC, v31;
	v30 =	vor.u32 v2, v30;
	v29 =	vld.idx.msk [tilespmem:v29+s26+$0x0], $0xffff  }
0x63: {  	v35 =	vadd.s32 $0xD, v31;
	v36 =	vadd.s32 $0xE, v31;
	v34 =	vand.u32 $0x7F, v34;
	v37 =	vld.idx.msk [tilespmem:v28+s25+$0x0], $0xffff  }
0x64: {  	v38 =	vadd.s32 $0xB, v4;
	v39 =	vadd.s32 $0xF, v4;
	v4 =	vmovc v31;
	v34 =	vor.u32 v2, v34;
	v28 =	vld.idx.msk [tilespmem:v28+s26+$0x0], $0xffff  }
0x65: {  	v38 =	vand.u32 $0x7F, v38;
	v31 =	vadd.s32 $0x8, v4;
	v40 =	vadd.s32 $0x9, v4;
	v41 =	vld.idx.msk [tilespmem:v27+s25+$0x0], $0xffff  }
0x66: {  	v42 =	vadd.s32 $0x4, v4;
	v43 =	vadd.s32 $0xA, v4;
	v38 =	vor.u32 v2, v38;
	v27 =	vld.idx.msk [tilespmem:v27+s26+$0x0], $0xffff  }
0x67: {  	v39 =	vand.u32 $0x7F, v39;
	v44 =	vand.u32 $0x7F, v4;
	v33 =	vand.u32 $0x7F, v33;
	v45 =	vld.idx.msk [tilespmem:v30+s25+$0x0], $0xffff  }
0x68: {  	v35 =	vand.u32 $0x7F, v35;
	v36 =	vand.u32 $0x7F, v36;
	v39 =	vor.u32 v2, v39;
	v30 =	vld.idx.msk [tilespmem:v30+s26+$0x0], $0xffff  }
0x69: {  	v44 =	vor.u32 v2, v44;
	v31 =	vand.u32 $0x7F, v31;
	v40 =	vand.u32 $0x7F, v40;
	v46 =	vld.idx.msk [tilespmem:v34+s25+$0x0], $0xffff  }
0x6a: {  	v8 =	vmul.f32 v8, v7;
	v47 =	vmul.f32 v11, v9;
	v33 =	vor.u32 v2, v33;
	v34 =	vld.idx.msk [tilespmem:v34+s26+$0x0], $0xffff  }
0x6b: {  	v19 =	vmul.f32 v21, v19;
	v48 =	vmul.f32 v14, v10;
	v35 =	vor.u32 v2, v35;
	v21 =	vld.idx.msk [tilespmem:v38+s25+$0x0], $0xffff  }
0x6c: {  	v14 =	vmul.f32 v22, v20;
	v10 =	vmul.f32 v25, v23;
	v36 =	vor.u32 v2, v36;
	v20 =	vld.idx.msk [tilespmem:v38+s26+$0x0], $0xffff  }
0x6d: {  	v22 =	vor.u32 v2, v31;
	v11 =	vmul.f32 v26, v24;
	v9 =	vmul.f32 v28, v37;
	v23 =	vld.idx.msk [tilespmem:v39+s25+$0x0], $0xffff  }
0x6e: {  	v24 =	vor.u32 v2, v40;
	v25 =	vmul.f32 v27, v41;
	v26 =	vmul.f32 v30, v45;
	v27 =	vld.idx.msk [tilespmem:v39+s26+$0x0], $0xffff  }
0x6f: {  	v12 =	vadd.f32 v8, v12;
	v28 =	vmul.f32 v29, v32;
	v18 =	vadd.f32 v9, v18;
	v7 =	vld.idx.msk [tilespmem:v44+s25+$0x0], $0xffff  }
0x70: {  	v16 =	vadd.f32 v25, v16;
	v17 =	vadd.f32 v26, v17;
	v25 =	vmul.f32 v34, v46;
	v8 =	vld.idx.msk [tilespmem:v44+s26+$0x0], $0xffff  }
0x71: {  	v13 =	vmul.f32 v15, v13;
	v12 =	vadd.f32 v10, v12;
	v18 =	vadd.f32 v11, v18;
	v9 =	vld.idx.msk [tilespmem:v33+s25+$0x0], $0xffff  }
0x72: {  	v15 =	vadd.f32 v28, v16;
	v16 =	vadd.f32 v25, v17;
	v17 =	vmul.f32 v20, v21;
	v11 =	vld.idx.msk [tilespmem:v33+s26+$0x0], $0xffff  }
0x73: {  	v12 =	vadd.f32 v19, v12;
	v19 =	vmul.f32 v5, v3;
	v18 =	vadd.f32 v14, v18;
	v10 =	vld.idx.msk [tilespmem:v35+s25+$0x0], $0xffff  }
0x74: {  	v13 =	vadd.f32 v13, v15;
	v15 =	vadd.f32 v17, v16;
	v17 =	vmul.f32 v27, v23;
	v14 =	vld.idx.msk [tilespmem:v35+s26+$0x0], $0xffff  }
0x75: {  	v5 =	vand.u32 $0x7F, v43;
	v12 =	vadd.f32 v47, v12;
	v18 =	vadd.f32 v48, v18;
	v3 =	vld.idx.msk [tilespmem:v36+s25+$0x0], $0xffff  }
0x76: {  	v23 =	vor.u32 v2, v5;
	v16 =	vadd.f32 v19, v13;
	v17 =	vadd.f32 v17, v15;
	v5 =	vld.idx.msk [tilespmem:v36+s26+$0x0], $0xffff  }
0x77: {  	v13 =	vand.u32 $0x7F, v42;
	v19 =	vld.idx.msk [tilespmem:v22+s25+$0x0], $0xffff  }
0x78: {  	v25 =	vor.u32 v2, v13;
	v13 =	vadd.s32 $0x5, v4;
	v21 =	vld.idx.msk [tilespmem:v22+s26+$0x0], $0xffff  }
0x79: {  	v13 =	vand.u32 $0x7F, v13;
	v20 =	vld.idx.msk [tilespmem:v24+s25+$0x0], $0xffff  }
0x7a: {  	v26 =	vor.u32 v2, v13;
	v13 =	vadd.s32 $0x6, v4;
	v22 =	vld.idx.msk [tilespmem:v24+s26+$0x0], $0xffff  }
0x7b: {  	v15 =	vand.u32 $0x7F, v13;
	v13 =	vld.idx.msk [tilespmem:v23+s25+$0x0], $0xffff  }
.Ltmp0:
0x7c: {  	v29 =	vor.u32 v2, v15;
	v24 =	vadd.s32 $0x1, v4;
	v15 =	vld.idx.msk [tilespmem:v23+s26+$0x0], $0xffff;
	(pc) =	sbr.rel @p0 .LBB2_3-.Ltmp0, $4  }
0x7d: {  	v24 =	vand.u32 $0x7F, v24;
	v23 =	vld.idx.msk [tilespmem:v25+s25+$0x0], $0xffff  }
0x7e: {  	v28 =	vor.u32 v2, v24;
	v24 =	vadd.s32 $0x2, v4;
	v25 =	vld.idx.msk [tilespmem:v25+s26+$0x0], $0xffff  }
0x7f: {  	v27 =	vand.u32 $0x7F, v24;
	v24 =	vld.idx.msk [tilespmem:v26+s25+$0x0], $0xffff  }
0x80: {  	s18 =	sadd.s32 $0x10, s18;
	v30 =	vadd.s32 $0x3, v4;
	v27 =	vor.u32 v2, v27;
	v26 =	vld.idx.msk [tilespmem:v26+s26+$0x0], $0xffff  }
0x81: {  	_ =	sdelay $0x3  }
0x82: {  	v6 =	vand.u32 $0x7F, v30;
	v38 =	vld.idx.msk [tilespmem:v29+s25+$0x0], $0xffff  }
0x83: {  	v39 =	vld.idx.msk [tilespmem:v29+s26+$0x0], $0xffff;
	v31 =	vadd.s32 $0x7, v4;
	v6 =	vor.u32 v2, v6  }
0x84: {  	v32 =	vld.idx.msk [tilespmem:v28+s25+$0x0], $0xffff;
	v31 =	vand.u32 $0x7F, v31  }
0x85: {  	v40 =	vld.idx.msk [tilespmem:v28+s26+$0x0], $0xffff;
	v33 =	vadd.s32 $0xB, v4;
	v31 =	vor.u32 v2, v31  }
0x86: {  	v34 =	vld.idx.msk [tilespmem:v27+s25+$0x0], $0xffff;
	v33 =	vand.u32 $0x7F, v33  }
0x87: {  	v41 =	vadd.s32 $0xF, v4;
	v42 =	vld.idx.msk [tilespmem:v27+s26+$0x0], $0xffff;
	v33 =	vor.u32 v2, v33  }
0x88: {  	v4 =	vand.u32 $0x7F, v41;
	v35 =	vld.idx.msk [tilespmem:v6+s25+$0x0], $0xffff  }
0x89: {  	v2 =	vor.u32 v2, v4;
	v6 =	vld.idx.msk [tilespmem:v6+s26+$0x0], $0xffff  }
0x8a: {  	v7 =	vmul.f32 v8, v7;
	v43 =	vld.idx.msk [tilespmem:v31+s25+$0x0], $0xffff  }
0x8b: {  	v44 =	vmul.f32 v11, v9;
	v46 =	vmul.f32 v21, v19;
	v45 =	vld.idx.msk [tilespmem:v31+s26+$0x0], $0xffff  }
0x8c: {  	v10 =	vmul.f32 v14, v10;
	v20 =	vmul.f32 v22, v20;
	v47 =	vld.idx.msk [tilespmem:v33+s25+$0x0], $0xffff  }
0x8d: {  	v48 =	vmul.f32 v25, v23;
	v50 =	vmul.f32 v40, v32;
	v49 =	vld.idx.msk [tilespmem:v33+s26+$0x0], $0xffff  }
0x8e: {  	v7 =	vadd.f32 v7, v12;
	v53 =	vmul.f32 v42, v34;
	v52 =	vld.idx.msk [tilespmem:v2+s25+$0x0], $0xffff;
	v6 =	vmul.f32 v6, v35  }
0x8f: {  	v51 =	vmul.f32 v26, v24;
	v55 =	vmul.f32 v39, v38;
	v2 =	vld.idx.msk [tilespmem:v2+s26+$0x0], $0xffff;
	v54 =	vadd.f32 v50, v18  }
0x90: {  	v16 =	vadd.f32 v53, v16;
	v4 =	vmul.f32 v45, v43;
	v6 =	vadd.f32 v6, v17  }
0x91: {  	v57 =	vmul.f32 v15, v13;
	v7 =	vadd.f32 v48, v7;
	v56 =	vadd.f32 v51, v54  }
0x92: {  	v58 =	vadd.f32 v55, v16;
	v59 =	vmul.f32 v49, v47;
	v4 =	vadd.f32 v4, v6  }
0x93: {  	v3 =	vmul.f32 v5, v3;
	v7 =	vadd.f32 v46, v7;
	v9 =	vadd.f32 v20, v56  }
0x94: {  	v60 =	vadd.f32 v57, v58;
	v2 =	vmul.f32 v2, v52;
	v4 =	vadd.f32 v59, v4  }
0x95: {  	v61 =	vadd.f32 v44, v7;
	v62 =	vadd.f32 v10, v9  }
0x96: {  	v3 =	vadd.f32 v3, v60;
	v2 =	vadd.f32 v2, v4;
	_ =	sdelay $0x1  }
0x97: {  	s16 =	sadd.s32 $0x1, s16;
	v63 =	vadd.f32 v62, v61;
	v2 =	vadd.f32 v2, v3  }
0x98: {  	p0 =	sne.s32 s16, $0x8  }
.Ltmp1:
0x99: {  	v2 =	vadd.f32 v2, v63;
	(pc) =	sbr.rel @p0 .LBB2_2-.Ltmp1, $3  }
0x9a: {  	_ = 	snop  }
0x9b: {  	v2 =	vadd.f32 v2, v1;
	_ =	sdelay $0x1  }
0x9c: {  	[tilespmem:s0+$0x10480] =	vst v2  }
0x9d: {  	[tilespmem:s25], [sflag:$0x1] =	stream.indirect.gather [hbm4b:s1+s19], $0x80, s21, s19, $0xb8;
	[tilespmem:$0x10680] =	vst v63  }
0x9e: {  	_ = 	snop  }
0x9f: {  	[tilespmem:s26], [sflag:$0x1] =	stream.indirect.gather [hbm4b:s2+s19], $0x80, s22, s19, $0xb8;
	[tilespmem:$0x10680] =	vst v63  }
0xa0: {  	_ =	swait.ge [sflag:s31], $0x4000  }
0xa1: {  	[sflag:s31] =	ssyncset.done $0x0  }
0xa2: {  	[sflag:s31] =	ssyncadd.s32 $0xFFFFC000  }
0xa3: {  	_ =	swait.ge [sflag:s31], $0x4000  }
0xa4: {  	[sflag:s31] =	ssyncset.done $0x0  }
0xa5: {  	s16 =	simm.s32 $0x0;
	s0 =	simm.s32 $0x0;
	[sflag:s31] =	ssyncadd.s32 $0xFFFFC000  }
.LBB2_6:
0xa6: {  	s18 =	sshll.u32 s0, $0x4  }
0xa7: {  	v6 =	vor.u32 s18, v0  }
0xa8: {  	v4 =	vadd.s32 s16, v6  }
0xa9: {  	v2 =	vshll.u32 v6, $0x7;
	v3 =	vand.u32 $0x7F, v4  }
0xaa: {  	v5 =	vadd.s32 $0xC, v4;
	v3 =	vor.u32 v2, v3  }
0xab: {  	v5 =	vand.u32 $0x7F, v5  }
0xac: {  	v7 =	vadd.s32 $0xD, v4;
	v5 =	vor.u32 v2, v5  }
0xad: {  	v7 =	vand.u32 $0x7F, v7  }
0xae: {  	v8 =	vadd.s32 $0xE, v4;
	v12 =	vor.u32 v2, v7  }
0xaf: {  	v8 =	vand.u32 $0x7F, v8;
	v7 =	vld.idx.msk [tilespmem:v3+s28+$0x0], $0xffff  }
0xb0: {  	v9 =	vadd.s32 $0x8, v4;
	v13 =	vor.u32 v2, v8;
	v8 =	vld.idx.msk [tilespmem:v3+s29+$0x0], $0xffff  }
0xb1: {  	v3 =	vand.u32 $0x7F, v9;
	v9 =	vld.idx.msk [tilespmem:v5+s28+$0x0], $0xffff  }
0xb2: {  	v10 =	vadd.s32 $0x9, v4;
	v15 =	vor.u32 v2, v3;
	v11 =	vld.idx.msk [tilespmem:v5+s29+$0x0], $0xffff  }
0xb3: {  	v3 =	vand.u32 $0x7F, v10;
	v10 =	vld.idx.msk [tilespmem:v12+s28+$0x0], $0xffff  }
0xb4: {  	v5 =	vadd.s32 $0xA, v4;
	v14 =	vld.idx.msk [tilespmem:v12+s29+$0x0], $0xffff;
	v16 =	vor.u32 v2, v3  }
0xb5: {  	v5 =	vand.u32 $0x7F, v5;
	v3 =	vld.idx.msk [tilespmem:v13+s28+$0x0], $0xffff  }
0xb6: {  	v12 =	vadd.s32 $0x4, v4;
	v17 =	vor.u32 v2, v5;
	v5 =	vld.idx.msk [tilespmem:v13+s29+$0x0], $0xffff  }
0xb7: {  	v12 =	vand.u32 $0x7F, v12;
	v19 =	vld.idx.msk [tilespmem:v15+s28+$0x0], $0xffff  }
0xb8: {  	v18 =	vor.u32 v2, v12;
	v12 =	vadd.s32 $0x5, v4;
	v21 =	vld.idx.msk [tilespmem:v15+s29+$0x0], $0xffff  }
0xb9: {  	v12 =	vand.u32 $0x7F, v12;
	v20 =	vld.idx.msk [tilespmem:v16+s28+$0x0], $0xffff  }
0xba: {  	v26 =	vor.u32 v2, v12;
	v22 =	vld.idx.msk [tilespmem:v16+s29+$0x0], $0xffff;
	v16 =	vadd.s32 $0x6, v4  }
0xbb: {  	v13 =	vld.idx.msk [tilespmem:v17+s28+$0x0], $0xffff;
	v16 =	vand.u32 $0x7F, v16  }
0xbc: {  	v15 =	vld.idx.msk [tilespmem:v17+s29+$0x0], $0xffff;
	v17 =	vadd.s32 $0x1, v4;
	v29 =	vor.u32 v2, v16  }
0xbd: {  	v23 =	vld.idx.msk [tilespmem:v18+s28+$0x0], $0xffff;
	v16 =	vand.u32 $0x7F, v17  }
0xbe: {  	v24 =	vadd.s32 $0x2, v4;
	v30 =	vadd.s32 $0x3, v4;
	v25 =	vld.idx.msk [tilespmem:v18+s29+$0x0], $0xffff;
	v28 =	vor.u32 v2, v16  }
0xbf: {  	v12 =	vimm.f32 $0.0e+00;
	v18 =	vimm.f32 $0.0e+00;
	v17 =	vand.u32 $0x7F, v24;
	v24 =	vld.idx.msk [tilespmem:v26+s28+$0x0], $0xffff  }
0xc0: {  	s5 =	simm.s32 $0x10;
	v27 =	vor.u32 v2, v17;
	v26 =	vld.idx.msk [tilespmem:v26+s29+$0x0], $0xffff;
	v16 =	vimm.f32 $0.0e+00;
	v17 =	vimm.f32 $0.0e+00  }
.LBB2_7:
0xc1: {  	v31 =	vadd.s32 s5, v6;
	p0 =	sne.s32 s5, $0x70;
	v30 =	vand.u32 $0x7F, v30;
	v32 =	vld.idx.msk [tilespmem:v29+s28+$0x0], $0xffff  }
0xc2: {  	v34 =	vadd.s32 $0x7, v4;
	v33 =	vadd.s32 $0xC, v31;
	v30 =	vor.u32 v2, v30;
	v29 =	vld.idx.msk [tilespmem:v29+s29+$0x0], $0xffff  }
0xc3: {  	v35 =	vadd.s32 $0xD, v31;
	v36 =	vadd.s32 $0xE, v31;
	v34 =	vand.u32 $0x7F, v34;
	v37 =	vld.idx.msk [tilespmem:v28+s28+$0x0], $0xffff  }
0xc4: {  	v38 =	vadd.s32 $0xB, v4;
	v39 =	vadd.s32 $0xF, v4;
	v4 =	vmovc v31;
	v34 =	vor.u32 v2, v34;
	v28 =	vld.idx.msk [tilespmem:v28+s29+$0x0], $0xffff  }
0xc5: {  	v38 =	vand.u32 $0x7F, v38;
	v31 =	vadd.s32 $0x8, v4;
	v40 =	vadd.s32 $0x9, v4;
	v41 =	vld.idx.msk [tilespmem:v27+s28+$0x0], $0xffff  }
0xc6: {  	v42 =	vadd.s32 $0x4, v4;
	v43 =	vadd.s32 $0xA, v4;
	v38 =	vor.u32 v2, v38;
	v27 =	vld.idx.msk [tilespmem:v27+s29+$0x0], $0xffff  }
0xc7: {  	v39 =	vand.u32 $0x7F, v39;
	v44 =	vand.u32 $0x7F, v4;
	v33 =	vand.u32 $0x7F, v33;
	v45 =	vld.idx.msk [tilespmem:v30+s28+$0x0], $0xffff  }
0xc8: {  	v35 =	vand.u32 $0x7F, v35;
	v36 =	vand.u32 $0x7F, v36;
	v39 =	vor.u32 v2, v39;
	v30 =	vld.idx.msk [tilespmem:v30+s29+$0x0], $0xffff  }
0xc9: {  	v44 =	vor.u32 v2, v44;
	v31 =	vand.u32 $0x7F, v31;
	v40 =	vand.u32 $0x7F, v40;
	v46 =	vld.idx.msk [tilespmem:v34+s28+$0x0], $0xffff  }
0xca: {  	v8 =	vmul.f32 v8, v7;
	v47 =	vmul.f32 v11, v9;
	v33 =	vor.u32 v2, v33;
	v34 =	vld.idx.msk [tilespmem:v34+s29+$0x0], $0xffff  }
0xcb: {  	v19 =	vmul.f32 v21, v19;
	v48 =	vmul.f32 v14, v10;
	v35 =	vor.u32 v2, v35;
	v21 =	vld.idx.msk [tilespmem:v38+s28+$0x0], $0xffff  }
0xcc: {  	v14 =	vmul.f32 v22, v20;
	v10 =	vmul.f32 v25, v23;
	v36 =	vor.u32 v2, v36;
	v20 =	vld.idx.msk [tilespmem:v38+s29+$0x0], $0xffff  }
0xcd: {  	v22 =	vor.u32 v2, v31;
	v11 =	vmul.f32 v26, v24;
	v9 =	vmul.f32 v28, v37;
	v23 =	vld.idx.msk [tilespmem:v39+s28+$0x0], $0xffff  }
0xce: {  	v24 =	vor.u32 v2, v40;
	v25 =	vmul.f32 v27, v41;
	v26 =	vmul.f32 v30, v45;
	v27 =	vld.idx.msk [tilespmem:v39+s29+$0x0], $0xffff  }
0xcf: {  	v12 =	vadd.f32 v8, v12;
	v28 =	vmul.f32 v29, v32;
	v18 =	vadd.f32 v9, v18;
	v7 =	vld.idx.msk [tilespmem:v44+s28+$0x0], $0xffff  }
0xd0: {  	v16 =	vadd.f32 v25, v16;
	v17 =	vadd.f32 v26, v17;
	v25 =	vmul.f32 v34, v46;
	v8 =	vld.idx.msk [tilespmem:v44+s29+$0x0], $0xffff  }
0xd1: {  	v13 =	vmul.f32 v15, v13;
	v12 =	vadd.f32 v10, v12;
	v18 =	vadd.f32 v11, v18;
	v9 =	vld.idx.msk [tilespmem:v33+s28+$0x0], $0xffff  }
0xd2: {  	v15 =	vadd.f32 v28, v16;
	v16 =	vadd.f32 v25, v17;
	v17 =	vmul.f32 v20, v21;
	v11 =	vld.idx.msk [tilespmem:v33+s29+$0x0], $0xffff  }
0xd3: {  	v12 =	vadd.f32 v19, v12;
	v19 =	vmul.f32 v5, v3;
	v18 =	vadd.f32 v14, v18;
	v10 =	vld.idx.msk [tilespmem:v35+s28+$0x0], $0xffff  }
0xd4: {  	v13 =	vadd.f32 v13, v15;
	v15 =	vadd.f32 v17, v16;
	v17 =	vmul.f32 v27, v23;
	v14 =	vld.idx.msk [tilespmem:v35+s29+$0x0], $0xffff  }
0xd5: {  	v5 =	vand.u32 $0x7F, v43;
	v12 =	vadd.f32 v47, v12;
	v18 =	vadd.f32 v48, v18;
	v3 =	vld.idx.msk [tilespmem:v36+s28+$0x0], $0xffff  }
0xd6: {  	v23 =	vor.u32 v2, v5;
	v16 =	vadd.f32 v19, v13;
	v17 =	vadd.f32 v17, v15;
	v5 =	vld.idx.msk [tilespmem:v36+s29+$0x0], $0xffff  }
0xd7: {  	v13 =	vand.u32 $0x7F, v42;
	v19 =	vld.idx.msk [tilespmem:v22+s28+$0x0], $0xffff  }
0xd8: {  	v25 =	vor.u32 v2, v13;
	v13 =	vadd.s32 $0x5, v4;
	v21 =	vld.idx.msk [tilespmem:v22+s29+$0x0], $0xffff  }
0xd9: {  	v13 =	vand.u32 $0x7F, v13;
	v20 =	vld.idx.msk [tilespmem:v24+s28+$0x0], $0xffff  }
0xda: {  	v26 =	vor.u32 v2, v13;
	v13 =	vadd.s32 $0x6, v4;
	v22 =	vld.idx.msk [tilespmem:v24+s29+$0x0], $0xffff  }
0xdb: {  	v15 =	vand.u32 $0x7F, v13;
	v13 =	vld.idx.msk [tilespmem:v23+s28+$0x0], $0xffff  }
.Ltmp2:
0xdc: {  	v29 =	vor.u32 v2, v15;
	v24 =	vadd.s32 $0x1, v4;
	v15 =	vld.idx.msk [tilespmem:v23+s29+$0x0], $0xffff;
	(pc) =	sbr.rel @p0 .LBB2_7-.Ltmp2, $4  }
0xdd: {  	v24 =	vand.u32 $0x7F, v24;
	v23 =	vld.idx.msk [tilespmem:v25+s28+$0x0], $0xffff  }
0xde: {  	v28 =	vor.u32 v2, v24;
	v24 =	vadd.s32 $0x2, v4;
	v25 =	vld.idx.msk [tilespmem:v25+s29+$0x0], $0xffff  }
0xdf: {  	v27 =	vand.u32 $0x7F, v24;
	v24 =	vld.idx.msk [tilespmem:v26+s28+$0x0], $0xffff  }
0xe0: {  	s5 =	sadd.s32 $0x10, s5;
	v30 =	vadd.s32 $0x3, v4;
	v27 =	vor.u32 v2, v27;
	v26 =	vld.idx.msk [tilespmem:v26+s29+$0x0], $0xffff  }
0xe1: {  	_ =	sdelay $0x3  }
0xe2: {  	v6 =	vand.u32 $0x7F, v30;
	v38 =	vld.idx.msk [tilespmem:v29+s28+$0x0], $0xffff  }
0xe3: {  	v39 =	vld.idx.msk [tilespmem:v29+s29+$0x0], $0xffff;
	v31 =	vadd.s32 $0x7, v4;
	v6 =	vor.u32 v2, v6  }
0xe4: {  	v32 =	vld.idx.msk [tilespmem:v28+s28+$0x0], $0xffff;
	v31 =	vand.u32 $0x7F, v31  }
0xe5: {  	v40 =	vld.idx.msk [tilespmem:v28+s29+$0x0], $0xffff;
	v33 =	vadd.s32 $0xB, v4;
	v31 =	vor.u32 v2, v31  }
0xe6: {  	v34 =	vld.idx.msk [tilespmem:v27+s28+$0x0], $0xffff;
	v33 =	vand.u32 $0x7F, v33  }
0xe7: {  	v41 =	vadd.s32 $0xF, v4;
	v42 =	vld.idx.msk [tilespmem:v27+s29+$0x0], $0xffff;
	v33 =	vor.u32 v2, v33  }
0xe8: {  	v4 =	vand.u32 $0x7F, v41;
	v35 =	vld.idx.msk [tilespmem:v6+s28+$0x0], $0xffff  }
0xe9: {  	v2 =	vor.u32 v2, v4;
	v6 =	vld.idx.msk [tilespmem:v6+s29+$0x0], $0xffff  }
0xea: {  	v7 =	vmul.f32 v8, v7;
	v43 =	vld.idx.msk [tilespmem:v31+s28+$0x0], $0xffff  }
0xeb: {  	v44 =	vmul.f32 v11, v9;
	v46 =	vmul.f32 v21, v19;
	v45 =	vld.idx.msk [tilespmem:v31+s29+$0x0], $0xffff  }
0xec: {  	v10 =	vmul.f32 v14, v10;
	v20 =	vmul.f32 v22, v20;
	v47 =	vld.idx.msk [tilespmem:v33+s28+$0x0], $0xffff  }
0xed: {  	v48 =	vmul.f32 v25, v23;
	v50 =	vmul.f32 v40, v32;
	v49 =	vld.idx.msk [tilespmem:v33+s29+$0x0], $0xffff  }
0xee: {  	v7 =	vadd.f32 v7, v12;
	v53 =	vmul.f32 v42, v34;
	v52 =	vld.idx.msk [tilespmem:v2+s28+$0x0], $0xffff;
	v6 =	vmul.f32 v6, v35  }
0xef: {  	v51 =	vmul.f32 v26, v24;
	v55 =	vmul.f32 v39, v38;
	v2 =	vld.idx.msk [tilespmem:v2+s29+$0x0], $0xffff;
	v54 =	vadd.f32 v50, v18  }
0xf0: {  	v16 =	vadd.f32 v53, v16;
	v4 =	vmul.f32 v45, v43;
	v6 =	vadd.f32 v6, v17  }
0xf1: {  	v57 =	vmul.f32 v15, v13;
	v7 =	vadd.f32 v48, v7;
	v56 =	vadd.f32 v51, v54  }
0xf2: {  	v58 =	vadd.f32 v55, v16;
	v59 =	vmul.f32 v49, v47;
	v4 =	vadd.f32 v4, v6  }
0xf3: {  	v3 =	vmul.f32 v5, v3;
	v7 =	vadd.f32 v46, v7;
	v9 =	vadd.f32 v20, v56  }
0xf4: {  	v60 =	vadd.f32 v57, v58;
	v2 =	vmul.f32 v2, v52;
	v4 =	vadd.f32 v59, v4  }
0xf5: {  	v61 =	vadd.f32 v44, v7;
	v62 =	vadd.f32 v10, v9  }
0xf6: {  	v3 =	vadd.f32 v3, v60;
	v2 =	vadd.f32 v2, v4;
	_ =	sdelay $0x1  }
0xf7: {  	s0 =	sadd.s32 $0x1, s0;
	v63 =	vadd.f32 v62, v61;
	v2 =	vadd.f32 v2, v3  }
0xf8: {  	p0 =	sne.s32 s0, $0x8  }
.Ltmp3:
0xf9: {  	v2 =	vadd.f32 v2, v63;
	(pc) =	sbr.rel @p0 .LBB2_6-.Ltmp3, $3  }
0xfa: {  	_ = 	snop  }
0xfb: {  	v2 =	vadd.f32 v2, v1;
	_ =	sdelay $0x1  }
0xfc: {  	[tilespmem:s18+$0x10500] =	vst v2  }
0xfd: {  	[tilespmem:s28], [sflag:$0x2] =	stream.indirect.gather [hbm4b:s1+s19], $0x80, s23, s19, $0xb8;
	[tilespmem:$0x10680] =	vst v63  }
0xfe: {  	_ = 	snop  }
0xff: {  	[tilespmem:s29], [sflag:$0x2] =	stream.indirect.gather [hbm4b:s2+s19], $0x80, s24, s19, $0xb8;
	[tilespmem:$0x10680] =	vst v63  }
0x100: {  	_ =	swait.ge [sflag:s30], $0x4000  }
0x101: {  	[sflag:s30] =	ssyncset.done $0x0  }
0x102: {  	[sflag:s30] =	ssyncadd.s32 $0xFFFFC000  }
0x103: {  	_ =	swait.ge [sflag:s30], $0x4000  }
0x104: {  	[sflag:s30] =	ssyncset.done $0x0  }
0x105: {  	s16 =	simm.s32 $0x0;
	s0 =	simm.s32 $0x0;
	[sflag:s30] =	ssyncadd.s32 $0xFFFFC000  }
.LBB2_10:
0x106: {  	s18 =	sshll.u32 s0, $0x4  }
0x107: {  	v6 =	vor.u32 s18, v0  }
0x108: {  	v4 =	vadd.s32 s16, v6  }
0x109: {  	v2 =	vshll.u32 v6, $0x7;
	v3 =	vand.u32 $0x7F, v4  }
0x10a: {  	v5 =	vadd.s32 $0xC, v4;
	v3 =	vor.u32 v2, v3  }
0x10b: {  	v5 =	vand.u32 $0x7F, v5  }
0x10c: {  	v7 =	vadd.s32 $0xD, v4;
	v5 =	vor.u32 v2, v5  }
0x10d: {  	v7 =	vand.u32 $0x7F, v7  }
0x10e: {  	v8 =	vadd.s32 $0xE, v4;
	v12 =	vor.u32 v2, v7  }
0x10f: {  	v8 =	vand.u32 $0x7F, v8;
	v7 =	vld.idx.msk [tilespmem:v3+s25+$0x0], $0xffff  }
0x110: {  	v9 =	vadd.s32 $0x8, v4;
	v13 =	vor.u32 v2, v8;
	v8 =	vld.idx.msk [tilespmem:v3+s26+$0x0], $0xffff  }
0x111: {  	v3 =	vand.u32 $0x7F, v9;
	v9 =	vld.idx.msk [tilespmem:v5+s25+$0x0], $0xffff  }
0x112: {  	v10 =	vadd.s32 $0x9, v4;
	v15 =	vor.u32 v2, v3;
	v11 =	vld.idx.msk [tilespmem:v5+s26+$0x0], $0xffff  }
0x113: {  	v3 =	vand.u32 $0x7F, v10;
	v10 =	vld.idx.msk [tilespmem:v12+s25+$0x0], $0xffff  }
0x114: {  	v5 =	vadd.s32 $0xA, v4;
	v14 =	vld.idx.msk [tilespmem:v12+s26+$0x0], $0xffff;
	v16 =	vor.u32 v2, v3  }
0x115: {  	v5 =	vand.u32 $0x7F, v5;
	v3 =	vld.idx.msk [tilespmem:v13+s25+$0x0], $0xffff  }
0x116: {  	v12 =	vadd.s32 $0x4, v4;
	v17 =	vor.u32 v2, v5;
	v5 =	vld.idx.msk [tilespmem:v13+s26+$0x0], $0xffff  }
0x117: {  	v12 =	vand.u32 $0x7F, v12;
	v19 =	vld.idx.msk [tilespmem:v15+s25+$0x0], $0xffff  }
0x118: {  	v18 =	vor.u32 v2, v12;
	v12 =	vadd.s32 $0x5, v4;
	v21 =	vld.idx.msk [tilespmem:v15+s26+$0x0], $0xffff  }
0x119: {  	v12 =	vand.u32 $0x7F, v12;
	v20 =	vld.idx.msk [tilespmem:v16+s25+$0x0], $0xffff  }
0x11a: {  	v26 =	vor.u32 v2, v12;
	v22 =	vld.idx.msk [tilespmem:v16+s26+$0x0], $0xffff;
	v16 =	vadd.s32 $0x6, v4  }
0x11b: {  	v13 =	vld.idx.msk [tilespmem:v17+s25+$0x0], $0xffff;
	v16 =	vand.u32 $0x7F, v16  }
0x11c: {  	v15 =	vld.idx.msk [tilespmem:v17+s26+$0x0], $0xffff;
	v17 =	vadd.s32 $0x1, v4;
	v29 =	vor.u32 v2, v16  }
0x11d: {  	v23 =	vld.idx.msk [tilespmem:v18+s25+$0x0], $0xffff;
	v16 =	vand.u32 $0x7F, v17  }
0x11e: {  	v24 =	vadd.s32 $0x2, v4;
	v30 =	vadd.s32 $0x3, v4;
	v25 =	vld.idx.msk [tilespmem:v18+s26+$0x0], $0xffff;
	v28 =	vor.u32 v2, v16  }
0x11f: {  	v12 =	vimm.f32 $0.0e+00;
	v18 =	vimm.f32 $0.0e+00;
	v17 =	vand.u32 $0x7F, v24;
	v24 =	vld.idx.msk [tilespmem:v26+s25+$0x0], $0xffff  }
0x120: {  	s5 =	simm.s32 $0x10;
	v27 =	vor.u32 v2, v17;
	v26 =	vld.idx.msk [tilespmem:v26+s26+$0x0], $0xffff;
	v16 =	vimm.f32 $0.0e+00;
	v17 =	vimm.f32 $0.0e+00  }
.LBB2_11:
0x121: {  	v31 =	vadd.s32 s5, v6;
	p0 =	sne.s32 s5, $0x70;
	v30 =	vand.u32 $0x7F, v30;
	v32 =	vld.idx.msk [tilespmem:v29+s25+$0x0], $0xffff  }
0x122: {  	v34 =	vadd.s32 $0x7, v4;
	v33 =	vadd.s32 $0xC, v31;
	v30 =	vor.u32 v2, v30;
	v29 =	vld.idx.msk [tilespmem:v29+s26+$0x0], $0xffff  }
0x123: {  	v35 =	vadd.s32 $0xD, v31;
	v36 =	vadd.s32 $0xE, v31;
	v34 =	vand.u32 $0x7F, v34;
	v37 =	vld.idx.msk [tilespmem:v28+s25+$0x0], $0xffff  }
0x124: {  	v38 =	vadd.s32 $0xB, v4;
	v39 =	vadd.s32 $0xF, v4;
	v4 =	vmovc v31;
	v34 =	vor.u32 v2, v34;
	v28 =	vld.idx.msk [tilespmem:v28+s26+$0x0], $0xffff  }
0x125: {  	v38 =	vand.u32 $0x7F, v38;
	v31 =	vadd.s32 $0x8, v4;
	v40 =	vadd.s32 $0x9, v4;
	v41 =	vld.idx.msk [tilespmem:v27+s25+$0x0], $0xffff  }
0x126: {  	v42 =	vadd.s32 $0x4, v4;
	v43 =	vadd.s32 $0xA, v4;
	v38 =	vor.u32 v2, v38;
	v27 =	vld.idx.msk [tilespmem:v27+s26+$0x0], $0xffff  }
0x127: {  	v39 =	vand.u32 $0x7F, v39;
	v44 =	vand.u32 $0x7F, v4;
	v33 =	vand.u32 $0x7F, v33;
	v45 =	vld.idx.msk [tilespmem:v30+s25+$0x0], $0xffff  }
0x128: {  	v35 =	vand.u32 $0x7F, v35;
	v36 =	vand.u32 $0x7F, v36;
	v39 =	vor.u32 v2, v39;
	v30 =	vld.idx.msk [tilespmem:v30+s26+$0x0], $0xffff  }
0x129: {  	v44 =	vor.u32 v2, v44;
	v31 =	vand.u32 $0x7F, v31;
	v40 =	vand.u32 $0x7F, v40;
	v46 =	vld.idx.msk [tilespmem:v34+s25+$0x0], $0xffff  }
0x12a: {  	v8 =	vmul.f32 v8, v7;
	v47 =	vmul.f32 v11, v9;
	v33 =	vor.u32 v2, v33;
	v34 =	vld.idx.msk [tilespmem:v34+s26+$0x0], $0xffff  }
0x12b: {  	v19 =	vmul.f32 v21, v19;
	v48 =	vmul.f32 v14, v10;
	v35 =	vor.u32 v2, v35;
	v21 =	vld.idx.msk [tilespmem:v38+s25+$0x0], $0xffff  }
0x12c: {  	v14 =	vmul.f32 v22, v20;
	v10 =	vmul.f32 v25, v23;
	v36 =	vor.u32 v2, v36;
	v20 =	vld.idx.msk [tilespmem:v38+s26+$0x0], $0xffff  }
0x12d: {  	v22 =	vor.u32 v2, v31;
	v11 =	vmul.f32 v26, v24;
	v9 =	vmul.f32 v28, v37;
	v23 =	vld.idx.msk [tilespmem:v39+s25+$0x0], $0xffff  }
0x12e: {  	v24 =	vor.u32 v2, v40;
	v25 =	vmul.f32 v27, v41;
	v26 =	vmul.f32 v30, v45;
	v27 =	vld.idx.msk [tilespmem:v39+s26+$0x0], $0xffff  }
0x12f: {  	v12 =	vadd.f32 v8, v12;
	v28 =	vmul.f32 v29, v32;
	v18 =	vadd.f32 v9, v18;
	v7 =	vld.idx.msk [tilespmem:v44+s25+$0x0], $0xffff  }
0x130: {  	v16 =	vadd.f32 v25, v16;
	v17 =	vadd.f32 v26, v17;
	v25 =	vmul.f32 v34, v46;
	v8 =	vld.idx.msk [tilespmem:v44+s26+$0x0], $0xffff  }
0x131: {  	v13 =	vmul.f32 v15, v13;
	v12 =	vadd.f32 v10, v12;
	v18 =	vadd.f32 v11, v18;
	v9 =	vld.idx.msk [tilespmem:v33+s25+$0x0], $0xffff  }
0x132: {  	v15 =	vadd.f32 v28, v16;
	v16 =	vadd.f32 v25, v17;
	v17 =	vmul.f32 v20, v21;
	v11 =	vld.idx.msk [tilespmem:v33+s26+$0x0], $0xffff  }
0x133: {  	v12 =	vadd.f32 v19, v12;
	v19 =	vmul.f32 v5, v3;
	v18 =	vadd.f32 v14, v18;
	v10 =	vld.idx.msk [tilespmem:v35+s25+$0x0], $0xffff  }
0x134: {  	v13 =	vadd.f32 v13, v15;
	v15 =	vadd.f32 v17, v16;
	v17 =	vmul.f32 v27, v23;
	v14 =	vld.idx.msk [tilespmem:v35+s26+$0x0], $0xffff  }
0x135: {  	v5 =	vand.u32 $0x7F, v43;
	v12 =	vadd.f32 v47, v12;
	v18 =	vadd.f32 v48, v18;
	v3 =	vld.idx.msk [tilespmem:v36+s25+$0x0], $0xffff  }
0x136: {  	v23 =	vor.u32 v2, v5;
	v16 =	vadd.f32 v19, v13;
	v17 =	vadd.f32 v17, v15;
	v5 =	vld.idx.msk [tilespmem:v36+s26+$0x0], $0xffff  }
0x137: {  	v13 =	vand.u32 $0x7F, v42;
	v19 =	vld.idx.msk [tilespmem:v22+s25+$0x0], $0xffff  }
0x138: {  	v25 =	vor.u32 v2, v13;
	v13 =	vadd.s32 $0x5, v4;
	v21 =	vld.idx.msk [tilespmem:v22+s26+$0x0], $0xffff  }
0x139: {  	v13 =	vand.u32 $0x7F, v13;
	v20 =	vld.idx.msk [tilespmem:v24+s25+$0x0], $0xffff  }
0x13a: {  	v26 =	vor.u32 v2, v13;
	v13 =	vadd.s32 $0x6, v4;
	v22 =	vld.idx.msk [tilespmem:v24+s26+$0x0], $0xffff  }
0x13b: {  	v15 =	vand.u32 $0x7F, v13;
	v13 =	vld.idx.msk [tilespmem:v23+s25+$0x0], $0xffff  }
.Ltmp4:
0x13c: {  	v29 =	vor.u32 v2, v15;
	v24 =	vadd.s32 $0x1, v4;
	v15 =	vld.idx.msk [tilespmem:v23+s26+$0x0], $0xffff;
	(pc) =	sbr.rel @p0 .LBB2_11-.Ltmp4, $4  }
0x13d: {  	v24 =	vand.u32 $0x7F, v24;
	v23 =	vld.idx.msk [tilespmem:v25+s25+$0x0], $0xffff  }
0x13e: {  	v28 =	vor.u32 v2, v24;
	v24 =	vadd.s32 $0x2, v4;
	v25 =	vld.idx.msk [tilespmem:v25+s26+$0x0], $0xffff  }
0x13f: {  	v27 =	vand.u32 $0x7F, v24;
	v24 =	vld.idx.msk [tilespmem:v26+s25+$0x0], $0xffff  }
0x140: {  	s5 =	sadd.s32 $0x10, s5;
	v30 =	vadd.s32 $0x3, v4;
	v27 =	vor.u32 v2, v27;
	v26 =	vld.idx.msk [tilespmem:v26+s26+$0x0], $0xffff  }
0x141: {  	_ =	sdelay $0x3  }
0x142: {  	v6 =	vand.u32 $0x7F, v30;
	v38 =	vld.idx.msk [tilespmem:v29+s25+$0x0], $0xffff  }
0x143: {  	v39 =	vld.idx.msk [tilespmem:v29+s26+$0x0], $0xffff;
	v31 =	vadd.s32 $0x7, v4;
	v6 =	vor.u32 v2, v6  }
0x144: {  	v32 =	vld.idx.msk [tilespmem:v28+s25+$0x0], $0xffff;
	v31 =	vand.u32 $0x7F, v31  }
0x145: {  	v40 =	vld.idx.msk [tilespmem:v28+s26+$0x0], $0xffff;
	v33 =	vadd.s32 $0xB, v4;
	v31 =	vor.u32 v2, v31  }
0x146: {  	v34 =	vld.idx.msk [tilespmem:v27+s25+$0x0], $0xffff;
	v33 =	vand.u32 $0x7F, v33  }
0x147: {  	v41 =	vadd.s32 $0xF, v4;
	v42 =	vld.idx.msk [tilespmem:v27+s26+$0x0], $0xffff;
	v33 =	vor.u32 v2, v33  }
0x148: {  	v4 =	vand.u32 $0x7F, v41;
	v35 =	vld.idx.msk [tilespmem:v6+s25+$0x0], $0xffff  }
0x149: {  	v2 =	vor.u32 v2, v4;
	v6 =	vld.idx.msk [tilespmem:v6+s26+$0x0], $0xffff  }
0x14a: {  	v7 =	vmul.f32 v8, v7;
	v43 =	vld.idx.msk [tilespmem:v31+s25+$0x0], $0xffff  }
0x14b: {  	v44 =	vmul.f32 v11, v9;
	v46 =	vmul.f32 v21, v19;
	v45 =	vld.idx.msk [tilespmem:v31+s26+$0x0], $0xffff  }
0x14c: {  	v10 =	vmul.f32 v14, v10;
	v20 =	vmul.f32 v22, v20;
	v47 =	vld.idx.msk [tilespmem:v33+s25+$0x0], $0xffff  }
0x14d: {  	v48 =	vmul.f32 v25, v23;
	v50 =	vmul.f32 v40, v32;
	v49 =	vld.idx.msk [tilespmem:v33+s26+$0x0], $0xffff  }
0x14e: {  	v7 =	vadd.f32 v7, v12;
	v53 =	vmul.f32 v42, v34;
	v52 =	vld.idx.msk [tilespmem:v2+s25+$0x0], $0xffff;
	v6 =	vmul.f32 v6, v35  }
0x14f: {  	v51 =	vmul.f32 v26, v24;
	v55 =	vmul.f32 v39, v38;
	v2 =	vld.idx.msk [tilespmem:v2+s26+$0x0], $0xffff;
	v54 =	vadd.f32 v50, v18  }
0x150: {  	v16 =	vadd.f32 v53, v16;
	v4 =	vmul.f32 v45, v43;
	v6 =	vadd.f32 v6, v17  }
0x151: {  	v57 =	vmul.f32 v15, v13;
	v7 =	vadd.f32 v48, v7;
	v56 =	vadd.f32 v51, v54  }
0x152: {  	v58 =	vadd.f32 v55, v16;
	v59 =	vmul.f32 v49, v47;
	v4 =	vadd.f32 v4, v6  }
0x153: {  	v3 =	vmul.f32 v5, v3;
	v7 =	vadd.f32 v46, v7;
	v9 =	vadd.f32 v20, v56  }
0x154: {  	v60 =	vadd.f32 v57, v58;
	v2 =	vmul.f32 v2, v52;
	v4 =	vadd.f32 v59, v4  }
0x155: {  	v61 =	vadd.f32 v44, v7;
	v62 =	vadd.f32 v10, v9  }
0x156: {  	v3 =	vadd.f32 v3, v60;
	v2 =	vadd.f32 v2, v4;
	_ =	sdelay $0x1  }
0x157: {  	s0 =	sadd.s32 $0x1, s0;
	v63 =	vadd.f32 v62, v61;
	v2 =	vadd.f32 v2, v3  }
0x158: {  	p0 =	sne.s32 s0, $0x8  }
.Ltmp5:
0x159: {  	v2 =	vadd.f32 v2, v63;
	(pc) =	sbr.rel @p0 .LBB2_10-.Ltmp5, $3  }
0x15a: {  	_ = 	snop  }
0x15b: {  	v2 =	vadd.f32 v2, v1;
	_ =	sdelay $0x1  }
0x15c: {  	[tilespmem:s18+$0x10580] =	vst v2  }
0x15d: {  	_ =	swait.ge [sflag:s31], $0x4000  }
0x15e: {  	[sflag:s31] =	ssyncset.done $0x0  }
0x15f: {  	[sflag:s31] =	ssyncadd.s32 $0xFFFFC000  }
0x160: {  	_ =	swait.ge [sflag:s31], $0x4000  }
0x161: {  	[sflag:s31] =	ssyncset.done $0x0  }
0x162: {  	s16 =	simm.s32 $0x0;
	s0 =	simm.s32 $0x0;
	[sflag:s31] =	ssyncadd.s32 $0xFFFFC000  }
.LBB2_14:
0x163: {  	s18 =	sshll.u32 s0, $0x4  }
0x164: {  	v6 =	vor.u32 s18, v0  }
0x165: {  	v4 =	vadd.s32 s16, v6  }
0x166: {  	v2 =	vshll.u32 v6, $0x7;
	v3 =	vand.u32 $0x7F, v4  }
0x167: {  	v5 =	vadd.s32 $0xC, v4;
	v3 =	vor.u32 v2, v3  }
0x168: {  	v5 =	vand.u32 $0x7F, v5  }
0x169: {  	v7 =	vadd.s32 $0xD, v4;
	v5 =	vor.u32 v2, v5  }
0x16a: {  	v7 =	vand.u32 $0x7F, v7  }
0x16b: {  	v8 =	vadd.s32 $0xE, v4;
	v12 =	vor.u32 v2, v7  }
0x16c: {  	v8 =	vand.u32 $0x7F, v8;
	v7 =	vld.idx.msk [tilespmem:v3+s28+$0x0], $0xffff  }
0x16d: {  	v9 =	vadd.s32 $0x8, v4;
	v13 =	vor.u32 v2, v8;
	v8 =	vld.idx.msk [tilespmem:v3+s29+$0x0], $0xffff  }
0x16e: {  	v3 =	vand.u32 $0x7F, v9;
	v9 =	vld.idx.msk [tilespmem:v5+s28+$0x0], $0xffff  }
0x16f: {  	v10 =	vadd.s32 $0x9, v4;
	v15 =	vor.u32 v2, v3;
	v11 =	vld.idx.msk [tilespmem:v5+s29+$0x0], $0xffff  }
0x170: {  	v3 =	vand.u32 $0x7F, v10;
	v10 =	vld.idx.msk [tilespmem:v12+s28+$0x0], $0xffff  }
0x171: {  	v5 =	vadd.s32 $0xA, v4;
	v14 =	vld.idx.msk [tilespmem:v12+s29+$0x0], $0xffff;
	v16 =	vor.u32 v2, v3  }
0x172: {  	v5 =	vand.u32 $0x7F, v5;
	v3 =	vld.idx.msk [tilespmem:v13+s28+$0x0], $0xffff  }
0x173: {  	v12 =	vadd.s32 $0x4, v4;
	v17 =	vor.u32 v2, v5;
	v5 =	vld.idx.msk [tilespmem:v13+s29+$0x0], $0xffff  }
0x174: {  	v12 =	vand.u32 $0x7F, v12;
	v19 =	vld.idx.msk [tilespmem:v15+s28+$0x0], $0xffff  }
0x175: {  	v18 =	vor.u32 v2, v12;
	v12 =	vadd.s32 $0x5, v4;
	v21 =	vld.idx.msk [tilespmem:v15+s29+$0x0], $0xffff  }
0x176: {  	v12 =	vand.u32 $0x7F, v12;
	v20 =	vld.idx.msk [tilespmem:v16+s28+$0x0], $0xffff  }
0x177: {  	v26 =	vor.u32 v2, v12;
	v22 =	vld.idx.msk [tilespmem:v16+s29+$0x0], $0xffff;
	v16 =	vadd.s32 $0x6, v4  }
0x178: {  	v13 =	vld.idx.msk [tilespmem:v17+s28+$0x0], $0xffff;
	v16 =	vand.u32 $0x7F, v16  }
0x179: {  	v15 =	vld.idx.msk [tilespmem:v17+s29+$0x0], $0xffff;
	v17 =	vadd.s32 $0x1, v4;
	v29 =	vor.u32 v2, v16  }
0x17a: {  	v23 =	vld.idx.msk [tilespmem:v18+s28+$0x0], $0xffff;
	v16 =	vand.u32 $0x7F, v17  }
0x17b: {  	v24 =	vadd.s32 $0x2, v4;
	v30 =	vadd.s32 $0x3, v4;
	v25 =	vld.idx.msk [tilespmem:v18+s29+$0x0], $0xffff;
	v28 =	vor.u32 v2, v16  }
0x17c: {  	v12 =	vimm.f32 $0.0e+00;
	v18 =	vimm.f32 $0.0e+00;
	v17 =	vand.u32 $0x7F, v24;
	v24 =	vld.idx.msk [tilespmem:v26+s28+$0x0], $0xffff  }
0x17d: {  	s5 =	simm.s32 $0x10;
	v27 =	vor.u32 v2, v17;
	v26 =	vld.idx.msk [tilespmem:v26+s29+$0x0], $0xffff;
	v16 =	vimm.f32 $0.0e+00;
	v17 =	vimm.f32 $0.0e+00  }
.LBB2_15:
0x17e: {  	v31 =	vadd.s32 s5, v6;
	p0 =	sne.s32 s5, $0x70;
	v30 =	vand.u32 $0x7F, v30;
	v32 =	vld.idx.msk [tilespmem:v29+s28+$0x0], $0xffff  }
0x17f: {  	v34 =	vadd.s32 $0x7, v4;
	v33 =	vadd.s32 $0xC, v31;
	v30 =	vor.u32 v2, v30;
	v29 =	vld.idx.msk [tilespmem:v29+s29+$0x0], $0xffff  }
0x180: {  	v35 =	vadd.s32 $0xD, v31;
	v36 =	vadd.s32 $0xE, v31;
	v34 =	vand.u32 $0x7F, v34;
	v37 =	vld.idx.msk [tilespmem:v28+s28+$0x0], $0xffff  }
0x181: {  	v38 =	vadd.s32 $0xB, v4;
	v39 =	vadd.s32 $0xF, v4;
	v4 =	vmovc v31;
	v34 =	vor.u32 v2, v34;
	v28 =	vld.idx.msk [tilespmem:v28+s29+$0x0], $0xffff  }
0x182: {  	v38 =	vand.u32 $0x7F, v38;
	v31 =	vadd.s32 $0x8, v4;
	v40 =	vadd.s32 $0x9, v4;
	v41 =	vld.idx.msk [tilespmem:v27+s28+$0x0], $0xffff  }
0x183: {  	v42 =	vadd.s32 $0x4, v4;
	v43 =	vadd.s32 $0xA, v4;
	v38 =	vor.u32 v2, v38;
	v27 =	vld.idx.msk [tilespmem:v27+s29+$0x0], $0xffff  }
0x184: {  	v39 =	vand.u32 $0x7F, v39;
	v44 =	vand.u32 $0x7F, v4;
	v33 =	vand.u32 $0x7F, v33;
	v45 =	vld.idx.msk [tilespmem:v30+s28+$0x0], $0xffff  }
0x185: {  	v35 =	vand.u32 $0x7F, v35;
	v36 =	vand.u32 $0x7F, v36;
	v39 =	vor.u32 v2, v39;
	v30 =	vld.idx.msk [tilespmem:v30+s29+$0x0], $0xffff  }
0x186: {  	v44 =	vor.u32 v2, v44;
	v31 =	vand.u32 $0x7F, v31;
	v40 =	vand.u32 $0x7F, v40;
	v46 =	vld.idx.msk [tilespmem:v34+s28+$0x0], $0xffff  }
0x187: {  	v8 =	vmul.f32 v8, v7;
	v47 =	vmul.f32 v11, v9;
	v33 =	vor.u32 v2, v33;
	v34 =	vld.idx.msk [tilespmem:v34+s29+$0x0], $0xffff  }
0x188: {  	v19 =	vmul.f32 v21, v19;
	v48 =	vmul.f32 v14, v10;
	v35 =	vor.u32 v2, v35;
	v21 =	vld.idx.msk [tilespmem:v38+s28+$0x0], $0xffff  }
0x189: {  	v14 =	vmul.f32 v22, v20;
	v10 =	vmul.f32 v25, v23;
	v36 =	vor.u32 v2, v36;
	v20 =	vld.idx.msk [tilespmem:v38+s29+$0x0], $0xffff  }
0x18a: {  	v22 =	vor.u32 v2, v31;
	v11 =	vmul.f32 v26, v24;
	v9 =	vmul.f32 v28, v37;
	v23 =	vld.idx.msk [tilespmem:v39+s28+$0x0], $0xffff  }
0x18b: {  	v24 =	vor.u32 v2, v40;
	v25 =	vmul.f32 v27, v41;
	v26 =	vmul.f32 v30, v45;
	v27 =	vld.idx.msk [tilespmem:v39+s29+$0x0], $0xffff  }
0x18c: {  	v12 =	vadd.f32 v8, v12;
	v28 =	vmul.f32 v29, v32;
	v18 =	vadd.f32 v9, v18;
	v7 =	vld.idx.msk [tilespmem:v44+s28+$0x0], $0xffff  }
0x18d: {  	v16 =	vadd.f32 v25, v16;
	v17 =	vadd.f32 v26, v17;
	v25 =	vmul.f32 v34, v46;
	v8 =	vld.idx.msk [tilespmem:v44+s29+$0x0], $0xffff  }
0x18e: {  	v13 =	vmul.f32 v15, v13;
	v12 =	vadd.f32 v10, v12;
	v18 =	vadd.f32 v11, v18;
	v9 =	vld.idx.msk [tilespmem:v33+s28+$0x0], $0xffff  }
0x18f: {  	v15 =	vadd.f32 v28, v16;
	v16 =	vadd.f32 v25, v17;
	v17 =	vmul.f32 v20, v21;
	v11 =	vld.idx.msk [tilespmem:v33+s29+$0x0], $0xffff  }
0x190: {  	v12 =	vadd.f32 v19, v12;
	v19 =	vmul.f32 v5, v3;
	v18 =	vadd.f32 v14, v18;
	v10 =	vld.idx.msk [tilespmem:v35+s28+$0x0], $0xffff  }
0x191: {  	v13 =	vadd.f32 v13, v15;
	v15 =	vadd.f32 v17, v16;
	v17 =	vmul.f32 v27, v23;
	v14 =	vld.idx.msk [tilespmem:v35+s29+$0x0], $0xffff  }
0x192: {  	v5 =	vand.u32 $0x7F, v43;
	v12 =	vadd.f32 v47, v12;
	v18 =	vadd.f32 v48, v18;
	v3 =	vld.idx.msk [tilespmem:v36+s28+$0x0], $0xffff  }
0x193: {  	v23 =	vor.u32 v2, v5;
	v16 =	vadd.f32 v19, v13;
	v17 =	vadd.f32 v17, v15;
	v5 =	vld.idx.msk [tilespmem:v36+s29+$0x0], $0xffff  }
0x194: {  	v13 =	vand.u32 $0x7F, v42;
	v19 =	vld.idx.msk [tilespmem:v22+s28+$0x0], $0xffff  }
0x195: {  	v25 =	vor.u32 v2, v13;
	v13 =	vadd.s32 $0x5, v4;
	v21 =	vld.idx.msk [tilespmem:v22+s29+$0x0], $0xffff  }
0x196: {  	v13 =	vand.u32 $0x7F, v13;
	v20 =	vld.idx.msk [tilespmem:v24+s28+$0x0], $0xffff  }
0x197: {  	v26 =	vor.u32 v2, v13;
	v13 =	vadd.s32 $0x6, v4;
	v22 =	vld.idx.msk [tilespmem:v24+s29+$0x0], $0xffff  }
0x198: {  	v15 =	vand.u32 $0x7F, v13;
	v13 =	vld.idx.msk [tilespmem:v23+s28+$0x0], $0xffff  }
.Ltmp6:
0x199: {  	v29 =	vor.u32 v2, v15;
	v24 =	vadd.s32 $0x1, v4;
	v15 =	vld.idx.msk [tilespmem:v23+s29+$0x0], $0xffff;
	(pc) =	sbr.rel @p0 .LBB2_15-.Ltmp6, $4  }
0x19a: {  	v24 =	vand.u32 $0x7F, v24;
	v23 =	vld.idx.msk [tilespmem:v25+s28+$0x0], $0xffff  }
0x19b: {  	v28 =	vor.u32 v2, v24;
	v24 =	vadd.s32 $0x2, v4;
	v25 =	vld.idx.msk [tilespmem:v25+s29+$0x0], $0xffff  }
0x19c: {  	v27 =	vand.u32 $0x7F, v24;
	v24 =	vld.idx.msk [tilespmem:v26+s28+$0x0], $0xffff  }
0x19d: {  	s5 =	sadd.s32 $0x10, s5;
	v30 =	vadd.s32 $0x3, v4;
	v27 =	vor.u32 v2, v27;
	v26 =	vld.idx.msk [tilespmem:v26+s29+$0x0], $0xffff  }
0x19e: {  	_ =	sdelay $0x3  }
0x19f: {  	v6 =	vand.u32 $0x7F, v30;
	v38 =	vld.idx.msk [tilespmem:v29+s28+$0x0], $0xffff  }
0x1a0: {  	v39 =	vld.idx.msk [tilespmem:v29+s29+$0x0], $0xffff;
	v31 =	vadd.s32 $0x7, v4;
	v6 =	vor.u32 v2, v6  }
0x1a1: {  	v32 =	vld.idx.msk [tilespmem:v28+s28+$0x0], $0xffff;
	v31 =	vand.u32 $0x7F, v31  }
0x1a2: {  	v40 =	vld.idx.msk [tilespmem:v28+s29+$0x0], $0xffff;
	v33 =	vadd.s32 $0xB, v4;
	v31 =	vor.u32 v2, v31  }
0x1a3: {  	v34 =	vld.idx.msk [tilespmem:v27+s28+$0x0], $0xffff;
	v33 =	vand.u32 $0x7F, v33  }
0x1a4: {  	v41 =	vadd.s32 $0xF, v4;
	v42 =	vld.idx.msk [tilespmem:v27+s29+$0x0], $0xffff;
	v33 =	vor.u32 v2, v33  }
0x1a5: {  	v4 =	vand.u32 $0x7F, v41;
	v35 =	vld.idx.msk [tilespmem:v6+s28+$0x0], $0xffff  }
0x1a6: {  	v2 =	vor.u32 v2, v4;
	v6 =	vld.idx.msk [tilespmem:v6+s29+$0x0], $0xffff  }
0x1a7: {  	v7 =	vmul.f32 v8, v7;
	v43 =	vld.idx.msk [tilespmem:v31+s28+$0x0], $0xffff  }
0x1a8: {  	v44 =	vmul.f32 v11, v9;
	v46 =	vmul.f32 v21, v19;
	v45 =	vld.idx.msk [tilespmem:v31+s29+$0x0], $0xffff  }
0x1a9: {  	v10 =	vmul.f32 v14, v10;
	v20 =	vmul.f32 v22, v20;
	v47 =	vld.idx.msk [tilespmem:v33+s28+$0x0], $0xffff  }
0x1aa: {  	v48 =	vmul.f32 v25, v23;
	v50 =	vmul.f32 v40, v32;
	v49 =	vld.idx.msk [tilespmem:v33+s29+$0x0], $0xffff  }
0x1ab: {  	v7 =	vadd.f32 v7, v12;
	v53 =	vmul.f32 v42, v34;
	v52 =	vld.idx.msk [tilespmem:v2+s28+$0x0], $0xffff;
	v6 =	vmul.f32 v6, v35  }
0x1ac: {  	v51 =	vmul.f32 v26, v24;
	v55 =	vmul.f32 v39, v38;
	v2 =	vld.idx.msk [tilespmem:v2+s29+$0x0], $0xffff;
	v54 =	vadd.f32 v50, v18  }
0x1ad: {  	v16 =	vadd.f32 v53, v16;
	v4 =	vmul.f32 v45, v43;
	v6 =	vadd.f32 v6, v17  }
0x1ae: {  	v57 =	vmul.f32 v15, v13;
	v7 =	vadd.f32 v48, v7;
	v56 =	vadd.f32 v51, v54  }
0x1af: {  	v58 =	vadd.f32 v55, v16;
	v59 =	vmul.f32 v49, v47;
	v4 =	vadd.f32 v4, v6  }
0x1b0: {  	v3 =	vmul.f32 v5, v3;
	v7 =	vadd.f32 v46, v7;
	v9 =	vadd.f32 v20, v56  }
0x1b1: {  	v60 =	vadd.f32 v57, v58;
	v2 =	vmul.f32 v2, v52;
	v4 =	vadd.f32 v59, v4  }
0x1b2: {  	v61 =	vadd.f32 v44, v7;
	v62 =	vadd.f32 v10, v9  }
0x1b3: {  	v3 =	vadd.f32 v3, v60;
	v2 =	vadd.f32 v2, v4;
	_ =	sdelay $0x1  }
0x1b4: {  	s0 =	sadd.s32 $0x1, s0;
	v63 =	vadd.f32 v62, v61;
	v2 =	vadd.f32 v2, v3  }
0x1b5: {  	p0 =	sne.s32 s0, $0x8  }
.Ltmp7:
0x1b6: {  	v2 =	vadd.f32 v2, v63;
	(pc) =	sbr.rel @p0 .LBB2_14-.Ltmp7, $3  }
0x1b7: {  	_ = 	snop  }
0x1b8: {  	v2 =	vadd.f32 v2, v1;
	_ =	sdelay $0x1  }
0x1b9: {  	[tilespmem:s18+$0x10600] =	vst v2  }
0x1ba: {  	s3 =	sadd.s32 $0x1, s3  }
0x1bb: {  	p0 =	sne.s32 s3, s15  }
.Ltmp8:
0x1bc: {  	s0 =	simm.s32 $0x10480;
	(pc) =	sbr.rel @p0 .LBB2_1-.Ltmp8, $4  }
0x1bd: {  	[hbm4b:s14+s4] =	stream.linear.scatter [tilespmem:s0], [sflag:$0x3], $0x200, $0x38;
	[tilespmem:$0x10680] =	vst v63  }
0x1be: {  	_ =	swait.ge [sflag:s17], $0x200  }
0x1bf: {  	[sflag:s17] =	ssyncset.done $0x0  }
0x1c0: {  	[sflag:s17] =	ssyncadd.s32 $0xFFFFFE00  }
0x1c1: {  	_ =	sfence.sel $0x180000  }
0x1c2: {  	[bflag:$0x0] =	sbarrier.arrive $0xFFFF  }
0x1c3: {  	_ =	strace $0x90000047  }
0x1c4: {  	s0 =	stileid.u32;
	[bflag:$0x2] =	sbarrier.arrive $0xFFFF  }
0x1c5: {  	p0 =	sne.s32 s0, $0x0;
	s0 =	rddreg [dreg:$0x5]  }
0x1c6: {  	s0 =	sadd.s32 @!p0 $0x100000, s0  }
0x1c7: {  	[sflag:s0] =	ssyncadd.tile.s32 @!p0 $0x1;
	_ =	shalt  }
.Lfunc_end2:
_tile_overlayer_lowered:
.L_overlay_start_2:
0x1c8: {  	(tag) =	ssettag $0x2  }
0x1c9: {  	s0 =	rddreg [dreg:$0x0];
	s2 =	stileid.u32  }
0x1ca: {  	s1 =	rddreg [dreg:$0x1];
	p0 =	sne.s32 s2, $0x0  }
0x1cb: {  	s3 =	rddreg [dreg:$0x2];
	[bflag:$0x3] =	sbarrier.arrive $0xFFFF;
	s2 =	simm.s32 @!p0 $0x1C03  }
0x1cc: {  	[timem:s3], [sflag:s2] =	dma.local @!p0 [hbm:s0], s1  }
0x1cd: {  	s0 =	simm.s32 @!p0 $0x3  }
0x1ce: {  	_ =	swait.ge @!p0 [sflag:s0], s1  }
0x1cf: {  	s1 =	ssub.s32 @!p0 $0x0, s1;
	[sflag:s0] =	ssyncset.done @!p0 $0x0  }
0x1d0: {  	[sflag:s0] =	ssyncadd.s32 @!p0 s1  }
0x1d1: {  	[bflag:$0x3] =	sbarrier.arrive $0xFFFF  }
0x1d2: {  	_ =	shalt  }

// kernel: kernel.7.cloned.1.call-start
scs
__scs_entry_jumppad:
0x0: {  	(pc) =	sbr.rel $0x88, $3  }
0x1: {  	(tag) =	ssettag $0x0;
	lr =	simm.s32 $0x1  }
0x2: {  	[smem:$0x3F9A] =	sst lr;
	_ =	strace $0xD0000000  }
0x3: {  	_ = 	snop  }
0x4: {  	_ = 	snop  }
0x5: {  	_ = 	snop  }
0x6: {  	_ = 	snop  }
0x7: {  	_ = 	snop  }
__scs_overlays_trampoline_lowered:
0x8: {  	[smem:$0x3FA9] =	sst s0  }
0x9: {  	[smem:$0x3FAA] =	sst s1  }
0xa: {  	[smem:$0x3FAB] =	sst s2  }
0xb: {  	[smem:$0x3FAC] =	sst s3  }
0xc: {  	[smem:$0x3FAD] =	sst s4  }
0xd: {  	[smem:$0x3FAE] =	sst s5  }
0xe: {  	[smem:$0x3FAF] =	sst s6  }
0xf: {  	[smem:$0x3FB0] =	sst s7  }
0x10: {  	[smem:$0x3FB1] =	sst s8  }
0x11: {  	[smem:$0x3FB2] =	sst s9;
	s0 =	simm.s32 @!p0 $0x0  }
0x12: {  	s1 =	sld [smem:$0x3F98];
	s0 =	simm.s32 @p0 $0x1  }
0x13: {  	[smem:$0x3FB3] =	sst s0;
	s0 =	simm.s32 @!p1 $0x0  }
0x14: {  	s2 =	sld [smem:$0x3F97];
	s0 =	simm.s32 @p1 $0x1  }
0x15: {  	[smem:$0x3FB4] =	sst s0;
	s0 =	simm.s32 @!p2 $0x0  }
0x16: {  	s3 =	sld [smem:$0x3FDB];
	s0 =	simm.s32 @p2 $0x1  }
0x17: {  	s4 =	simm.s32 $0x1BF5;
	[smem:$0x3FB6] =	sst s0  }
0x18: {  	s0 =	sld [smem:$0x3F99];
	_ =	swait.ge [sflag:s4], $0x0  }
0x19: {  	s7 =	sld [smem:$0x3F9A]  }
0x1a: {  	s8 =	sadd.s32 $0xFFFFE003, lr  }
0x1b: {  	s9 =	sadd.s32 $0xFFFFFEF7, lr;
	s5 =	simm.s32 $0xFFFFFFFF;
	p2 =	slt.u32 s8, $0xFFFFF086  }
0x1c: {  	p1 =	slt.u32 s9, $0xF7A;
	s5 =	simm.s32 @!p2 $0x0  }
0x1d: {  	s5 =	simm.s32 @p1 $0x1;
	p0 =	seq.s32 s7, s2  }
0x1e: {  	s7 =	smul.u32 @!p0 $0xF7A, s2;
	p2 =	seq.s32 @!p0 s5, $0x0  }
0x1f: {  	s9 =	smul.u32 $0xF7A, s1;
	s8 =	simm.s32 @!p0 $0x1BF5;
	p2 =	por !p2, p0  }
0x20: {  	[sflag:s8] =	ssyncset.s32 @!p0 $0xFFFFF086;
	s6 =	sadd.s32 @!p0 s3, s7;
	s7 =	simm.s32 @!p0 $0x108  }
0x21: {  	s3 =	sadd.s32 s3, s9;
	s6 =	sadd.s32 @!p0 $0x88, s6;
	s7 =	simm.s32 @p2 $0x1082  }
0x22: {  	[simem:s7], [sflag:s8] =	dma.local @!p0 [hbm:s6], $0xF7A  }
0x23: {  	s9 =	sor.u32 $0xD0000000, s2;
	s6 =	simm.s32 $0x108;
	_ =	swait.ge @!p0 [sflag:s8], $0x0  }
0x24: {  	s3 =	sadd.s32 $0x88, s3;
	s6 =	simm.s32 @!p1 $0x1082;
	[sflag:s4] =	ssyncset.s32 $0xFFFFF086  }
0x25: {  	[simem:s6], [sflag:s4] =	dma.local [hbm:s3], $0xF7A  }
0x26: {  	[smem:$0x3F9A] =	sst s1;
	(tag) =	ssettag s2;
	_ =	strace s9  }
0x27: {  	s1 =	sld [smem:$0x3FAA]  }
0x28: {  	s2 =	sld [smem:$0x3FAB]  }
0x29: {  	s4 =	sld [smem:$0x3FAD]  }
0x2a: {  	p0 =	seq.s32 s5, $0x0;
	s5 =	sld [smem:$0x3FAE]  }
0x2b: {  	s6 =	sld [smem:$0x3FAF]  }
0x2c: {  	s7 =	sld [smem:$0x3FB0]  }
0x2d: {  	s3 =	simm.s32 $0x108;
	s8 =	sld [smem:$0x3FB1]  }
0x2e: {  	s3 =	simm.s32 @!p0 $0x1082;
	s9 =	sld [smem:$0x3FB2]  }
0x2f: {  	lr =	sadd.s32 s0, s3;
	s0 =	sld [smem:$0x3FA9]  }
0x30: {  	s3 =	sld [smem:$0x3FAC]  }
0x31: {  	[smem:$0x3FB5] =	sst s10  }
0x32: {  	s10 =	sld [smem:$0x3FB3];
	_ =	sdelay $0x3  }
0x33: {  	p0 =	seq.s32 s10, $0x1;
	s10 =	sld [smem:$0x3FB5];
	_ =	sdelay $0x3  }
0x34: {  	[smem:$0x3FB5] =	sst s10  }
0x35: {  	s10 =	sld [smem:$0x3FB4];
	_ =	sdelay $0x3  }
0x36: {  	p1 =	seq.s32 s10, $0x1;
	s10 =	sld [smem:$0x3FB5];
	_ =	sdelay $0x3  }
0x37: {  	[smem:$0x3FB5] =	sst s10  }
0x38: {  	s10 =	sld [smem:$0x3FB6]  }
0x39: {  	_ = 	snop;
	(pc) =	sbr.ind lr, $3  }
0x3a: {  	_ = 	snop  }
0x3b: {  	_ = 	snop  }
0x3c: {  	p2 =	seq.s32 s10, $0x1;
	s10 =	sld [smem:$0x3FB5]  }
0x3d: {  	_ =	shalt  }
0x3e: {  	_ =	shalt  }
0x3f: {  	_ =	shalt  }
0x40: {  	_ =	shalt  }
0x41: {  	_ =	shalt  }
0x42: {  	_ =	shalt  }
0x43: {  	_ =	shalt  }
0x44: {  	_ =	shalt  }
0x45: {  	_ =	shalt  }
0x46: {  	_ =	shalt  }
0x47: {  	_ =	shalt  }
0x48: {  	_ =	shalt  }
0x49: {  	_ =	shalt  }
0x4a: {  	_ =	shalt  }
0x4b: {  	_ =	shalt  }
0x4c: {  	_ =	shalt  }
0x4d: {  	_ =	shalt  }
0x4e: {  	_ =	shalt  }
0x4f: {  	_ =	shalt  }
0x50: {  	_ =	shalt  }
0x51: {  	_ =	shalt  }
0x52: {  	_ =	shalt  }
0x53: {  	_ =	shalt  }
0x54: {  	_ =	shalt  }
0x55: {  	_ =	shalt  }
0x56: {  	_ =	shalt  }
0x57: {  	_ =	shalt  }
0x58: {  	_ =	shalt  }
0x59: {  	_ =	shalt  }
0x5a: {  	_ =	shalt  }
0x5b: {  	_ =	shalt  }
0x5c: {  	_ =	shalt  }
0x5d: {  	_ =	shalt  }
0x5e: {  	_ =	shalt  }
0x5f: {  	_ =	shalt  }
0x60: {  	_ =	shalt  }
0x61: {  	_ =	shalt  }
0x62: {  	_ =	shalt  }
0x63: {  	_ =	shalt  }
0x64: {  	_ =	shalt  }
0x65: {  	_ =	shalt  }
0x66: {  	_ =	shalt  }
0x67: {  	_ =	shalt  }
0x68: {  	_ =	shalt  }
0x69: {  	_ =	shalt  }
0x6a: {  	_ =	shalt  }
0x6b: {  	_ =	shalt  }
0x6c: {  	_ =	shalt  }
0x6d: {  	_ =	shalt  }
0x6e: {  	_ =	shalt  }
0x6f: {  	_ =	shalt  }
0x70: {  	_ =	shalt  }
0x71: {  	_ =	shalt  }
0x72: {  	_ =	shalt  }
0x73: {  	_ =	shalt  }
0x74: {  	_ =	shalt  }
0x75: {  	_ =	shalt  }
0x76: {  	_ =	shalt  }
0x77: {  	_ =	shalt  }
0x78: {  	_ =	shalt  }
0x79: {  	_ =	shalt  }
0x7a: {  	_ =	shalt  }
0x7b: {  	_ =	shalt  }
0x7c: {  	_ =	shalt  }
0x7d: {  	_ =	shalt  }
0x7e: {  	_ =	shalt  }
0x7f: {  	_ =	shalt  }
0x80: {  	_ =	shalt  }
0x81: {  	_ =	shalt  }
0x82: {  	_ =	shalt  }
0x83: {  	_ =	shalt  }
0x84: {  	_ =	shalt  }
0x85: {  	_ =	shalt  }
0x86: {  	_ =	shalt  }
0x87: {  	_ =	shalt  }
.Lfunc_end0:
.L_simem_size_0:
called_computation.1_lowered:
.L_overlay_start_0:
0x88: {  	s2 =	sld [smem:$0x3FD9]  }
0x89: {  	s3 =	sld [smem:$0x3FFE];
	_ =	sdelay $0x1  }
0x8a: {  	s1 =	srdreg.scid  }
0x8b: {  	s0 =	sand.u32 $0x1, s1  }
0x8c: {  	s17 =	sshll.u32 s0, $0xA;
	s2 =	sadd.s32 s3, s2  }
0x8d: {  	s2 =	sadd.s32 s2, s17  }
0x8e: {  	[smem:$0x3FC1] =	sst s2  }
0x8f: {  	_ = 	snop  }
0x90: {  	s2 =	sld [smem:$0x3FC9]  }
0x91: {  	s18 =	sld [smem:$0x3FC8]  }
0x92: {  	s4 =	sld [smem:$0x3FD0];
	(tm) =	ssettm $0x1  }
0x93: {  	s5 =	sld [smem:$0x3FFB];
	_ =	sdelay $0x3  }
0x94: {  	_ =	strace s5  }
0x95: {  	s5 =	sld [smem:$0x3FFC];
	_ =	sdelay $0x3  }
0x96: {  	_ =	strace s5  }
0x97: {  	s5 =	sld [smem:$0x3FFD];
	_ =	sdelay $0x3  }
0x98: {  	_ =	strace s5  }
0x99: {  	_ =	strace $0x8FFFFFFF  }
0x9a: {  	s19 =	sld [smem:$0x3FDB];
	_ =	sdelay $0x1  }
0x9b: {  	s6 =	simm.s32 $_scs_section_size  }
0x9c: {  	s7 =	simm.s32 $_size__tile_overlayer_lowered;
	s8 =	simm.s32 $_tile_overlayer_lowered  }
0x9d: {  	s22 =	simm.s32 $0x1BFF;
	s21 =	sshll.u32 s8, $0x1;
	s5 =	sadd.s32 s6, s19  }
0x9e: {  	s9 =	simm.s32 $0x0;
	s20 =	sshll.u32 s7, $0x1;
	s7 =	sadd.s32 s21, s5  }
0x9f: {  	[timem:s9], [sflag:s22] =	dma.local [hbm:s7], s20  }
0xa0: {  	_ =	swait.ge [sflag:s22], s20  }
0xa1: {  	s6 =	ssub.s32 $0x0, s20;
	[sflag:s22] =	ssyncset.done $0x0  }
0xa2: {  	[sflag:s22] =	ssyncadd.s32 s6;
	_ =	sdelay $0x1  }
0xa3: {  	s23 =	simm.s32 $0x1B8B  }
0xa4: {  	_ =	swait.ge [sflag:s23], $0x1  }
0xa5: {  	[sflag:s23] =	ssyncset.done $0x0  }
0xa6: {  	s25 =	simm.s32 $0x1B8E;
	s24 =	sld [smem:$0x3FFE];
	[sflag:s23] =	ssyncadd.s32 $0xFFFFFFFF  }
0xa7: {  	s26 =	simm.s32 $execute0_lowered;
	[smem:$0x3FD2] =	sst s25  }
0xa8: {  	s7 =	sshll.u32 s26, $0x1;
	_ =	strace $0x80000049;
	[dreg:$0x1] =	wrdreg $0xFFFFFFFF  }
0xa9: {  	s28 =	simm.s32 $_size_execute0_lowered;
	s5 =	sadd.s32 s5, s7;
	[dreg:$0x0] =	wrdreg $0x0  }
0xaa: {  	s7 =	sshll.u32 s28, $0x1;
	[dreg:$0x2] =	wrdreg s5  }
0xab: {  	[dreg:$0x3] =	wrdreg s7  }
0xac: {  	[dreg:$0x4] =	wrdreg $0xC0  }
0xad: {  	_ =	task [dreg:s9], $0x5FFFF  }
0xae: {  	[dreg:$0x1] =	wrdreg $0xFFFFFFFF  }
0xaf: {  	[dreg:$0x0] =	wrdreg $0x60  }
0xb0: {  	[dreg:$0x2] =	wrdreg s2  }
0xb1: {  	[dreg:$0x3] =	wrdreg s18  }
0xb2: {  	[dreg:$0x4] =	wrdreg s24  }
0xb3: {  	[dreg:$0x5] =	wrdreg s4  }
0xb4: {  	[dreg:$0x6] =	wrdreg $0x9  }
0xb5: {  	_ =	task.clear_ibuf [dreg:s9], $0x7FFFF;
	_ =	strace $0x90000049  }
0xb6: {  	s29 =	simm.s32 $0x9;
	_ =	strace $0x8000004B  }
0xb7: {  	_ =	swait.ge [sflag:s29], $0x1  }
0xb8: {  	[sflag:s29] =	ssyncadd.s32 $0xFFFFFFFF  }
0xb9: {  	_ =	strace $0x9000004B  }
0xba: {  	_ =	sfence  }
0xbb: {  	s30 =	sld [smem:$0x0];
	_ =	sdelay $0x2  }
0xbc: {  	s31 =	sshll.u32 s1, $0xD;
	s1 =	sshrl.u32 s1, $0x2  }
0xbd: {  	s3 =	sand.u32 $0x4000, s31;
	s1 =	sadd.s32 s1, s30  }
0xbe: {  	s0 =	sor.u32 s3, s0;
	s1 =	sshll.u32 s1, $0x11  }
0xbf: {  	s0 =	sor.u32 s1, s0  }
0xc0: {  	s0 =	sadd.s32 $0x8F2B, s0  }
0xc1: {  	[sflag:s0] =	ssyncadd.remote.s32 $0x1  }
0xc2: {  	_ =	sfence.sel $0xFFFF  }
0xc3: {  	[dreg:$0x0] =	wrdreg $0xFFFFFFFF;
	(pc) =	sbr.abs _section_cstart, $3  }
0xc4: {  	[dreg:$0x1] =	wrdreg $0xFFFFFFFF  }
0xc5: {  	_ =	task.clear_ibuf [dreg:s9], $0x2FFFF;
	_ =	strace $0x9FFFFFFF  }
0xc6: {  	(tm) =	ssettm $0x7FFFFFFF  }
0xc7: {  	_ =	shalt  }
tec
execute0_lowered:
.L_overlay_start_1:
0x0: {  	(tag) =	ssettag $0x1  }
0x1: {  	s0 =	rddreg [dreg:$0x0]  }
0x2: {  	s1 =	rddreg [dreg:$0x1]  }
0x3: {  	s4 =	rddreg [dreg:$0x2]  }
0x4: {  	s14 =	rddreg [dreg:$0x3];
	s3 =	srdreg.scid  }
0x5: {  	s2 =	simm.s32 $0x0;
	s5 =	stileid.u32;
	s17 =	simm.s32 $0x200  }
0x6: {  	s18 =	simm.s32 $0x80;
	s19 =	simm.s32 $0x280;
	s20 =	simm.s32 $0x100  }
0x7: {  	s21 =	simm.s32 $0x300;
	s22 =	simm.s32 $0x180;
	s23 =	simm.s32 $0x380  }
0x8: {  	s24 =	simm.s32 $0x1;
	s25 =	simm.s32 $0x2;
	s26 =	simm.s32 $0x3  }
0x9: {  	s28 =	simm.s32 $0x0;
	s3 =	sand.u32 $0x1, s3;
	[smem:$0x7FF] =	sst s2  }
0xa: {  	s5 =	sshll.u32 s5, $0x7;
	s6 =	sshll.u32 s3, $0x6;
	_ =	strace $0x8000004A  }
0xb: {  	s31 =	ssub.s32 $0x2, s3;
	s3 =	sadd.s32 $0x3E00, s4;
	s15 =	sor.u32 s6, s5  }
0xc: {  	s7 =	sshrl.u32 s31, $0x1;
	s6 =	sadd.s32 s15, s4;
	s4 =	sadd.s32 $0xC00, s4  }
0xd: {  	s16 =	ssub.s32 s31, s7;
	s7 =	sadd.s32 s1, s15;
	s9 =	sor.u32 $0x10, s15  }
0xe: {  	s11 =	sor.u32 $0x20, s15;
	s13 =	sor.u32 $0x30, s15;
	s14 =	sadd.s32 s14, s15  }
0xf: {  	s5 =	sadd.s32 $0x400, s6;
	s6 =	sadd.s32 s0, s15;
	s8 =	sadd.s32 s0, s9  }
0x10: {  	s9 =	sadd.s32 s1, s9;
	s10 =	sadd.s32 s0, s11;
	s11 =	sadd.s32 s1, s11  }
0x11: {  	s12 =	sadd.s32 s0, s13;
	s13 =	sadd.s32 s1, s13;
	s15 =	smax.u32 s16, $0x1  }
0x12: {  	s16 =	simm.s32 $0x400;
	s0 =	simm.s32 $0x780;
	s1 =	simm.s32 $0x980  }
.LBB2_1:
0x13: {  	[tilespmem:s16], [sflag:$0x1] =	stream.linear.gather [hbm4b:s5+s2], $0x200, $0x38;
	[tilespmem:$0xA00] =	vst v63  }
0x14: {  	_ = 	snop  }
0x15: {  	[tilespmem:s2], [sflag:$0x1] =	stream.linear.gather [hbm4b:s6+s2], $0x80, $0x38;
	[tilespmem:$0xA00] =	vst v63  }
0x16: {  	_ = 	snop  }
0x17: {  	[tilespmem:s17], [sflag:$0x1] =	stream.linear.gather [hbm4b:s7+s2], $0x80, $0x38;
	[tilespmem:$0xA00] =	vst v63  }
0x18: {  	_ = 	snop  }
0x19: {  	[tilespmem:s18], [sflag:$0x1] =	stream.linear.gather [hbm4b:s8+s2], $0x80, $0x38;
	[tilespmem:$0xA00] =	vst v63  }
0x1a: {  	_ = 	snop  }
0x1b: {  	[tilespmem:s19], [sflag:$0x1] =	stream.linear.gather [hbm4b:s9+s2], $0x80, $0x38;
	[tilespmem:$0xA00] =	vst v63  }
0x1c: {  	_ = 	snop  }
0x1d: {  	[tilespmem:s20], [sflag:$0x1] =	stream.linear.gather [hbm4b:s10+s2], $0x80, $0x38;
	[tilespmem:$0xA00] =	vst v63  }
0x1e: {  	_ = 	snop  }
0x1f: {  	[tilespmem:s21], [sflag:$0x1] =	stream.linear.gather [hbm4b:s11+s2], $0x80, $0x38;
	[tilespmem:$0xA00] =	vst v63  }
0x20: {  	_ = 	snop  }
0x21: {  	[tilespmem:s22], [sflag:$0x1] =	stream.linear.gather [hbm4b:s12+s2], $0x80, $0x38;
	[tilespmem:$0xA00] =	vst v63  }
0x22: {  	_ = 	snop  }
0x23: {  	[tilespmem:s23], [sflag:$0x1] =	stream.linear.gather [hbm4b:s13+s2], $0x80, $0x38;
	[tilespmem:$0xA00] =	vst v63  }
0x24: {  	_ =	swait.ge [sflag:s24], $0x80  }
0x25: {  	[sflag:s24] =	ssyncset.done $0x0  }
0x26: {  	[sflag:s24] =	ssyncadd.s32 $0xFFFFFF80  }
0x27: {  	_ =	swait.ge [sflag:s24], $0x80  }
0x28: {  	[sflag:s24] =	ssyncset.done $0x0  }
0x29: {  	[sflag:s24] =	ssyncadd.s32 $0xFFFFFF80  }
0x2a: {  	_ =	swait.ge [sflag:s24], $0x80  }
0x2b: {  	[sflag:s24] =	ssyncset.done $0x0  }
0x2c: {  	[sflag:s24] =	ssyncadd.s32 $0xFFFFFF80  }
0x2d: {  	_ =	swait.ge [sflag:s24], $0x80  }
0x2e: {  	[sflag:s24] =	ssyncset.done $0x0  }
0x2f: {  	[sflag:s24] =	ssyncadd.s32 $0xFFFFFF80  }
0x30: {  	_ =	swait.ge [sflag:s24], $0x80  }
0x31: {  	[sflag:s24] =	ssyncset.done $0x0  }
0x32: {  	[sflag:s24] =	ssyncadd.s32 $0xFFFFFF80  }
0x33: {  	_ =	swait.ge [sflag:s24], $0x80  }
0x34: {  	[sflag:s24] =	ssyncset.done $0x0  }
0x35: {  	[sflag:s24] =	ssyncadd.s32 $0xFFFFFF80  }
0x36: {  	_ =	swait.ge [sflag:s24], $0x80  }
0x37: {  	[sflag:s24] =	ssyncset.done $0x0  }
0x38: {  	[sflag:s24] =	ssyncadd.s32 $0xFFFFFF80  }
0x39: {  	_ =	swait.ge [sflag:s24], $0x80  }
0x3a: {  	[sflag:s24] =	ssyncset.done $0x0  }
0x3b: {  	s29 =	simm.s32 $0x600;
	[sflag:s24] =	ssyncadd.s32 $0xFFFFFF80  }
0x3c: {  	[tilespmem:s29], [sflag:$0x2] =	stream.indirect.gather [hbm4b:s3+s18], $0x1, s2, s18, $0xb8;
	[tilespmem:$0xA00] =	vst v63  }
0x3d: {  	s29 =	simm.s32 $0x800  }
0x3e: {  	[tilespmem:s29], [sflag:$0x2] =	stream.indirect.gather [hbm4b:s4+s18], $0x1, s17, s18, $0xb8;
	[tilespmem:$0xA00] =	vst v63  }
0x3f: {  	s29 =	simm.s32 $0x680  }
0x40: {  	[tilespmem:s29], [sflag:$0x2] =	stream.indirect.gather [hbm4b:s3+s18], $0x1, s18, s18, $0xb8;
	[tilespmem:$0xA00] =	vst v63  }
0x41: {  	s29 =	simm.s32 $0x880  }
0x42: {  	[tilespmem:s29], [sflag:$0x2] =	stream.indirect.gather [hbm4b:s4+s18], $0x1, s19, s18, $0xb8;
	[tilespmem:$0xA00] =	vst v63  }
0x43: {  	s29 =	simm.s32 $0x700  }
0x44: {  	[tilespmem:s29], [sflag:$0x2] =	stream.indirect.gather [hbm4b:s3+s18], $0x1, s20, s18, $0xb8;
	[tilespmem:$0xA00] =	vst v63  }
0x45: {  	s29 =	simm.s32 $0x900  }
0x46: {  	[tilespmem:s29], [sflag:$0x2] =	stream.indirect.gather [hbm4b:s4+s18], $0x1, s21, s18, $0xb8;
	[tilespmem:$0xA00] =	vst v63  }
0x47: {  	_ = 	snop  }
0x48: {  	[tilespmem:s0], [sflag:$0x2] =	stream.indirect.gather [hbm4b:s3+s18], $0x1, s22, s18, $0xb8;
	[tilespmem:$0xA00] =	vst v63  }
0x49: {  	_ = 	snop  }
0x4a: {  	[tilespmem:s1], [sflag:$0x2] =	stream.indirect.gather [hbm4b:s4+s18], $0x1, s23, s18, $0xb8;
	[tilespmem:$0xA00] =	vst v63  }
0x4b: {  	_ =	swait.ge [sflag:s24], $0x200  }
0x4c: {  	[sflag:s24] =	ssyncset.done $0x0  }
0x4d: {  	[sflag:s24] =	ssyncadd.s32 $0xFFFFFE00  }
0x4e: {  	_ =	swait.ge [sflag:s25], $0x80  }
0x4f: {  	[sflag:s25] =	ssyncset.done $0x0  }
0x50: {  	[sflag:s25] =	ssyncadd.s32 $0xFFFFFF80  }
0x51: {  	_ =	swait.ge [sflag:s25], $0x80  }
0x52: {  	[sflag:s25] =	ssyncset.done $0x0  }
0x53: {  	[sflag:s25] =	ssyncadd.s32 $0xFFFFFF80  }
0x54: {  	_ =	swait.ge [sflag:s25], $0x80  }
0x55: {  	[sflag:s25] =	ssyncset.done $0x0  }
0x56: {  	[sflag:s25] =	ssyncadd.s32 $0xFFFFFF80  }
0x57: {  	_ =	swait.ge [sflag:s25], $0x80  }
0x58: {  	[sflag:s25] =	ssyncset.done $0x0  }
0x59: {  	[sflag:s25] =	ssyncadd.s32 $0xFFFFFF80  }
0x5a: {  	_ =	swait.ge [sflag:s25], $0x80  }
0x5b: {  	[sflag:s25] =	ssyncset.done $0x0  }
0x5c: {  	[sflag:s25] =	ssyncadd.s32 $0xFFFFFF80  }
0x5d: {  	_ =	swait.ge [sflag:s25], $0x80  }
0x5e: {  	[sflag:s25] =	ssyncset.done $0x0  }
0x5f: {  	[sflag:s25] =	ssyncadd.s32 $0xFFFFFF80  }
0x60: {  	_ =	swait.ge [sflag:s25], $0x80  }
0x61: {  	[sflag:s25] =	ssyncset.done $0x0  }
0x62: {  	[sflag:s25] =	ssyncadd.s32 $0xFFFFFF80  }
0x63: {  	_ =	swait.ge [sflag:s25], $0x80  }
0x64: {  	[sflag:s25] =	ssyncset.done $0x0  }
0x65: {  	s29 =	simm.s32 $0x0;
	[sflag:s25] =	ssyncadd.s32 $0xFFFFFF80  }
0x66: {  	s30 =	simm.s32 $0x40;
	v0 =	vld [tilespmem:s29+$0x600]  }
.LBB2_2:
0x67: {  	p0 =	sne.s32 s30, $0x7C0;
	v1 =	vld [tilespmem:s29+$0x400];
	_ =	sdelay $0x1  }
0x68: {  	v2 =	vld [tilespmem:s29+$0x800];
	_ =	sdelay $0x2  }
.Ltmp0:
0x69: {  	v0 =	vadd.f32 v0, v1;
	(pc) =	sbr.rel @p0 .LBB2_2-.Ltmp0, $4  }
0x6a: {  	_ = 	snop  }
0x6b: {  	v1 =	vadd.f32 v2, v0  }
0x6c: {  	s31 =	sshra.s32 s30, $0x2  }
0x6d: {  	s30 =	sadd.s32 $0x40, s30;
	v0 =	vld [tilespmem:s31+$0x600];
	[tilespmem:s29+$0x400] =	vst v1;
	s29 =	smov.u32 s31  }
0x6e: {  	v1 =	vld [tilespmem:s29+$0x400];
	_ =	sdelay $0x1  }
0x6f: {  	v2 =	vld [tilespmem:s29+$0x800];
	_ =	sdelay $0x2  }
0x70: {  	v0 =	vadd.f32 v0, v1;
	_ =	sdelay $0x1  }
0x71: {  	s28 =	sadd.s32 $0x1, s28;
	v0 =	vadd.f32 v2, v0  }
0x72: {  	p0 =	sne.s32 s28, s15  }
.Ltmp1:
0x73: {  	[tilespmem:s29+$0x400] =	vst v0;
	(pc) =	sbr.rel @p0 .LBB2_1-.Ltmp1, $4  }
0x74: {  	[hbm4b:s14+s2] =	stream.linear.scatter [tilespmem:s16], [sflag:$0x3], $0x200, $0x38;
	[tilespmem:$0xA00] =	vst v63  }
0x75: {  	_ =	swait.ge [sflag:s26], $0x200  }
0x76: {  	[sflag:s26] =	ssyncset.done $0x0  }
0x77: {  	[sflag:s26] =	ssyncadd.s32 $0xFFFFFE00  }
0x78: {  	_ =	sfence.sel $0x180000  }
0x79: {  	[bflag:$0x0] =	sbarrier.arrive $0xFFFF  }
0x7a: {  	_ =	strace $0x9000004A  }
0x7b: {  	s0 =	stileid.u32;
	[bflag:$0x2] =	sbarrier.arrive $0xFFFF  }
0x7c: {  	p0 =	sne.s32 s0, $0x0;
	s0 =	rddreg [dreg:$0x4]  }
0x7d: {  	s0 =	sadd.s32 @!p0 $0x100000, s0  }
0x7e: {  	[sflag:s0] =	ssyncadd.tile.s32 @!p0 $0x1;
	_ =	shalt  }
.Lfunc_end2:
_tile_overlayer_lowered:
.L_overlay_start_2:
0x7f: {  	(tag) =	ssettag $0x2  }
0x80: {  	s0 =	rddreg [dreg:$0x0];
	s2 =	stileid.u32  }
0x81: {  	s1 =	rddreg [dreg:$0x1];
	p0 =	sne.s32 s2, $0x0  }
0x82: {  	s3 =	rddreg [dreg:$0x2];
	[bflag:$0x3] =	sbarrier.arrive $0xFFFF;
	s2 =	simm.s32 @!p0 $0x1C03  }
0x83: {  	[timem:s3], [sflag:s2] =	dma.local @!p0 [hbm:s0], s1  }
0x84: {  	s0 =	simm.s32 @!p0 $0x3  }
0x85: {  	_ =	swait.ge @!p0 [sflag:s0], s1  }
0x86: {  	s1 =	ssub.s32 @!p0 $0x0, s1;
	[sflag:s0] =	ssyncset.done @!p0 $0x0  }
0x87: {  	[sflag:s0] =	ssyncadd.s32 @!p0 s1  }
0x88: {  	[bflag:$0x3] =	sbarrier.arrive $0xFFFF  }
0x89: {  	_ =	shalt  }

</sc_bundles>
